<compile_context>
chip_gen: v7x
topology: tpu7x:2x2x1
jax: 0.10.2.dev20260603
libtpu: 0.0.44.dev20260713+nightly
codegen_flags: <defaults>
</compile_context>

<pallas_src>
import functools

import jax
import jax.numpy as jnp
from jax import lax
from jax.experimental import pallas as pl
from jax.experimental.pallas import tpu as pltpu
from jax.experimental.pallas import tpu_sc as plsc

N = 10000
E = 320000
D = 128
N2 = 10240
R = 2560
GRID = N2 // R
NC, NS = 2, 16
K = 125
CH = 80
CHH = CH // 2
RPT = N2 // NS
WB = 80


def _mesh():
    return plsc.VectorSubcoreMesh(
        core_axis_name="c", subcore_axis_name="s",
        num_cores=NC, num_subcores=NS)


def _sc_degree(dst2):

    @functools.partial(
        pl.kernel,
        out_type=jax.ShapeDtypeStruct((NC, N2), jnp.float32),
        mesh=_mesh(),
        scratch_types=[
            pltpu.VMEM((CH, K), jnp.int32),
            pltpu.VMEM((128,), jnp.float32),
            pltpu.VMEM((RPT,), jnp.float32),
            pltpu.VMEM_SHARED((N2,), jnp.float32),
        ],
    )
    def body(dst_hbm, deg_out, didx, ones_v, buf_v, deg_sp):
        cid = lax.axis_index("c")
        sid = lax.axis_index("s")
        tid = cid * NS + sid
        for i in range(8):
            ones_v[pl.ds(i * 16, 16)] = jnp.full((16,), 1.0, jnp.float32)

        def zb(i, _):
            buf_v[pl.ds(i * 16, 16)] = jnp.zeros((16,), jnp.float32)
            return 0

        lax.fori_loop(0, RPT // 16, zb, 0)
        pltpu.sync_copy(buf_v, deg_sp.at[pl.ds(sid * RPT, RPT)])
        pltpu.sync_copy(dst_hbm.at[pl.ds(tid * CH, CH)], didx)
        plsc.subcore_barrier()

        def step(j, _):
            pltpu.sync_copy(ones_v.at[pl.ds(0, K)], deg_sp.at[didx.at[j]],
                            add=True)
            return 0

        lax.fori_loop(0, CH, step, 0)
        plsc.subcore_barrier()
        pltpu.sync_copy(deg_sp.at[pl.ds(sid * RPT, RPT)],
                        deg_out.at[cid, pl.ds(sid * RPT, RPT)])

    return body(dst2)


def _sc_aggregate(src2, dst2, hs, zblk):

    @functools.partial(
        pl.kernel,
        out_type=jax.ShapeDtypeStruct((NC, N2, D), jnp.float32),
        mesh=_mesh(),
        scratch_types=[
            pltpu.VMEM((CHH, K), jnp.int32),
            pltpu.VMEM((CHH, K), jnp.int32),
            pltpu.VMEM((K, D), jnp.float32),
            pltpu.VMEM((K, D), jnp.float32),
            pltpu.VMEM_SHARED((N2, D), jnp.float32),
            pltpu.SemaphoreType.DMA,
            pltpu.SemaphoreType.DMA,
            pltpu.SemaphoreType.DMA,
            pltpu.SemaphoreType.DMA,
        ],
    )
    def body(src_hbm, dst_hbm, hs_hbm, z_hbm, p_out,
             sidx, didx, r0, r1, acc_sp, gs0, gs1, ss0, ss1):
        cid = lax.axis_index("c")
        sid = lax.axis_index("s")
        tid = cid * NS + sid
        rows = (r0, r1)
        pltpu.sync_copy(src_hbm.at[pl.ds(tid * CH, CHH)], sidx)
        pltpu.async_copy(hs_hbm.at[sidx.at[0]], r0, gs0)
        pltpu.sync_copy(dst_hbm.at[pl.ds(tid * CH, CHH)], didx)
        pltpu.sync_copy(z_hbm, r1.at[pl.ds(0, WB)])
        for k in range(RPT // WB):
            pltpu.sync_copy(r1.at[pl.ds(0, WB)],
                            acc_sp.at[pl.ds(sid * RPT + k * WB, WB)])
        plsc.subcore_barrier()

        for h in range(2):
            if h == 1:
                pltpu.sync_copy(
                    src_hbm.at[pl.ds(tid * CH + CHH, CHH)], sidx)
                pltpu.sync_copy(
                    dst_hbm.at[pl.ds(tid * CH + CHH, CHH)], didx)
                pltpu.async_copy(hs_hbm.at[sidx.at[0]], r0, gs0)

            def step(g, _):
                even = (g % 2) == 0
                nxt = g + 1

                @pl.when((g >= 1) & even)
                def _():
                    pltpu.make_async_copy(
                        r1, acc_sp.at[didx.at[g - 1]], ss1).wait()

                @pl.when((g >= 1) & jnp.logical_not(even))
                def _():
                    pltpu.make_async_copy(
                        r0, acc_sp.at[didx.at[g - 1]], ss0).wait()

                @pl.when((nxt < CHH) & even)
                def _():
                    pltpu.async_copy(hs_hbm.at[sidx.at[nxt]], r1, gs1)

                @pl.when((nxt < CHH) & jnp.logical_not(even))
                def _():
                    pltpu.async_copy(hs_hbm.at[sidx.at[nxt]], r0, gs0)

                @pl.when(even)
                def _():
                    pltpu.make_async_copy(
                        hs_hbm.at[sidx.at[g]], r0, gs0).wait()
                    pltpu.async_copy(r0, acc_sp.at[didx.at[g]], ss0, add=True)

                @pl.when(jnp.logical_not(even))
                def _():
                    pltpu.make_async_copy(
                        hs_hbm.at[sidx.at[g]], r1, gs1).wait()
                    pltpu.async_copy(r1, acc_sp.at[didx.at[g]], ss1, add=True)

                return 0

            lax.fori_loop(0, CHH, step, 0)
            pltpu.make_async_copy(r1, acc_sp.at[didx.at[CHH - 1]], ss1).wait()
        plsc.subcore_barrier()
        pltpu.sync_copy(acc_sp.at[pl.ds(sid * RPT, RPT)],
                        p_out.at[cid, pl.ds(sid * RPT, RPT)])

    return body(src2, dst2, hs, zblk)


def _tc_prescale(x_p, W1, degp3):
    def body(x_ref, w_ref, degp_ref, hs_ref, dinv_ref):
        deg = degp_ref[0] + degp_ref[1] + 1.0
        dinv = lax.rsqrt(deg)
        h = jnp.dot(x_ref[...], w_ref[...], preferred_element_type=jnp.float32)
        hs_ref[...] = h * dinv
        dinv_ref[...] = dinv

    return pl.pallas_call(
        body,
        grid=(GRID,),
        in_specs=[
            pl.BlockSpec((R, D), lambda i: (i, 0)),
            pl.BlockSpec((D, D), lambda i: (0, 0)),
            pl.BlockSpec((NC, R, 1), lambda i: (0, i, 0)),
        ],
        out_specs=[
            pl.BlockSpec((R, D), lambda i: (i, 0)),
            pl.BlockSpec((R, 1), lambda i: (i, 0)),
        ],
        out_shape=[
            jax.ShapeDtypeStruct((N2, D), jnp.float32),
            jax.ShapeDtypeStruct((N2, 1), jnp.float32),
        ],
    )(x_p, W1, degp3)


def _tc_layer_mid(p, hs1, dinv, b1, W2):
    def body(p_ref, hs_ref, dinv_ref, b_ref, w_ref, out_ref):
        agg = p_ref[0] + p_ref[1] + hs_ref[...]
        o1 = jnp.maximum(agg * dinv_ref[...] + b_ref[...], 0.0)
        out_ref[...] = jnp.dot(
            o1, w_ref[...], preferred_element_type=jnp.float32) * dinv_ref[...]

    return pl.pallas_call(
        body,
        grid=(GRID,),
        in_specs=[
            pl.BlockSpec((NC, R, D), lambda i: (0, i, 0)),
            pl.BlockSpec((R, D), lambda i: (i, 0)),
            pl.BlockSpec((R, 1), lambda i: (i, 0)),
            pl.BlockSpec((1, D), lambda i: (0, 0)),
            pl.BlockSpec((D, D), lambda i: (0, 0)),
        ],
        out_specs=pl.BlockSpec((R, D), lambda i: (i, 0)),
        out_shape=jax.ShapeDtypeStruct((N2, D), jnp.float32),
    )(p, hs1, dinv, b1, W2)


def _tc_final(q, hs2, dinv, b2):
    def body(q_ref, hs_ref, dinv_ref, b_ref, out_ref):
        agg = q_ref[0] + q_ref[1] + hs_ref[...]
        out_ref[...] = agg * dinv_ref[...] + b_ref[...]

    return pl.pallas_call(
        body,
        grid=(GRID,),
        in_specs=[
            pl.BlockSpec((NC, R, D), lambda i: (0, i, 0)),
            pl.BlockSpec((R, D), lambda i: (i, 0)),
            pl.BlockSpec((R, 1), lambda i: (i, 0)),
            pl.BlockSpec((1, D), lambda i: (0, 0)),
        ],
        out_specs=pl.BlockSpec((R, D), lambda i: (i, 0)),
        out_shape=jax.ShapeDtypeStruct((N2, D), jnp.float32),
    )(q, hs2, dinv, b2)


def kernel(x, edge_index, W1, b1, W2, b2):
    ei = edge_index.astype(jnp.int32)
    src_p = ei[0].reshape(NC * NS * CH, K)
    dst_p = ei[1].reshape(NC * NS * CH, K)
    x_p = jnp.pad(x, ((0, N2 - N), (0, 0)))
    zblk = jnp.zeros((WB, D), jnp.float32)

    degp = _sc_degree(dst_p)
    degp3 = degp.reshape(NC, N2, 1)
    hs1, dinv = _tc_prescale(x_p, W1, degp3)
    p = _sc_aggregate(src_p, dst_p, hs1, zblk)
    hs2 = _tc_layer_mid(p, hs1, dinv, b1.reshape(1, D), W2)
    q = _sc_aggregate(src_p, dst_p, hs2, zblk)
    out = _tc_final(q, hs2, dinv, b2.reshape(1, D))
    return out[:N]

# --- scband reference (transcript-rebuilt; emitter-appended) ---
"""Pipeline reference for scband-gnnmodel-80487687127268 (READ-ONLY COPY).

The authoritative reference and input builder live on the scoring server;
editing this copy changes nothing except your own understanding.
"""

import jax, jax.numpy as jnp
import numpy as np

N_NODES = 10000
N_EDGES = 320000
D_IN = 128
D_HID = 128
D_OUT = 128


def setup_inputs(seed: int = 0) -> dict:
    key = jax.random.key(seed)
    k1, k2, k3, k4, k5, k6 = jax.random.split(key, 6)
    x = jax.random.normal(k1, (N_NODES, D_IN), dtype=jnp.float32)
    edge_index = jax.random.randint(k2, (2, N_EDGES), 0, N_NODES, dtype=jnp.int64)
    W1 = jax.random.normal(k3, (D_IN, D_HID), dtype=jnp.float32) * 0.05
    b1 = jnp.zeros((D_HID,), dtype=jnp.float32)
    W2 = jax.random.normal(k4, (D_HID, D_OUT), dtype=jnp.float32) * 0.05
    b2 = jnp.zeros((D_OUT,), dtype=jnp.float32)
    return {"x": x, "edge_index": edge_index, "W1": W1, "b1": b1, "W2": W2, "b2": b2}


def _gcn_conv(x, src, dst, W, b):
    # x' = D^{-1/2} (A + I) D^{-1/2} (X W) + b, with self-loops already appended to src/dst
    n = x.shape[0]
    h = x @ W
    ones = jnp.ones(src.shape[0], dtype=x.dtype)
    deg = jnp.zeros(n, dtype=x.dtype).at[dst].add(ones)
    deg_inv_sqrt = jnp.where(deg > 0, jax.lax.rsqrt(jnp.maximum(deg, 1e-12)), 0.0)
    norm = deg_inv_sqrt[src] * deg_inv_sqrt[dst]
    msg = h[src] * norm[:, None]
    out = jnp.zeros((n, W.shape[1]), dtype=x.dtype).at[dst].add(msg)
    return out + b


def reference(x, edge_index, W1, b1, W2, b2):
    n = x.shape[0]
    loop = jnp.arange(n, dtype=edge_index.dtype)
    src = jnp.concatenate([edge_index[0], loop])
    dst = jnp.concatenate([edge_index[1], loop])
    h = _gcn_conv(x, src, dst, W1, b1)
    h = jax.nn.relu(h)
    # dropout is identity at inference time
    out = _gcn_conv(h, src, dst, W2, b2)
    return out

if __name__ == "__main__":
    import jax
    _d = setup_inputs()
    print(jax.jit(kernel)(*tuple(_d.values())))

</pallas_src>

<mosaic_0001>
#map = affine_map<(d0, d1) -> (0, 0)>
#map1 = affine_map<(d0, d1) -> (0, 0, 0)>
module attributes {stable_mosaic.version = 14 : i64} {
  func.func @body(%arg0: i32, %arg1: i32, %arg2: memref<2560x125xi32, #tpu.memory_space<hbm>>, %arg3: memref<2560x125xi32, #tpu.memory_space<hbm>>, %arg4: memref<10240x128xf32, #tpu.memory_space<hbm>>, %arg5: memref<80x128xf32, #tpu.memory_space<hbm>>, %arg6: memref<2x10240x128xf32, #tpu.memory_space<hbm>>, %arg7: memref<40x125xi32, #tpu.memory_space<vmem>>, %arg8: memref<40x125xi32, #tpu.memory_space<vmem>>, %arg9: memref<125x128xf32, #tpu.memory_space<vmem>>, %arg10: memref<125x128xf32, #tpu.memory_space<vmem>>, %arg11: memref<10240x128xf32, #tpu.memory_space<vmem_shared>>, %arg12: memref<!tpu.dma_semaphore, #tpu.memory_space<semaphore_mem>>, %arg13: memref<!tpu.dma_semaphore, #tpu.memory_space<semaphore_mem>>, %arg14: memref<!tpu.dma_semaphore, #tpu.memory_space<semaphore_mem>>, %arg15: memref<!tpu.dma_semaphore, #tpu.memory_space<semaphore_mem>>) attributes {dimension_semantics = [#tpu.dimension_semantics<core_parallel>, #tpu.dimension_semantics<subcore_parallel>], iteration_bounds = array<i64: 2, 16>, scalar_prefetch = 0 : i64, scratch_operands = 9 : i64, tpu.core_type = #tpu.core_type<sc_vector_subcore>, window_params = [{transform_indices = #map}, {transform_indices = #map}, {transform_indices = #map}, {transform_indices = #map}, {transform_indices = #map1}]} {
    %mul3A = arith.constant 16 : i32
    %mul3A_0 = arith.muli %arg0, %mul3A : i32
    %add3A = arith.addi %mul3A_0, %arg1 : i32
    %mul3A_1 = arith.constant 80 : i32
    %mul3A_2 = arith.muli %add3A, %mul3A_1 : i32
    "tpu.region"() ({
      %run_scoped3A = tpu.sem_alloc : memref<!tpu.dma_semaphore, #tpu.memory_space<semaphore_mem>>
      %dma_start3A_89 = arith.constant 0 : i32
      %dma_start3A_90 = tpu.memref_slice %arg2[%mul3A_2, %dma_start3A_89] : memref<2560x125xi32, #tpu.memory_space<hbm>> -> memref<40x125xi32, #tpu.memory_space<hbm>>
      %dma_start3A_91 = arith.constant 0 : i32
      %dma_start3A_92 = tpu.memref_slice %arg2[%mul3A_2, %dma_start3A_91] : memref<2560x125xi32, #tpu.memory_space<hbm>> -> memref<40x125xi32, #tpu.memory_space<hbm>>
      tpu.enqueue_dma source(%dma_start3A_92 : memref<40x125xi32, #tpu.memory_space<hbm>>) target(%arg7 : memref<40x125xi32, #tpu.memory_space<vmem>>) target_semaphore(%run_scoped3A : memref<!tpu.dma_semaphore, #tpu.memory_space<semaphore_mem>>)
      %dma_wait3A_93 = arith.constant 0 : i32
      %dma_wait3A_94 = tpu.memref_slice %arg2[%mul3A_2, %dma_wait3A_93] : memref<2560x125xi32, #tpu.memory_space<hbm>> -> memref<40x125xi32, #tpu.memory_space<hbm>>
      %dma_wait3A_95 = arith.constant 0 : i32
      %dma_wait3A_96 = tpu.memref_slice %arg2[%mul3A_2, %dma_wait3A_95] : memref<2560x125xi32, #tpu.memory_space<hbm>> -> memref<40x125xi32, #tpu.memory_space<hbm>>
      tpu.wait_dma2 semaphore(%run_scoped3A : memref<!tpu.dma_semaphore, #tpu.memory_space<semaphore_mem>>) src(%dma_wait3A_96 : memref<40x125xi32, #tpu.memory_space<hbm>>) dst(%arg7 : memref<40x125xi32, #tpu.memory_space<vmem>>)
      tpu.yield
    }) : () -> ()
    %dma_start3A = arith.constant 0 : i32
    %dma_start3A_3 = arith.constant 0 : i32
    %dma_start3A_4 = tpu.memref_slice %arg7[%dma_start3A, %dma_start3A_3] : memref<40x125xi32, #tpu.memory_space<vmem>> -> memref<1x125xi32, #tpu.memory_space<vmem>>
    %dma_start3A_5 = tpu.memref_squeeze %dma_start3A_4 : memref<1x125xi32, #tpu.memory_space<vmem>> -> memref<125xi32, #tpu.memory_space<vmem>>
    %dma_start3A_6 = arith.constant 0 : i32
    %dma_start3A_7 = arith.constant 0 : i32
    %dma_start3A_8 = tpu.memref_slice %arg4[%dma_start3A_6, %dma_start3A_7] : memref<10240x128xf32, #tpu.memory_space<hbm>> -> memref<10240x128xf32, #tpu.memory_space<hbm>>
    tpu.enqueue_indirect_dma source(%dma_start3A_8 : memref<10240x128xf32, #tpu.memory_space<hbm>>) target(%arg9 : memref<125x128xf32, #tpu.memory_space<vmem>>) offsets(%dma_start3A_5 : memref<125xi32, #tpu.memory_space<vmem>>) semaphore(%arg12 : memref<!tpu.dma_semaphore, #tpu.memory_space<semaphore_mem>>)
    %mul3A_9 = arith.constant 80 : i32
    %mul3A_10 = arith.muli %add3A, %mul3A_9 : i32
    "tpu.region"() ({
      %run_scoped3A = tpu.sem_alloc : memref<!tpu.dma_semaphore, #tpu.memory_space<semaphore_mem>>
      %dma_start3A_89 = arith.constant 0 : i32
      %dma_start3A_90 = tpu.memref_slice %arg3[%mul3A_10, %dma_start3A_89] : memref<2560x125xi32, #tpu.memory_space<hbm>> -> memref<40x125xi32, #tpu.memory_space<hbm>>
      %dma_start3A_91 = arith.constant 0 : i32
      %dma_start3A_92 = tpu.memref_slice %arg3[%mul3A_10, %dma_start3A_91] : memref<2560x125xi32, #tpu.memory_space<hbm>> -> memref<40x125xi32, #tpu.memory_space<hbm>>
      tpu.enqueue_dma source(%dma_start3A_92 : memref<40x125xi32, #tpu.memory_space<hbm>>) target(%arg8 : memref<40x125xi32, #tpu.memory_space<vmem>>) target_semaphore(%run_scoped3A : memref<!tpu.dma_semaphore, #tpu.memory_space<semaphore_mem>>)
      %dma_wait3A_93 = arith.constant 0 : i32
      %dma_wait3A_94 = tpu.memref_slice %arg3[%mul3A_10, %dma_wait3A_93] : memref<2560x125xi32, #tpu.memory_space<hbm>> -> memref<40x125xi32, #tpu.memory_space<hbm>>
      %dma_wait3A_95 = arith.constant 0 : i32
      %dma_wait3A_96 = tpu.memref_slice %arg3[%mul3A_10, %dma_wait3A_95] : memref<2560x125xi32, #tpu.memory_space<hbm>> -> memref<40x125xi32, #tpu.memory_space<hbm>>
      tpu.wait_dma2 semaphore(%run_scoped3A : memref<!tpu.dma_semaphore, #tpu.memory_space<semaphore_mem>>) src(%dma_wait3A_96 : memref<40x125xi32, #tpu.memory_space<hbm>>) dst(%arg8 : memref<40x125xi32, #tpu.memory_space<vmem>>)
      tpu.yield
    }) : () -> ()
    "tpu.region"() ({
      %run_scoped3A = tpu.sem_alloc : memref<!tpu.dma_semaphore, #tpu.memory_space<semaphore_mem>>
      %dma_start3A_89 = arith.constant 0 : i32
      %dma_start3A_90 = arith.constant 0 : i32
      %dma_start3A_91 = tpu.memref_slice %arg10[%dma_start3A_89, %dma_start3A_90] : memref<125x128xf32, #tpu.memory_space<vmem>> -> memref<80x128xf32, #tpu.memory_space<vmem>>
      %dma_start3A_92 = arith.constant 0 : i32
      %dma_start3A_93 = arith.constant 0 : i32
      %dma_start3A_94 = tpu.memref_slice %arg10[%dma_start3A_92, %dma_start3A_93] : memref<125x128xf32, #tpu.memory_space<vmem>> -> memref<80x128xf32, #tpu.memory_space<vmem>>
      tpu.enqueue_dma source(%arg5 : memref<80x128xf32, #tpu.memory_space<hbm>>) target(%dma_start3A_94 : memref<80x128xf32, #tpu.memory_space<vmem>>) target_semaphore(%run_scoped3A : memref<!tpu.dma_semaphore, #tpu.memory_space<semaphore_mem>>)
      %dma_wait3A_95 = arith.constant 0 : i32
      %dma_wait3A_96 = arith.constant 0 : i32
      %dma_wait3A_97 = tpu.memref_slice %arg10[%dma_wait3A_95, %dma_wait3A_96] : memref<125x128xf32, #tpu.memory_space<vmem>> -> memref<80x128xf32, #tpu.memory_space<vmem>>
      %dma_wait3A_98 = arith.constant 0 : i32
      %dma_wait3A_99 = arith.constant 0 : i32
      %dma_wait3A_100 = tpu.memref_slice %arg10[%dma_wait3A_98, %dma_wait3A_99] : memref<125x128xf32, #tpu.memory_space<vmem>> -> memref<80x128xf32, #tpu.memory_space<vmem>>
      tpu.wait_dma2 semaphore(%run_scoped3A : memref<!tpu.dma_semaphore, #tpu.memory_space<semaphore_mem>>) src(%arg5 : memref<80x128xf32, #tpu.memory_space<hbm>>) dst(%dma_wait3A_100 : memref<80x128xf32, #tpu.memory_space<vmem>>)
      tpu.yield
    }) : () -> ()
    %mul3A_11 = arith.constant 640 : i32
    %mul3A_12 = arith.muli %arg1, %mul3A_11 : i32
    %add3A_13 = arith.constant 0 : i32
    %add3A_14 = arith.addi %mul3A_12, %add3A_13 : i32
    "tpu.region"() ({
      %run_scoped3A = tpu.sem_alloc : memref<!tpu.dma_semaphore, #tpu.memory_space<semaphore_mem>>
      %dma_start3A_89 = arith.constant 0 : i32
      %dma_start3A_90 = arith.constant 0 : i32
      %dma_start3A_91 = tpu.memref_slice %arg10[%dma_start3A_89, %dma_start3A_90] : memref<125x128xf32, #tpu.memory_space<vmem>> -> memref<80x128xf32, #tpu.memory_space<vmem>>
      %dma_start3A_92 = arith.constant 0 : i32
      %dma_start3A_93 = tpu.memref_slice %arg11[%add3A_14, %dma_start3A_92] : memref<10240x128xf32, #tpu.memory_space<vmem_shared>> -> memref<80x128xf32, #tpu.memory_space<vmem_shared>>
      %dma_start3A_94 = arith.constant 0 : i32
      %dma_start3A_95 = tpu.memref_slice %arg11[%add3A_14, %dma_start3A_94] : memref<10240x128xf32, #tpu.memory_space<vmem_shared>> -> memref<80x128xf32, #tpu.memory_space<vmem_shared>>
      %dma_start3A_96 = arith.constant 0 : i32
      %dma_start3A_97 = arith.constant 0 : i32
      %dma_start3A_98 = tpu.memref_slice %arg10[%dma_start3A_96, %dma_start3A_97] : memref<125x128xf32, #tpu.memory_space<vmem>> -> memref<80x128xf32, #tpu.memory_space<vmem>>
      tpu.enqueue_dma source(%dma_start3A_98 : memref<80x128xf32, #tpu.memory_space<vmem>>) target(%dma_start3A_95 : memref<80x128xf32, #tpu.memory_space<vmem_shared>>) target_semaphore(%run_scoped3A : memref<!tpu.dma_semaphore, #tpu.memory_space<semaphore_mem>>)
      %dma_wait3A_99 = arith.constant 0 : i32
      %dma_wait3A_100 = arith.constant 0 : i32
      %dma_wait3A_101 = tpu.memref_slice %arg10[%dma_wait3A_99, %dma_wait3A_100] : memref<125x128xf32, #tpu.memory_space<vmem>> -> memref<80x128xf32, #tpu.memory_space<vmem>>
      %dma_wait3A_102 = arith.constant 0 : i32
      %dma_wait3A_103 = tpu.memref_slice %arg11[%add3A_14, %dma_wait3A_102] : memref<10240x128xf32, #tpu.memory_space<vmem_shared>> -> memref<80x128xf32, #tpu.memory_space<vmem_shared>>
      %dma_wait3A_104 = arith.constant 0 : i32
      %dma_wait3A_105 = tpu.memref_slice %arg11[%add3A_14, %dma_wait3A_104] : memref<10240x128xf32, #tpu.memory_space<vmem_shared>> -> memref<80x128xf32, #tpu.memory_space<vmem_shared>>
      %dma_wait3A_106 = arith.constant 0 : i32
      %dma_wait3A_107 = arith.constant 0 : i32
      %dma_wait3A_108 = tpu.memref_slice %arg10[%dma_wait3A_106, %dma_wait3A_107] : memref<125x128xf32, #tpu.memory_space<vmem>> -> memref<80x128xf32, #tpu.memory_space<vmem>>
      tpu.wait_dma2 semaphore(%run_scoped3A : memref<!tpu.dma_semaphore, #tpu.memory_space<semaphore_mem>>) src(%dma_wait3A_108 : memref<80x128xf32, #tpu.memory_space<vmem>>) dst(%dma_wait3A_105 : memref<80x128xf32, #tpu.memory_space<vmem_shared>>)
      tpu.yield
    }) : () -> ()
    %mul3A_15 = arith.constant 640 : i32
    %mul3A_16 = arith.muli %arg1, %mul3A_15 : i32
    %add3A_17 = arith.constant 80 : i32
    %add3A_18 = arith.addi %mul3A_16, %add3A_17 : i32
    "tpu.region"() ({
      %run_scoped3A = tpu.sem_alloc : memref<!tpu.dma_semaphore, #tpu.memory_space<semaphore_mem>>
      %dma_start3A_89 = arith.constant 0 : i32
      %dma_start3A_90 = arith.constant 0 : i32
      %dma_start3A_91 = tpu.memref_slice %arg10[%dma_start3A_89, %dma_start3A_90] : memref<125x128xf32, #tpu.memory_space<vmem>> -> memref<80x128xf32, #tpu.memory_space<vmem>>
      %dma_start3A_92 = arith.constant 0 : i32
      %dma_start3A_93 = tpu.memref_slice %arg11[%add3A_18, %dma_start3A_92] : memref<10240x128xf32, #tpu.memory_space<vmem_shared>> -> memref<80x128xf32, #tpu.memory_space<vmem_shared>>
      %dma_start3A_94 = arith.constant 0 : i32
      %dma_start3A_95 = tpu.memref_slice %arg11[%add3A_18, %dma_start3A_94] : memref<10240x128xf32, #tpu.memory_space<vmem_shared>> -> memref<80x128xf32, #tpu.memory_space<vmem_shared>>
      %dma_start3A_96 = arith.constant 0 : i32
      %dma_start3A_97 = arith.constant 0 : i32
      %dma_start3A_98 = tpu.memref_slice %arg10[%dma_start3A_96, %dma_start3A_97] : memref<125x128xf32, #tpu.memory_space<vmem>> -> memref<80x128xf32, #tpu.memory_space<vmem>>
      tpu.enqueue_dma source(%dma_start3A_98 : memref<80x128xf32, #tpu.memory_space<vmem>>) target(%dma_start3A_95 : memref<80x128xf32, #tpu.memory_space<vmem_shared>>) target_semaphore(%run_scoped3A : memref<!tpu.dma_semaphore, #tpu.memory_space<semaphore_mem>>)
      %dma_wait3A_99 = arith.constant 0 : i32
      %dma_wait3A_100 = arith.constant 0 : i32
      %dma_wait3A_101 = tpu.memref_slice %arg10[%dma_wait3A_99, %dma_wait3A_100] : memref<125x128xf32, #tpu.memory_space<vmem>> -> memref<80x128xf32, #tpu.memory_space<vmem>>
      %dma_wait3A_102 = arith.constant 0 : i32
      %dma_wait3A_103 = tpu.memref_slice %arg11[%add3A_18, %dma_wait3A_102] : memref<10240x128xf32, #tpu.memory_space<vmem_shared>> -> memref<80x128xf32, #tpu.memory_space<vmem_shared>>
      %dma_wait3A_104 = arith.constant 0 : i32
      %dma_wait3A_105 = tpu.memref_slice %arg11[%add3A_18, %dma_wait3A_104] : memref<10240x128xf32, #tpu.memory_space<vmem_shared>> -> memref<80x128xf32, #tpu.memory_space<vmem_shared>>
      %dma_wait3A_106 = arith.constant 0 : i32
      %dma_wait3A_107 = arith.constant 0 : i32
      %dma_wait3A_108 = tpu.memref_slice %arg10[%dma_wait3A_106, %dma_wait3A_107] : memref<125x128xf32, #tpu.memory_space<vmem>> -> memref<80x128xf32, #tpu.memory_space<vmem>>
      tpu.wait_dma2 semaphore(%run_scoped3A : memref<!tpu.dma_semaphore, #tpu.memory_space<semaphore_mem>>) src(%dma_wait3A_108 : memref<80x128xf32, #tpu.memory_space<vmem>>) dst(%dma_wait3A_105 : memref<80x128xf32, #tpu.memory_space<vmem_shared>>)
      tpu.yield
    }) : () -> ()
    %mul3A_19 = arith.constant 640 : i32
    %mul3A_20 = arith.muli %arg1, %mul3A_19 : i32
    %add3A_21 = arith.constant 160 : i32
    %add3A_22 = arith.addi %mul3A_20, %add3A_21 : i32
    "tpu.region"() ({
      %run_scoped3A = tpu.sem_alloc : memref<!tpu.dma_semaphore, #tpu.memory_space<semaphore_mem>>
      %dma_start3A_89 = arith.constant 0 : i32
      %dma_start3A_90 = arith.constant 0 : i32
      %dma_start3A_91 = tpu.memref_slice %arg10[%dma_start3A_89, %dma_start3A_90] : memref<125x128xf32, #tpu.memory_space<vmem>> -> memref<80x128xf32, #tpu.memory_space<vmem>>
      %dma_start3A_92 = arith.constant 0 : i32
      %dma_start3A_93 = tpu.memref_slice %arg11[%add3A_22, %dma_start3A_92] : memref<10240x128xf32, #tpu.memory_space<vmem_shared>> -> memref<80x128xf32, #tpu.memory_space<vmem_shared>>
      %dma_start3A_94 = arith.constant 0 : i32
      %dma_start3A_95 = tpu.memref_slice %arg11[%add3A_22, %dma_start3A_94] : memref<10240x128xf32, #tpu.memory_space<vmem_shared>> -> memref<80x128xf32, #tpu.memory_space<vmem_shared>>
      %dma_start3A_96 = arith.constant 0 : i32
      %dma_start3A_97 = arith.constant 0 : i32
      %dma_start3A_98 = tpu.memref_slice %arg10[%dma_start3A_96, %dma_start3A_97] : memref<125x128xf32, #tpu.memory_space<vmem>> -> memref<80x128xf32, #tpu.memory_space<vmem>>
      tpu.enqueue_dma source(%dma_start3A_98 : memref<80x128xf32, #tpu.memory_space<vmem>>) target(%dma_start3A_95 : memref<80x128xf32, #tpu.memory_space<vmem_shared>>) target_semaphore(%run_scoped3A : memref<!tpu.dma_semaphore, #tpu.memory_space<semaphore_mem>>)
      %dma_wait3A_99 = arith.constant 0 : i32
      %dma_wait3A_100 = arith.constant 0 : i32
      %dma_wait3A_101 = tpu.memref_slice %arg10[%dma_wait3A_99, %dma_wait3A_100] : memref<125x128xf32, #tpu.memory_space<vmem>> -> memref<80x128xf32, #tpu.memory_space<vmem>>
      %dma_wait3A_102 = arith.constant 0 : i32
      %dma_wait3A_103 = tpu.memref_slice %arg11[%add3A_22, %dma_wait3A_102] : memref<10240x128xf32, #tpu.memory_space<vmem_shared>> -> memref<80x128xf32, #tpu.memory_space<vmem_shared>>
      %dma_wait3A_104 = arith.constant 0 : i32
      %dma_wait3A_105 = tpu.memref_slice %arg11[%add3A_22, %dma_wait3A_104] : memref<10240x128xf32, #tpu.memory_space<vmem_shared>> -> memref<80x128xf32, #tpu.memory_space<vmem_shared>>
      %dma_wait3A_106 = arith.constant 0 : i32
      %dma_wait3A_107 = arith.constant 0 : i32
      %dma_wait3A_108 = tpu.memref_slice %arg10[%dma_wait3A_106, %dma_wait3A_107] : memref<125x128xf32, #tpu.memory_space<vmem>> -> memref<80x128xf32, #tpu.memory_space<vmem>>
      tpu.wait_dma2 semaphore(%run_scoped3A : memref<!tpu.dma_semaphore, #tpu.memory_space<semaphore_mem>>) src(%dma_wait3A_108 : memref<80x128xf32, #tpu.memory_space<vmem>>) dst(%dma_wait3A_105 : memref<80x128xf32, #tpu.memory_space<vmem_shared>>)
      tpu.yield
    }) : () -> ()
    %mul3A_23 = arith.constant 640 : i32
    %mul3A_24 = arith.muli %arg1, %mul3A_23 : i32
    %add3A_25 = arith.constant 240 : i32
    %add3A_26 = arith.addi %mul3A_24, %add3A_25 : i32
    "tpu.region"() ({
      %run_scoped3A = tpu.sem_alloc : memref<!tpu.dma_semaphore, #tpu.memory_space<semaphore_mem>>
      %dma_start3A_89 = arith.constant 0 : i32
      %dma_start3A_90 = arith.constant 0 : i32
      %dma_start3A_91 = tpu.memref_slice %arg10[%dma_start3A_89, %dma_start3A_90] : memref<125x128xf32, #tpu.memory_space<vmem>> -> memref<80x128xf32, #tpu.memory_space<vmem>>
      %dma_start3A_92 = arith.constant 0 : i32
      %dma_start3A_93 = tpu.memref_slice %arg11[%add3A_26, %dma_start3A_92] : memref<10240x128xf32, #tpu.memory_space<vmem_shared>> -> memref<80x128xf32, #tpu.memory_space<vmem_shared>>
      %dma_start3A_94 = arith.constant 0 : i32
      %dma_start3A_95 = tpu.memref_slice %arg11[%add3A_26, %dma_start3A_94] : memref<10240x128xf32, #tpu.memory_space<vmem_shared>> -> memref<80x128xf32, #tpu.memory_space<vmem_shared>>
      %dma_start3A_96 = arith.constant 0 : i32
      %dma_start3A_97 = arith.constant 0 : i32
      %dma_start3A_98 = tpu.memref_slice %arg10[%dma_start3A_96, %dma_start3A_97] : memref<125x128xf32, #tpu.memory_space<vmem>> -> memref<80x128xf32, #tpu.memory_space<vmem>>
      tpu.enqueue_dma source(%dma_start3A_98 : memref<80x128xf32, #tpu.memory_space<vmem>>) target(%dma_start3A_95 : memref<80x128xf32, #tpu.memory_space<vmem_shared>>) target_semaphore(%run_scoped3A : memref<!tpu.dma_semaphore, #tpu.memory_space<semaphore_mem>>)
      %dma_wait3A_99 = arith.constant 0 : i32
      %dma_wait3A_100 = arith.constant 0 : i32
      %dma_wait3A_101 = tpu.memref_slice %arg10[%dma_wait3A_99, %dma_wait3A_100] : memref<125x128xf32, #tpu.memory_space<vmem>> -> memref<80x128xf32, #tpu.memory_space<vmem>>
      %dma_wait3A_102 = arith.constant 0 : i32
      %dma_wait3A_103 = tpu.memref_slice %arg11[%add3A_26, %dma_wait3A_102] : memref<10240x128xf32, #tpu.memory_space<vmem_shared>> -> memref<80x128xf32, #tpu.memory_space<vmem_shared>>
      %dma_wait3A_104 = arith.constant 0 : i32
      %dma_wait3A_105 = tpu.memref_slice %arg11[%add3A_26, %dma_wait3A_104] : memref<10240x128xf32, #tpu.memory_space<vmem_shared>> -> memref<80x128xf32, #tpu.memory_space<vmem_shared>>
      %dma_wait3A_106 = arith.constant 0 : i32
      %dma_wait3A_107 = arith.constant 0 : i32
      %dma_wait3A_108 = tpu.memref_slice %arg10[%dma_wait3A_106, %dma_wait3A_107] : memref<125x128xf32, #tpu.memory_space<vmem>> -> memref<80x128xf32, #tpu.memory_space<vmem>>
      tpu.wait_dma2 semaphore(%run_scoped3A : memref<!tpu.dma_semaphore, #tpu.memory_space<semaphore_mem>>) src(%dma_wait3A_108 : memref<80x128xf32, #tpu.memory_space<vmem>>) dst(%dma_wait3A_105 : memref<80x128xf32, #tpu.memory_space<vmem_shared>>)
      tpu.yield
    }) : () -> ()
    %mul3A_27 = arith.constant 640 : i32
    %mul3A_28 = arith.muli %arg1, %mul3A_27 : i32
    %add3A_29 = arith.constant 320 : i32
    %add3A_30 = arith.addi %mul3A_28, %add3A_29 : i32
    "tpu.region"() ({
      %run_scoped3A = tpu.sem_alloc : memref<!tpu.dma_semaphore, #tpu.memory_space<semaphore_mem>>
      %dma_start3A_89 = arith.constant 0 : i32
      %dma_start3A_90 = arith.constant 0 : i32
      %dma_start3A_91 = tpu.memref_slice %arg10[%dma_start3A_89, %dma_start3A_90] : memref<125x128xf32, #tpu.memory_space<vmem>> -> memref<80x128xf32, #tpu.memory_space<vmem>>
      %dma_start3A_92 = arith.constant 0 : i32
      %dma_start3A_93 = tpu.memref_slice %arg11[%add3A_30, %dma_start3A_92] : memref<10240x128xf32, #tpu.memory_space<vmem_shared>> -> memref<80x128xf32, #tpu.memory_space<vmem_shared>>
      %dma_start3A_94 = arith.constant 0 : i32
      %dma_start3A_95 = tpu.memref_slice %arg11[%add3A_30, %dma_start3A_94] : memref<10240x128xf32, #tpu.memory_space<vmem_shared>> -> memref<80x128xf32, #tpu.memory_space<vmem_shared>>
      %dma_start3A_96 = arith.constant 0 : i32
      %dma_start3A_97 = arith.constant 0 : i32
      %dma_start3A_98 = tpu.memref_slice %arg10[%dma_start3A_96, %dma_start3A_97] : memref<125x128xf32, #tpu.memory_space<vmem>> -> memref<80x128xf32, #tpu.memory_space<vmem>>
      tpu.enqueue_dma source(%dma_start3A_98 : memref<80x128xf32, #tpu.memory_space<vmem>>) target(%dma_start3A_95 : memref<80x128xf32, #tpu.memory_space<vmem_shared>>) target_semaphore(%run_scoped3A : memref<!tpu.dma_semaphore, #tpu.memory_space<semaphore_mem>>)
      %dma_wait3A_99 = arith.constant 0 : i32
      %dma_wait3A_100 = arith.constant 0 : i32
      %dma_wait3A_101 = tpu.memref_slice %arg10[%dma_wait3A_99, %dma_wait3A_100] : memref<125x128xf32, #tpu.memory_space<vmem>> -> memref<80x128xf32, #tpu.memory_space<vmem>>
      %dma_wait3A_102 = arith.constant 0 : i32
      %dma_wait3A_103 = tpu.memref_slice %arg11[%add3A_30, %dma_wait3A_102] : memref<10240x128xf32, #tpu.memory_space<vmem_shared>> -> memref<80x128xf32, #tpu.memory_space<vmem_shared>>
      %dma_wait3A_104 = arith.constant 0 : i32
      %dma_wait3A_105 = tpu.memref_slice %arg11[%add3A_30, %dma_wait3A_104] : memref<10240x128xf32, #tpu.memory_space<vmem_shared>> -> memref<80x128xf32, #tpu.memory_space<vmem_shared>>
      %dma_wait3A_106 = arith.constant 0 : i32
      %dma_wait3A_107 = arith.constant 0 : i32
      %dma_wait3A_108 = tpu.memref_slice %arg10[%dma_wait3A_106, %dma_wait3A_107] : memref<125x128xf32, #tpu.memory_space<vmem>> -> memref<80x128xf32, #tpu.memory_space<vmem>>
      tpu.wait_dma2 semaphore(%run_scoped3A : memref<!tpu.dma_semaphore, #tpu.memory_space<semaphore_mem>>) src(%dma_wait3A_108 : memref<80x128xf32, #tpu.memory_space<vmem>>) dst(%dma_wait3A_105 : memref<80x128xf32, #tpu.memory_space<vmem_shared>>)
      tpu.yield
    }) : () -> ()
    %mul3A_31 = arith.constant 640 : i32
    %mul3A_32 = arith.muli %arg1, %mul3A_31 : i32
    %add3A_33 = arith.constant 400 : i32
    %add3A_34 = arith.addi %mul3A_32, %add3A_33 : i32
    "tpu.region"() ({
      %run_scoped3A = tpu.sem_alloc : memref<!tpu.dma_semaphore, #tpu.memory_space<semaphore_mem>>
      %dma_start3A_89 = arith.constant 0 : i32
      %dma_start3A_90 = arith.constant 0 : i32
      %dma_start3A_91 = tpu.memref_slice %arg10[%dma_start3A_89, %dma_start3A_90] : memref<125x128xf32, #tpu.memory_space<vmem>> -> memref<80x128xf32, #tpu.memory_space<vmem>>
      %dma_start3A_92 = arith.constant 0 : i32
      %dma_start3A_93 = tpu.memref_slice %arg11[%add3A_34, %dma_start3A_92] : memref<10240x128xf32, #tpu.memory_space<vmem_shared>> -> memref<80x128xf32, #tpu.memory_space<vmem_shared>>
      %dma_start3A_94 = arith.constant 0 : i32
      %dma_start3A_95 = tpu.memref_slice %arg11[%add3A_34, %dma_start3A_94] : memref<10240x128xf32, #tpu.memory_space<vmem_shared>> -> memref<80x128xf32, #tpu.memory_space<vmem_shared>>
      %dma_start3A_96 = arith.constant 0 : i32
      %dma_start3A_97 = arith.constant 0 : i32
      %dma_start3A_98 = tpu.memref_slice %arg10[%dma_start3A_96, %dma_start3A_97] : memref<125x128xf32, #tpu.memory_space<vmem>> -> memref<80x128xf32, #tpu.memory_space<vmem>>
      tpu.enqueue_dma source(%dma_start3A_98 : memref<80x128xf32, #tpu.memory_space<vmem>>) target(%dma_start3A_95 : memref<80x128xf32, #tpu.memory_space<vmem_shared>>) target_semaphore(%run_scoped3A : memref<!tpu.dma_semaphore, #tpu.memory_space<semaphore_mem>>)
      %dma_wait3A_99 = arith.constant 0 : i32
      %dma_wait3A_100 = arith.constant 0 : i32
      %dma_wait3A_101 = tpu.memref_slice %arg10[%dma_wait3A_99, %dma_wait3A_100] : memref<125x128xf32, #tpu.memory_space<vmem>> -> memref<80x128xf32, #tpu.memory_space<vmem>>
      %dma_wait3A_102 = arith.constant 0 : i32
      %dma_wait3A_103 = tpu.memref_slice %arg11[%add3A_34, %dma_wait3A_102] : memref<10240x128xf32, #tpu.memory_space<vmem_shared>> -> memref<80x128xf32, #tpu.memory_space<vmem_shared>>
      %dma_wait3A_104 = arith.constant 0 : i32
      %dma_wait3A_105 = tpu.memref_slice %arg11[%add3A_34, %dma_wait3A_104] : memref<10240x128xf32, #tpu.memory_space<vmem_shared>> -> memref<80x128xf32, #tpu.memory_space<vmem_shared>>
      %dma_wait3A_106 = arith.constant 0 : i32
      %dma_wait3A_107 = arith.constant 0 : i32
      %dma_wait3A_108 = tpu.memref_slice %arg10[%dma_wait3A_106, %dma_wait3A_107] : memref<125x128xf32, #tpu.memory_space<vmem>> -> memref<80x128xf32, #tpu.memory_space<vmem>>
      tpu.wait_dma2 semaphore(%run_scoped3A : memref<!tpu.dma_semaphore, #tpu.memory_space<semaphore_mem>>) src(%dma_wait3A_108 : memref<80x128xf32, #tpu.memory_space<vmem>>) dst(%dma_wait3A_105 : memref<80x128xf32, #tpu.memory_space<vmem_shared>>)
      tpu.yield
    }) : () -> ()
    %mul3A_35 = arith.constant 640 : i32
    %mul3A_36 = arith.muli %arg1, %mul3A_35 : i32
    %add3A_37 = arith.constant 480 : i32
    %add3A_38 = arith.addi %mul3A_36, %add3A_37 : i32
    "tpu.region"() ({
      %run_scoped3A = tpu.sem_alloc : memref<!tpu.dma_semaphore, #tpu.memory_space<semaphore_mem>>
      %dma_start3A_89 = arith.constant 0 : i32
      %dma_start3A_90 = arith.constant 0 : i32
      %dma_start3A_91 = tpu.memref_slice %arg10[%dma_start3A_89, %dma_start3A_90] : memref<125x128xf32, #tpu.memory_space<vmem>> -> memref<80x128xf32, #tpu.memory_space<vmem>>
      %dma_start3A_92 = arith.constant 0 : i32
      %dma_start3A_93 = tpu.memref_slice %arg11[%add3A_38, %dma_start3A_92] : memref<10240x128xf32, #tpu.memory_space<vmem_shared>> -> memref<80x128xf32, #tpu.memory_space<vmem_shared>>
      %dma_start3A_94 = arith.constant 0 : i32
      %dma_start3A_95 = tpu.memref_slice %arg11[%add3A_38, %dma_start3A_94] : memref<10240x128xf32, #tpu.memory_space<vmem_shared>> -> memref<80x128xf32, #tpu.memory_space<vmem_shared>>
      %dma_start3A_96 = arith.constant 0 : i32
      %dma_start3A_97 = arith.constant 0 : i32
      %dma_start3A_98 = tpu.memref_slice %arg10[%dma_start3A_96, %dma_start3A_97] : memref<125x128xf32, #tpu.memory_space<vmem>> -> memref<80x128xf32, #tpu.memory_space<vmem>>
      tpu.enqueue_dma source(%dma_start3A_98 : memref<80x128xf32, #tpu.memory_space<vmem>>) target(%dma_start3A_95 : memref<80x128xf32, #tpu.memory_space<vmem_shared>>) target_semaphore(%run_scoped3A : memref<!tpu.dma_semaphore, #tpu.memory_space<semaphore_mem>>)
      %dma_wait3A_99 = arith.constant 0 : i32
      %dma_wait3A_100 = arith.constant 0 : i32
      %dma_wait3A_101 = tpu.memref_slice %arg10[%dma_wait3A_99, %dma_wait3A_100] : memref<125x128xf32, #tpu.memory_space<vmem>> -> memref<80x128xf32, #tpu.memory_space<vmem>>
      %dma_wait3A_102 = arith.constant 0 : i32
      %dma_wait3A_103 = tpu.memref_slice %arg11[%add3A_38, %dma_wait3A_102] : memref<10240x128xf32, #tpu.memory_space<vmem_shared>> -> memref<80x128xf32, #tpu.memory_space<vmem_shared>>
      %dma_wait3A_104 = arith.constant 0 : i32
      %dma_wait3A_105 = tpu.memref_slice %arg11[%add3A_38, %dma_wait3A_104] : memref<10240x128xf32, #tpu.memory_space<vmem_shared>> -> memref<80x128xf32, #tpu.memory_space<vmem_shared>>
      %dma_wait3A_106 = arith.constant 0 : i32
      %dma_wait3A_107 = arith.constant 0 : i32
      %dma_wait3A_108 = tpu.memref_slice %arg10[%dma_wait3A_106, %dma_wait3A_107] : memref<125x128xf32, #tpu.memory_space<vmem>> -> memref<80x128xf32, #tpu.memory_space<vmem>>
      tpu.wait_dma2 semaphore(%run_scoped3A : memref<!tpu.dma_semaphore, #tpu.memory_space<semaphore_mem>>) src(%dma_wait3A_108 : memref<80x128xf32, #tpu.memory_space<vmem>>) dst(%dma_wait3A_105 : memref<80x128xf32, #tpu.memory_space<vmem_shared>>)
      tpu.yield
    }) : () -> ()
    %mul3A_39 = arith.constant 640 : i32
    %mul3A_40 = arith.muli %arg1, %mul3A_39 : i32
    %add3A_41 = arith.constant 560 : i32
    %add3A_42 = arith.addi %mul3A_40, %add3A_41 : i32
    "tpu.region"() ({
      %run_scoped3A = tpu.sem_alloc : memref<!tpu.dma_semaphore, #tpu.memory_space<semaphore_mem>>
      %dma_start3A_89 = arith.constant 0 : i32
      %dma_start3A_90 = arith.constant 0 : i32
      %dma_start3A_91 = tpu.memref_slice %arg10[%dma_start3A_89, %dma_start3A_90] : memref<125x128xf32, #tpu.memory_space<vmem>> -> memref<80x128xf32, #tpu.memory_space<vmem>>
      %dma_start3A_92 = arith.constant 0 : i32
      %dma_start3A_93 = tpu.memref_slice %arg11[%add3A_42, %dma_start3A_92] : memref<10240x128xf32, #tpu.memory_space<vmem_shared>> -> memref<80x128xf32, #tpu.memory_space<vmem_shared>>
      %dma_start3A_94 = arith.constant 0 : i32
      %dma_start3A_95 = tpu.memref_slice %arg11[%add3A_42, %dma_start3A_94] : memref<10240x128xf32, #tpu.memory_space<vmem_shared>> -> memref<80x128xf32, #tpu.memory_space<vmem_shared>>
      %dma_start3A_96 = arith.constant 0 : i32
      %dma_start3A_97 = arith.constant 0 : i32
      %dma_start3A_98 = tpu.memref_slice %arg10[%dma_start3A_96, %dma_start3A_97] : memref<125x128xf32, #tpu.memory_space<vmem>> -> memref<80x128xf32, #tpu.memory_space<vmem>>
      tpu.enqueue_dma source(%dma_start3A_98 : memref<80x128xf32, #tpu.memory_space<vmem>>) target(%dma_start3A_95 : memref<80x128xf32, #tpu.memory_space<vmem_shared>>) target_semaphore(%run_scoped3A : memref<!tpu.dma_semaphore, #tpu.memory_space<semaphore_mem>>)
      %dma_wait3A_99 = arith.constant 0 : i32
      %dma_wait3A_100 = arith.constant 0 : i32
      %dma_wait3A_101 = tpu.memref_slice %arg10[%dma_wait3A_99, %dma_wait3A_100] : memref<125x128xf32, #tpu.memory_space<vmem>> -> memref<80x128xf32, #tpu.memory_space<vmem>>
      %dma_wait3A_102 = arith.constant 0 : i32
      %dma_wait3A_103 = tpu.memref_slice %arg11[%add3A_42, %dma_wait3A_102] : memref<10240x128xf32, #tpu.memory_space<vmem_shared>> -> memref<80x128xf32, #tpu.memory_space<vmem_shared>>
      %dma_wait3A_104 = arith.constant 0 : i32
      %dma_wait3A_105 = tpu.memref_slice %arg11[%add3A_42, %dma_wait3A_104] : memref<10240x128xf32, #tpu.memory_space<vmem_shared>> -> memref<80x128xf32, #tpu.memory_space<vmem_shared>>
      %dma_wait3A_106 = arith.constant 0 : i32
      %dma_wait3A_107 = arith.constant 0 : i32
      %dma_wait3A_108 = tpu.memref_slice %arg10[%dma_wait3A_106, %dma_wait3A_107] : memref<125x128xf32, #tpu.memory_space<vmem>> -> memref<80x128xf32, #tpu.memory_space<vmem>>
      tpu.wait_dma2 semaphore(%run_scoped3A : memref<!tpu.dma_semaphore, #tpu.memory_space<semaphore_mem>>) src(%dma_wait3A_108 : memref<80x128xf32, #tpu.memory_space<vmem>>) dst(%dma_wait3A_105 : memref<80x128xf32, #tpu.memory_space<vmem_shared>>)
      tpu.yield
    }) : () -> ()
    %barrier3A = arith.constant 0 : index
    tpu.barrier barrier_id(%barrier3A)
    %scan3A = arith.constant 0 : i32
    %scan3A_43 = arith.constant 0 : i32
    %scan3A_44 = arith.constant 40 : i32
    %scan3A_45 = arith.addi %scan3A_43, %scan3A_44 : i32
    %scan3A_46 = arith.constant 1 : i32
    %scan3A_47 = scf.for %scan3A_89 = %scan3A_43 to %scan3A_45 step %scan3A_46 iter_args(%scan3A_90 = %scan3A) -> (i32)  : i32 {
      %jit3A = arith.constant 2 : i32
      %eq3A = arith.constant 0 : i32
      %eq3A_91 = arith.cmpi eq, %jit3A, %eq3A : i32
      %jit3A_92 = arith.constant 1 : i32
      %select_n3A = arith.select %eq3A_91, %jit3A_92, %jit3A : i32
      %rem3A = arith.remsi %scan3A_89, %select_n3A : i32
      %ne3A = arith.constant 0 : i32
      %ne3A_93 = arith.cmpi ne, %rem3A, %ne3A : i32
      %lt3A = arith.constant 0 : i32
      %lt3A_94 = arith.cmpi slt, %rem3A, %lt3A : i32
      %lt3A_95 = arith.constant 0 : i32
      %lt3A_96 = arith.cmpi slt, %select_n3A, %lt3A_95 : i32
      %ne3A_97 = arith.xori %lt3A_94, %lt3A_96 : i1
      %and3A = arith.andi %ne3A_97, %ne3A_93 : i1
      %add3A_98 = arith.addi %rem3A, %select_n3A : i32
      %select_n3A_99 = arith.select %and3A, %add3A_98, %rem3A : i32
      %eq3A_100 = arith.constant 0 : i32
      %eq3A_101 = arith.cmpi eq, %select_n3A_99, %eq3A_100 : i32
      %add3A_102 = arith.constant 1 : i32
      %add3A_103 = arith.addi %scan3A_89, %add3A_102 : i32
      %ge3A = arith.constant 1 : i32
      %ge3A_104 = arith.cmpi sge, %scan3A_89, %ge3A : i32
      %and3A_105 = arith.andi %ge3A_104, %eq3A_101 : i1
      %convert_element_type3A = arith.extui %and3A_105 : i1 to i32
      %cond3A = arith.constant 0 : i32
      %cond3A_106 = arith.cmpi ne, %convert_element_type3A, %cond3A : i32
      scf.if %cond3A_106 {
        %sub3A = arith.constant 1 : i32
        %sub3A_137 = arith.subi %scan3A_89, %sub3A : i32
        %dma_wait3A_138 = arith.constant 0 : i32
        %dma_wait3A_139 = tpu.memref_slice %arg8[%sub3A_137, %dma_wait3A_138] : memref<40x125xi32, #tpu.memory_space<vmem>> -> memref<1x125xi32, #tpu.memory_space<vmem>>
        %dma_wait3A_140 = tpu.memref_squeeze %dma_wait3A_139 : memref<1x125xi32, #tpu.memory_space<vmem>> -> memref<125xi32, #tpu.memory_space<vmem>>
        %dma_wait3A_141 = arith.constant 0 : i32
        %dma_wait3A_142 = arith.constant 0 : i32
        %dma_wait3A_143 = tpu.memref_slice %arg11[%dma_wait3A_141, %dma_wait3A_142] : memref<10240x128xf32, #tpu.memory_space<vmem_shared>> -> memref<10240x128xf32, #tpu.memory_space<vmem_shared>>
        tpu.wait_indirect_dma semaphore(%arg15 : memref<!tpu.dma_semaphore, #tpu.memory_space<semaphore_mem>>) src(%arg10 : memref<125x128xf32, #tpu.memory_space<vmem>>) dst(%dma_wait3A_143 : memref<10240x128xf32, #tpu.memory_space<vmem_shared>>)
      } else {
      }
      %ge3A_107 = arith.constant 1 : i32
      %ge3A_108 = arith.cmpi sge, %scan3A_89, %ge3A_107 : i32
      %not3A = arith.constant true
      %not3A_109 = arith.xori %eq3A_101, %not3A : i1
      %and3A_110 = arith.andi %ge3A_108, %not3A_109 : i1
      %convert_element_type3A_111 = arith.extui %and3A_110 : i1 to i32
      %cond3A_112 = arith.constant 0 : i32
      %cond3A_113 = arith.cmpi ne, %convert_element_type3A_111, %cond3A_112 : i32
      scf.if %cond3A_113 {
        %sub3A = arith.constant 1 : i32
        %sub3A_137 = arith.subi %scan3A_89, %sub3A : i32
        %dma_wait3A_138 = arith.constant 0 : i32
        %dma_wait3A_139 = tpu.memref_slice %arg8[%sub3A_137, %dma_wait3A_138] : memref<40x125xi32, #tpu.memory_space<vmem>> -> memref<1x125xi32, #tpu.memory_space<vmem>>
        %dma_wait3A_140 = tpu.memref_squeeze %dma_wait3A_139 : memref<1x125xi32, #tpu.memory_space<vmem>> -> memref<125xi32, #tpu.memory_space<vmem>>
        %dma_wait3A_141 = arith.constant 0 : i32
        %dma_wait3A_142 = arith.constant 0 : i32
        %dma_wait3A_143 = tpu.memref_slice %arg11[%dma_wait3A_141, %dma_wait3A_142] : memref<10240x128xf32, #tpu.memory_space<vmem_shared>> -> memref<10240x128xf32, #tpu.memory_space<vmem_shared>>
        tpu.wait_indirect_dma semaphore(%arg14 : memref<!tpu.dma_semaphore, #tpu.memory_space<semaphore_mem>>) src(%arg9 : memref<125x128xf32, #tpu.memory_space<vmem>>) dst(%dma_wait3A_143 : memref<10240x128xf32, #tpu.memory_space<vmem_shared>>)
      } else {
      }
      %lt3A_114 = arith.constant 40 : i32
      %lt3A_115 = arith.cmpi slt, %add3A_103, %lt3A_114 : i32
      %and3A_116 = arith.andi %lt3A_115, %eq3A_101 : i1
      %convert_element_type3A_117 = arith.extui %and3A_116 : i1 to i32
      %cond3A_118 = arith.constant 0 : i32
      %cond3A_119 = arith.cmpi ne, %convert_element_type3A_117, %cond3A_118 : i32
      scf.if %cond3A_119 {
        %dma_start3A_137 = arith.constant 0 : i32
        %dma_start3A_138 = tpu.memref_slice %arg7[%add3A_103, %dma_start3A_137] : memref<40x125xi32, #tpu.memory_space<vmem>> -> memref<1x125xi32, #tpu.memory_space<vmem>>
        %dma_start3A_139 = tpu.memref_squeeze %dma_start3A_138 : memref<1x125xi32, #tpu.memory_space<vmem>> -> memref<125xi32, #tpu.memory_space<vmem>>
        %dma_start3A_140 = arith.constant 0 : i32
        %dma_start3A_141 = arith.constant 0 : i32
        %dma_start3A_142 = tpu.memref_slice %arg4[%dma_start3A_140, %dma_start3A_141] : memref<10240x128xf32, #tpu.memory_space<hbm>> -> memref<10240x128xf32, #tpu.memory_space<hbm>>
        tpu.enqueue_indirect_dma source(%dma_start3A_142 : memref<10240x128xf32, #tpu.memory_space<hbm>>) target(%arg10 : memref<125x128xf32, #tpu.memory_space<vmem>>) offsets(%dma_start3A_139 : memref<125xi32, #tpu.memory_space<vmem>>) semaphore(%arg13 : memref<!tpu.dma_semaphore, #tpu.memory_space<semaphore_mem>>)
      } else {
      }
      %lt3A_120 = arith.constant 40 : i32
      %lt3A_121 = arith.cmpi slt, %add3A_103, %lt3A_120 : i32
      %not3A_122 = arith.constant true
      %not3A_123 = arith.xori %eq3A_101, %not3A_122 : i1
      %and3A_124 = arith.andi %lt3A_121, %not3A_123 : i1
      %convert_element_type3A_125 = arith.extui %and3A_124 : i1 to i32
      %cond3A_126 = arith.constant 0 : i32
      %cond3A_127 = arith.cmpi ne, %convert_element_type3A_125, %cond3A_126 : i32
      scf.if %cond3A_127 {
        %dma_start3A_137 = arith.constant 0 : i32
        %dma_start3A_138 = tpu.memref_slice %arg7[%add3A_103, %dma_start3A_137] : memref<40x125xi32, #tpu.memory_space<vmem>> -> memref<1x125xi32, #tpu.memory_space<vmem>>
        %dma_start3A_139 = tpu.memref_squeeze %dma_start3A_138 : memref<1x125xi32, #tpu.memory_space<vmem>> -> memref<125xi32, #tpu.memory_space<vmem>>
        %dma_start3A_140 = arith.constant 0 : i32
        %dma_start3A_141 = arith.constant 0 : i32
        %dma_start3A_142 = tpu.memref_slice %arg4[%dma_start3A_140, %dma_start3A_141] : memref<10240x128xf32, #tpu.memory_space<hbm>> -> memref<10240x128xf32, #tpu.memory_space<hbm>>
        tpu.enqueue_indirect_dma source(%dma_start3A_142 : memref<10240x128xf32, #tpu.memory_space<hbm>>) target(%arg9 : memref<125x128xf32, #tpu.memory_space<vmem>>) offsets(%dma_start3A_139 : memref<125xi32, #tpu.memory_space<vmem>>) semaphore(%arg12 : memref<!tpu.dma_semaphore, #tpu.memory_space<semaphore_mem>>)
      } else {
      }
      %convert_element_type3A_128 = arith.extui %eq3A_101 : i1 to i32
      %cond3A_129 = arith.constant 0 : i32
      %cond3A_130 = arith.cmpi ne, %convert_element_type3A_128, %cond3A_129 : i32
      scf.if %cond3A_130 {
        %dma_wait3A_137 = arith.constant 0 : i32
        %dma_wait3A_138 = tpu.memref_slice %arg7[%scan3A_89, %dma_wait3A_137] : memref<40x125xi32, #tpu.memory_space<vmem>> -> memref<1x125xi32, #tpu.memory_space<vmem>>
        %dma_wait3A_139 = tpu.memref_squeeze %dma_wait3A_138 : memref<1x125xi32, #tpu.memory_space<vmem>> -> memref<125xi32, #tpu.memory_space<vmem>>
        %dma_wait3A_140 = arith.constant 0 : i32
        %dma_wait3A_141 = arith.constant 0 : i32
        %dma_wait3A_142 = tpu.memref_slice %arg4[%dma_wait3A_140, %dma_wait3A_141] : memref<10240x128xf32, #tpu.memory_space<hbm>> -> memref<10240x128xf32, #tpu.memory_space<hbm>>
        tpu.wait_indirect_dma semaphore(%arg12 : memref<!tpu.dma_semaphore, #tpu.memory_space<semaphore_mem>>) src(%dma_wait3A_142 : memref<10240x128xf32, #tpu.memory_space<hbm>>) dst(%arg9 : memref<125x128xf32, #tpu.memory_space<vmem>>)
        %dma_start3A_143 = arith.constant 0 : i32
        %dma_start3A_144 = tpu.memref_slice %arg8[%scan3A_89, %dma_start3A_143] : memref<40x125xi32, #tpu.memory_space<vmem>> -> memref<1x125xi32, #tpu.memory_space<vmem>>
        %dma_start3A_145 = tpu.memref_squeeze %dma_start3A_144 : memref<1x125xi32, #tpu.memory_space<vmem>> -> memref<125xi32, #tpu.memory_space<vmem>>
        %dma_start3A_146 = arith.constant 0 : i32
        %dma_start3A_147 = arith.constant 0 : i32
        %dma_start3A_148 = tpu.memref_slice %arg11[%dma_start3A_146, %dma_start3A_147] : memref<10240x128xf32, #tpu.memory_space<vmem_shared>> -> memref<10240x128xf32, #tpu.memory_space<vmem_shared>>
        tpu.enqueue_indirect_dma source(%arg9 : memref<125x128xf32, #tpu.memory_space<vmem>>) target(%dma_start3A_148 : memref<10240x128xf32, #tpu.memory_space<vmem_shared>>) offsets(%dma_start3A_145 : memref<125xi32, #tpu.memory_space<vmem>>) semaphore(%arg14 : memref<!tpu.dma_semaphore, #tpu.memory_space<semaphore_mem>>) {add = true}
      } else {
      }
      %not3A_131 = arith.constant true
      %not3A_132 = arith.xori %eq3A_101, %not3A_131 : i1
      %convert_element_type3A_133 = arith.extui %not3A_132 : i1 to i32
      %cond3A_134 = arith.constant 0 : i32
      %cond3A_135 = arith.cmpi ne, %convert_element_type3A_133, %cond3A_134 : i32
      scf.if %cond3A_135 {
        %dma_wait3A_137 = arith.constant 0 : i32
        %dma_wait3A_138 = tpu.memref_slice %arg7[%scan3A_89, %dma_wait3A_137] : memref<40x125xi32, #tpu.memory_space<vmem>> -> memref<1x125xi32, #tpu.memory_space<vmem>>
        %dma_wait3A_139 = tpu.memref_squeeze %dma_wait3A_138 : memref<1x125xi32, #tpu.memory_space<vmem>> -> memref<125xi32, #tpu.memory_space<vmem>>
        %dma_wait3A_140 = arith.constant 0 : i32
        %dma_wait3A_141 = arith.constant 0 : i32
        %dma_wait3A_142 = tpu.memref_slice %arg4[%dma_wait3A_140, %dma_wait3A_141] : memref<10240x128xf32, #tpu.memory_space<hbm>> -> memref<10240x128xf32, #tpu.memory_space<hbm>>
        tpu.wait_indirect_dma semaphore(%arg13 : memref<!tpu.dma_semaphore, #tpu.memory_space<semaphore_mem>>) src(%dma_wait3A_142 : memref<10240x128xf32, #tpu.memory_space<hbm>>) dst(%arg10 : memref<125x128xf32, #tpu.memory_space<vmem>>)
        %dma_start3A_143 = arith.constant 0 : i32
        %dma_start3A_144 = tpu.memref_slice %arg8[%scan3A_89, %dma_start3A_143] : memref<40x125xi32, #tpu.memory_space<vmem>> -> memref<1x125xi32, #tpu.memory_space<vmem>>
        %dma_start3A_145 = tpu.memref_squeeze %dma_start3A_144 : memref<1x125xi32, #tpu.memory_space<vmem>> -> memref<125xi32, #tpu.memory_space<vmem>>
        %dma_start3A_146 = arith.constant 0 : i32
        %dma_start3A_147 = arith.constant 0 : i32
        %dma_start3A_148 = tpu.memref_slice %arg11[%dma_start3A_146, %dma_start3A_147] : memref<10240x128xf32, #tpu.memory_space<vmem_shared>> -> memref<10240x128xf32, #tpu.memory_space<vmem_shared>>
        tpu.enqueue_indirect_dma source(%arg10 : memref<125x128xf32, #tpu.memory_space<vmem>>) target(%dma_start3A_148 : memref<10240x128xf32, #tpu.memory_space<vmem_shared>>) offsets(%dma_start3A_145 : memref<125xi32, #tpu.memory_space<vmem>>) semaphore(%arg15 : memref<!tpu.dma_semaphore, #tpu.memory_space<semaphore_mem>>) {add = true}
      } else {
      }
      %scan3A_136 = arith.constant 0 : i32
      scf.yield %scan3A_136 : i32
    }
    %scan3A_48 = arith.constant 40 : i32
    %dma_wait3A = arith.constant 39 : i32
    %dma_wait3A_49 = arith.constant 0 : i32
    %dma_wait3A_50 = tpu.memref_slice %arg8[%dma_wait3A, %dma_wait3A_49] : memref<40x125xi32, #tpu.memory_space<vmem>> -> memref<1x125xi32, #tpu.memory_space<vmem>>
    %dma_wait3A_51 = tpu.memref_squeeze %dma_wait3A_50 : memref<1x125xi32, #tpu.memory_space<vmem>> -> memref<125xi32, #tpu.memory_space<vmem>>
    %dma_wait3A_52 = arith.constant 0 : i32
    %dma_wait3A_53 = arith.constant 0 : i32
    %dma_wait3A_54 = tpu.memref_slice %arg11[%dma_wait3A_52, %dma_wait3A_53] : memref<10240x128xf32, #tpu.memory_space<vmem_shared>> -> memref<10240x128xf32, #tpu.memory_space<vmem_shared>>
    tpu.wait_indirect_dma semaphore(%arg15 : memref<!tpu.dma_semaphore, #tpu.memory_space<semaphore_mem>>) src(%arg10 : memref<125x128xf32, #tpu.memory_space<vmem>>) dst(%dma_wait3A_54 : memref<10240x128xf32, #tpu.memory_space<vmem_shared>>)
    %mul3A_55 = arith.constant 80 : i32
    %mul3A_56 = arith.muli %add3A, %mul3A_55 : i32
    %add3A_57 = arith.constant 40 : i32
    %add3A_58 = arith.addi %mul3A_56, %add3A_57 : i32
    "tpu.region"() ({
      %run_scoped3A = tpu.sem_alloc : memref<!tpu.dma_semaphore, #tpu.memory_space<semaphore_mem>>
      %dma_start3A_89 = arith.constant 0 : i32
      %dma_start3A_90 = tpu.memref_slice %arg2[%add3A_58, %dma_start3A_89] : memref<2560x125xi32, #tpu.memory_space<hbm>> -> memref<40x125xi32, #tpu.memory_space<hbm>>
      %dma_start3A_91 = arith.constant 0 : i32
      %dma_start3A_92 = tpu.memref_slice %arg2[%add3A_58, %dma_start3A_91] : memref<2560x125xi32, #tpu.memory_space<hbm>> -> memref<40x125xi32, #tpu.memory_space<hbm>>
      tpu.enqueue_dma source(%dma_start3A_92 : memref<40x125xi32, #tpu.memory_space<hbm>>) target(%arg7 : memref<40x125xi32, #tpu.memory_space<vmem>>) target_semaphore(%run_scoped3A : memref<!tpu.dma_semaphore, #tpu.memory_space<semaphore_mem>>)
      %dma_wait3A_93 = arith.constant 0 : i32
      %dma_wait3A_94 = tpu.memref_slice %arg2[%add3A_58, %dma_wait3A_93] : memref<2560x125xi32, #tpu.memory_space<hbm>> -> memref<40x125xi32, #tpu.memory_space<hbm>>
      %dma_wait3A_95 = arith.constant 0 : i32
      %dma_wait3A_96 = tpu.memref_slice %arg2[%add3A_58, %dma_wait3A_95] : memref<2560x125xi32, #tpu.memory_space<hbm>> -> memref<40x125xi32, #tpu.memory_space<hbm>>
      tpu.wait_dma2 semaphore(%run_scoped3A : memref<!tpu.dma_semaphore, #tpu.memory_space<semaphore_mem>>) src(%dma_wait3A_96 : memref<40x125xi32, #tpu.memory_space<hbm>>) dst(%arg7 : memref<40x125xi32, #tpu.memory_space<vmem>>)
      tpu.yield
    }) : () -> ()
    %mul3A_59 = arith.constant 80 : i32
    %mul3A_60 = arith.muli %add3A, %mul3A_59 : i32
    %add3A_61 = arith.constant 40 : i32
    %add3A_62 = arith.addi %mul3A_60, %add3A_61 : i32
    "tpu.region"() ({
      %run_scoped3A = tpu.sem_alloc : memref<!tpu.dma_semaphore, #tpu.memory_space<semaphore_mem>>
      %dma_start3A_89 = arith.constant 0 : i32
      %dma_start3A_90 = tpu.memref_slice %arg3[%add3A_62, %dma_start3A_89] : memref<2560x125xi32, #tpu.memory_space<hbm>> -> memref<40x125xi32, #tpu.memory_space<hbm>>
      %dma_start3A_91 = arith.constant 0 : i32
      %dma_start3A_92 = tpu.memref_slice %arg3[%add3A_62, %dma_start3A_91] : memref<2560x125xi32, #tpu.memory_space<hbm>> -> memref<40x125xi32, #tpu.memory_space<hbm>>
      tpu.enqueue_dma source(%dma_start3A_92 : memref<40x125xi32, #tpu.memory_space<hbm>>) target(%arg8 : memref<40x125xi32, #tpu.memory_space<vmem>>) target_semaphore(%run_scoped3A : memref<!tpu.dma_semaphore, #tpu.memory_space<semaphore_mem>>)
      %dma_wait3A_93 = arith.constant 0 : i32
      %dma_wait3A_94 = tpu.memref_slice %arg3[%add3A_62, %dma_wait3A_93] : memref<2560x125xi32, #tpu.memory_space<hbm>> -> memref<40x125xi32, #tpu.memory_space<hbm>>
      %dma_wait3A_95 = arith.constant 0 : i32
      %dma_wait3A_96 = tpu.memref_slice %arg3[%add3A_62, %dma_wait3A_95] : memref<2560x125xi32, #tpu.memory_space<hbm>> -> memref<40x125xi32, #tpu.memory_space<hbm>>
      tpu.wait_dma2 semaphore(%run_scoped3A : memref<!tpu.dma_semaphore, #tpu.memory_space<semaphore_mem>>) src(%dma_wait3A_96 : memref<40x125xi32, #tpu.memory_space<hbm>>) dst(%arg8 : memref<40x125xi32, #tpu.memory_space<vmem>>)
      tpu.yield
    }) : () -> ()
    %dma_start3A_63 = arith.constant 0 : i32
    %dma_start3A_64 = arith.constant 0 : i32
    %dma_start3A_65 = tpu.memref_slice %arg7[%dma_start3A_63, %dma_start3A_64] : memref<40x125xi32, #tpu.memory_space<vmem>> -> memref<1x125xi32, #tpu.memory_space<vmem>>
    %dma_start3A_66 = tpu.memref_squeeze %dma_start3A_65 : memref<1x125xi32, #tpu.memory_space<vmem>> -> memref<125xi32, #tpu.memory_space<vmem>>
    %dma_start3A_67 = arith.constant 0 : i32
    %dma_start3A_68 = arith.constant 0 : i32
    %dma_start3A_69 = tpu.memref_slice %arg4[%dma_start3A_67, %dma_start3A_68] : memref<10240x128xf32, #tpu.memory_space<hbm>> -> memref<10240x128xf32, #tpu.memory_space<hbm>>
    tpu.enqueue_indirect_dma source(%dma_start3A_69 : memref<10240x128xf32, #tpu.memory_space<hbm>>) target(%arg9 : memref<125x128xf32, #tpu.memory_space<vmem>>) offsets(%dma_start3A_66 : memref<125xi32, #tpu.memory_space<vmem>>) semaphore(%arg12 : memref<!tpu.dma_semaphore, #tpu.memory_space<semaphore_mem>>)
    %scan3A_70 = arith.constant 0 : i32
    %scan3A_71 = arith.constant 0 : i32
    %scan3A_72 = arith.constant 40 : i32
    %scan3A_73 = arith.addi %scan3A_71, %scan3A_72 : i32
    %scan3A_74 = arith.constant 1 : i32
    %scan3A_75 = scf.for %scan3A_89 = %scan3A_71 to %scan3A_73 step %scan3A_74 iter_args(%scan3A_90 = %scan3A_70) -> (i32)  : i32 {
      %jit3A = arith.constant 2 : i32
      %eq3A = arith.constant 0 : i32
      %eq3A_91 = arith.cmpi eq, %jit3A, %eq3A : i32
      %jit3A_92 = arith.constant 1 : i32
      %select_n3A = arith.select %eq3A_91, %jit3A_92, %jit3A : i32
      %rem3A = arith.remsi %scan3A_89, %select_n3A : i32
      %ne3A = arith.constant 0 : i32
      %ne3A_93 = arith.cmpi ne, %rem3A, %ne3A : i32
      %lt3A = arith.constant 0 : i32
      %lt3A_94 = arith.cmpi slt, %rem3A, %lt3A : i32
      %lt3A_95 = arith.constant 0 : i32
      %lt3A_96 = arith.cmpi slt, %select_n3A, %lt3A_95 : i32
      %ne3A_97 = arith.xori %lt3A_94, %lt3A_96 : i1
      %and3A = arith.andi %ne3A_97, %ne3A_93 : i1
      %add3A_98 = arith.addi %rem3A, %select_n3A : i32
      %select_n3A_99 = arith.select %and3A, %add3A_98, %rem3A : i32
      %eq3A_100 = arith.constant 0 : i32
      %eq3A_101 = arith.cmpi eq, %select_n3A_99, %eq3A_100 : i32
      %add3A_102 = arith.constant 1 : i32
      %add3A_103 = arith.addi %scan3A_89, %add3A_102 : i32
      %ge3A = arith.constant 1 : i32
      %ge3A_104 = arith.cmpi sge, %scan3A_89, %ge3A : i32
      %and3A_105 = arith.andi %ge3A_104, %eq3A_101 : i1
      %convert_element_type3A = arith.extui %and3A_105 : i1 to i32
      %cond3A = arith.constant 0 : i32
      %cond3A_106 = arith.cmpi ne, %convert_element_type3A, %cond3A : i32
      scf.if %cond3A_106 {
        %sub3A = arith.constant 1 : i32
        %sub3A_137 = arith.subi %scan3A_89, %sub3A : i32
        %dma_wait3A_138 = arith.constant 0 : i32
        %dma_wait3A_139 = tpu.memref_slice %arg8[%sub3A_137, %dma_wait3A_138] : memref<40x125xi32, #tpu.memory_space<vmem>> -> memref<1x125xi32, #tpu.memory_space<vmem>>
        %dma_wait3A_140 = tpu.memref_squeeze %dma_wait3A_139 : memref<1x125xi32, #tpu.memory_space<vmem>> -> memref<125xi32, #tpu.memory_space<vmem>>
        %dma_wait3A_141 = arith.constant 0 : i32
        %dma_wait3A_142 = arith.constant 0 : i32
        %dma_wait3A_143 = tpu.memref_slice %arg11[%dma_wait3A_141, %dma_wait3A_142] : memref<10240x128xf32, #tpu.memory_space<vmem_shared>> -> memref<10240x128xf32, #tpu.memory_space<vmem_shared>>
        tpu.wait_indirect_dma semaphore(%arg15 : memref<!tpu.dma_semaphore, #tpu.memory_space<semaphore_mem>>) src(%arg10 : memref<125x128xf32, #tpu.memory_space<vmem>>) dst(%dma_wait3A_143 : memref<10240x128xf32, #tpu.memory_space<vmem_shared>>)
      } else {
      }
      %ge3A_107 = arith.constant 1 : i32
      %ge3A_108 = arith.cmpi sge, %scan3A_89, %ge3A_107 : i32
      %not3A = arith.constant true
      %not3A_109 = arith.xori %eq3A_101, %not3A : i1
      %and3A_110 = arith.andi %ge3A_108, %not3A_109 : i1
      %convert_element_type3A_111 = arith.extui %and3A_110 : i1 to i32
      %cond3A_112 = arith.constant 0 : i32
      %cond3A_113 = arith.cmpi ne, %convert_element_type3A_111, %cond3A_112 : i32
      scf.if %cond3A_113 {
        %sub3A = arith.constant 1 : i32
        %sub3A_137 = arith.subi %scan3A_89, %sub3A : i32
        %dma_wait3A_138 = arith.constant 0 : i32
        %dma_wait3A_139 = tpu.memref_slice %arg8[%sub3A_137, %dma_wait3A_138] : memref<40x125xi32, #tpu.memory_space<vmem>> -> memref<1x125xi32, #tpu.memory_space<vmem>>
        %dma_wait3A_140 = tpu.memref_squeeze %dma_wait3A_139 : memref<1x125xi32, #tpu.memory_space<vmem>> -> memref<125xi32, #tpu.memory_space<vmem>>
        %dma_wait3A_141 = arith.constant 0 : i32
        %dma_wait3A_142 = arith.constant 0 : i32
        %dma_wait3A_143 = tpu.memref_slice %arg11[%dma_wait3A_141, %dma_wait3A_142] : memref<10240x128xf32, #tpu.memory_space<vmem_shared>> -> memref<10240x128xf32, #tpu.memory_space<vmem_shared>>
        tpu.wait_indirect_dma semaphore(%arg14 : memref<!tpu.dma_semaphore, #tpu.memory_space<semaphore_mem>>) src(%arg9 : memref<125x128xf32, #tpu.memory_space<vmem>>) dst(%dma_wait3A_143 : memref<10240x128xf32, #tpu.memory_space<vmem_shared>>)
      } else {
      }
      %lt3A_114 = arith.constant 40 : i32
      %lt3A_115 = arith.cmpi slt, %add3A_103, %lt3A_114 : i32
      %and3A_116 = arith.andi %lt3A_115, %eq3A_101 : i1
      %convert_element_type3A_117 = arith.extui %and3A_116 : i1 to i32
      %cond3A_118 = arith.constant 0 : i32
      %cond3A_119 = arith.cmpi ne, %convert_element_type3A_117, %cond3A_118 : i32
      scf.if %cond3A_119 {
        %dma_start3A_137 = arith.constant 0 : i32
        %dma_start3A_138 = tpu.memref_slice %arg7[%add3A_103, %dma_start3A_137] : memref<40x125xi32, #tpu.memory_space<vmem>> -> memref<1x125xi32, #tpu.memory_space<vmem>>
        %dma_start3A_139 = tpu.memref_squeeze %dma_start3A_138 : memref<1x125xi32, #tpu.memory_space<vmem>> -> memref<125xi32, #tpu.memory_space<vmem>>
        %dma_start3A_140 = arith.constant 0 : i32
        %dma_start3A_141 = arith.constant 0 : i32
        %dma_start3A_142 = tpu.memref_slice %arg4[%dma_start3A_140, %dma_start3A_141] : memref<10240x128xf32, #tpu.memory_space<hbm>> -> memref<10240x128xf32, #tpu.memory_space<hbm>>
        tpu.enqueue_indirect_dma source(%dma_start3A_142 : memref<10240x128xf32, #tpu.memory_space<hbm>>) target(%arg10 : memref<125x128xf32, #tpu.memory_space<vmem>>) offsets(%dma_start3A_139 : memref<125xi32, #tpu.memory_space<vmem>>) semaphore(%arg13 : memref<!tpu.dma_semaphore, #tpu.memory_space<semaphore_mem>>)
      } else {
      }
      %lt3A_120 = arith.constant 40 : i32
      %lt3A_121 = arith.cmpi slt, %add3A_103, %lt3A_120 : i32
      %not3A_122 = arith.constant true
      %not3A_123 = arith.xori %eq3A_101, %not3A_122 : i1
      %and3A_124 = arith.andi %lt3A_121, %not3A_123 : i1
      %convert_element_type3A_125 = arith.extui %and3A_124 : i1 to i32
      %cond3A_126 = arith.constant 0 : i32
      %cond3A_127 = arith.cmpi ne, %convert_element_type3A_125, %cond3A_126 : i32
      scf.if %cond3A_127 {
        %dma_start3A_137 = arith.constant 0 : i32
        %dma_start3A_138 = tpu.memref_slice %arg7[%add3A_103, %dma_start3A_137] : memref<40x125xi32, #tpu.memory_space<vmem>> -> memref<1x125xi32, #tpu.memory_space<vmem>>
        %dma_start3A_139 = tpu.memref_squeeze %dma_start3A_138 : memref<1x125xi32, #tpu.memory_space<vmem>> -> memref<125xi32, #tpu.memory_space<vmem>>
        %dma_start3A_140 = arith.constant 0 : i32
        %dma_start3A_141 = arith.constant 0 : i32
        %dma_start3A_142 = tpu.memref_slice %arg4[%dma_start3A_140, %dma_start3A_141] : memref<10240x128xf32, #tpu.memory_space<hbm>> -> memref<10240x128xf32, #tpu.memory_space<hbm>>
        tpu.enqueue_indirect_dma source(%dma_start3A_142 : memref<10240x128xf32, #tpu.memory_space<hbm>>) target(%arg9 : memref<125x128xf32, #tpu.memory_space<vmem>>) offsets(%dma_start3A_139 : memref<125xi32, #tpu.memory_space<vmem>>) semaphore(%arg12 : memref<!tpu.dma_semaphore, #tpu.memory_space<semaphore_mem>>)
      } else {
      }
      %convert_element_type3A_128 = arith.extui %eq3A_101 : i1 to i32
      %cond3A_129 = arith.constant 0 : i32
      %cond3A_130 = arith.cmpi ne, %convert_element_type3A_128, %cond3A_129 : i32
      scf.if %cond3A_130 {
        %dma_wait3A_137 = arith.constant 0 : i32
        %dma_wait3A_138 = tpu.memref_slice %arg7[%scan3A_89, %dma_wait3A_137] : memref<40x125xi32, #tpu.memory_space<vmem>> -> memref<1x125xi32, #tpu.memory_space<vmem>>
        %dma_wait3A_139 = tpu.memref_squeeze %dma_wait3A_138 : memref<1x125xi32, #tpu.memory_space<vmem>> -> memref<125xi32, #tpu.memory_space<vmem>>
        %dma_wait3A_140 = arith.constant 0 : i32
        %dma_wait3A_141 = arith.constant 0 : i32
        %dma_wait3A_142 = tpu.memref_slice %arg4[%dma_wait3A_140, %dma_wait3A_141] : memref<10240x128xf32, #tpu.memory_space<hbm>> -> memref<10240x128xf32, #tpu.memory_space<hbm>>
        tpu.wait_indirect_dma semaphore(%arg12 : memref<!tpu.dma_semaphore, #tpu.memory_space<semaphore_mem>>) src(%dma_wait3A_142 : memref<10240x128xf32, #tpu.memory_space<hbm>>) dst(%arg9 : memref<125x128xf32, #tpu.memory_space<vmem>>)
        %dma_start3A_143 = arith.constant 0 : i32
        %dma_start3A_144 = tpu.memref_slice %arg8[%scan3A_89, %dma_start3A_143] : memref<40x125xi32, #tpu.memory_space<vmem>> -> memref<1x125xi32, #tpu.memory_space<vmem>>
        %dma_start3A_145 = tpu.memref_squeeze %dma_start3A_144 : memref<1x125xi32, #tpu.memory_space<vmem>> -> memref<125xi32, #tpu.memory_space<vmem>>
        %dma_start3A_146 = arith.constant 0 : i32
        %dma_start3A_147 = arith.constant 0 : i32
        %dma_start3A_148 = tpu.memref_slice %arg11[%dma_start3A_146, %dma_start3A_147] : memref<10240x128xf32, #tpu.memory_space<vmem_shared>> -> memref<10240x128xf32, #tpu.memory_space<vmem_shared>>
        tpu.enqueue_indirect_dma source(%arg9 : memref<125x128xf32, #tpu.memory_space<vmem>>) target(%dma_start3A_148 : memref<10240x128xf32, #tpu.memory_space<vmem_shared>>) offsets(%dma_start3A_145 : memref<125xi32, #tpu.memory_space<vmem>>) semaphore(%arg14 : memref<!tpu.dma_semaphore, #tpu.memory_space<semaphore_mem>>) {add = true}
      } else {
      }
      %not3A_131 = arith.constant true
      %not3A_132 = arith.xori %eq3A_101, %not3A_131 : i1
      %convert_element_type3A_133 = arith.extui %not3A_132 : i1 to i32
      %cond3A_134 = arith.constant 0 : i32
      %cond3A_135 = arith.cmpi ne, %convert_element_type3A_133, %cond3A_134 : i32
      scf.if %cond3A_135 {
        %dma_wait3A_137 = arith.constant 0 : i32
        %dma_wait3A_138 = tpu.memref_slice %arg7[%scan3A_89, %dma_wait3A_137] : memref<40x125xi32, #tpu.memory_space<vmem>> -> memref<1x125xi32, #tpu.memory_space<vmem>>
        %dma_wait3A_139 = tpu.memref_squeeze %dma_wait3A_138 : memref<1x125xi32, #tpu.memory_space<vmem>> -> memref<125xi32, #tpu.memory_space<vmem>>
        %dma_wait3A_140 = arith.constant 0 : i32
        %dma_wait3A_141 = arith.constant 0 : i32
        %dma_wait3A_142 = tpu.memref_slice %arg4[%dma_wait3A_140, %dma_wait3A_141] : memref<10240x128xf32, #tpu.memory_space<hbm>> -> memref<10240x128xf32, #tpu.memory_space<hbm>>
        tpu.wait_indirect_dma semaphore(%arg13 : memref<!tpu.dma_semaphore, #tpu.memory_space<semaphore_mem>>) src(%dma_wait3A_142 : memref<10240x128xf32, #tpu.memory_space<hbm>>) dst(%arg10 : memref<125x128xf32, #tpu.memory_space<vmem>>)
        %dma_start3A_143 = arith.constant 0 : i32
        %dma_start3A_144 = tpu.memref_slice %arg8[%scan3A_89, %dma_start3A_143] : memref<40x125xi32, #tpu.memory_space<vmem>> -> memref<1x125xi32, #tpu.memory_space<vmem>>
        %dma_start3A_145 = tpu.memref_squeeze %dma_start3A_144 : memref<1x125xi32, #tpu.memory_space<vmem>> -> memref<125xi32, #tpu.memory_space<vmem>>
        %dma_start3A_146 = arith.constant 0 : i32
        %dma_start3A_147 = arith.constant 0 : i32
        %dma_start3A_148 = tpu.memref_slice %arg11[%dma_start3A_146, %dma_start3A_147] : memref<10240x128xf32, #tpu.memory_space<vmem_shared>> -> memref<10240x128xf32, #tpu.memory_space<vmem_shared>>
        tpu.enqueue_indirect_dma source(%arg10 : memref<125x128xf32, #tpu.memory_space<vmem>>) target(%dma_start3A_148 : memref<10240x128xf32, #tpu.memory_space<vmem_shared>>) offsets(%dma_start3A_145 : memref<125xi32, #tpu.memory_space<vmem>>) semaphore(%arg15 : memref<!tpu.dma_semaphore, #tpu.memory_space<semaphore_mem>>) {add = true}
      } else {
      }
      %scan3A_136 = arith.constant 0 : i32
      scf.yield %scan3A_136 : i32
    }
    %scan3A_76 = arith.constant 40 : i32
    %dma_wait3A_77 = arith.constant 39 : i32
    %dma_wait3A_78 = arith.constant 0 : i32
    %dma_wait3A_79 = tpu.memref_slice %arg8[%dma_wait3A_77, %dma_wait3A_78] : memref<40x125xi32, #tpu.memory_space<vmem>> -> memref<1x125xi32, #tpu.memory_space<vmem>>
    %dma_wait3A_80 = tpu.memref_squeeze %dma_wait3A_79 : memref<1x125xi32, #tpu.memory_space<vmem>> -> memref<125xi32, #tpu.memory_space<vmem>>
    %dma_wait3A_81 = arith.constant 0 : i32
    %dma_wait3A_82 = arith.constant 0 : i32
    %dma_wait3A_83 = tpu.memref_slice %arg11[%dma_wait3A_81, %dma_wait3A_82] : memref<10240x128xf32, #tpu.memory_space<vmem_shared>> -> memref<10240x128xf32, #tpu.memory_space<vmem_shared>>
    tpu.wait_indirect_dma semaphore(%arg15 : memref<!tpu.dma_semaphore, #tpu.memory_space<semaphore_mem>>) src(%arg10 : memref<125x128xf32, #tpu.memory_space<vmem>>) dst(%dma_wait3A_83 : memref<10240x128xf32, #tpu.memory_space<vmem_shared>>)
    %barrier3A_84 = arith.constant 0 : index
    tpu.barrier barrier_id(%barrier3A_84)
    %mul3A_85 = arith.constant 640 : i32
    %mul3A_86 = arith.muli %arg1, %mul3A_85 : i32
    %mul3A_87 = arith.constant 640 : i32
    %mul3A_88 = arith.muli %arg1, %mul3A_87 : i32
    "tpu.region"() ({
      %run_scoped3A = tpu.sem_alloc : memref<!tpu.dma_semaphore, #tpu.memory_space<semaphore_mem>>
      %dma_start3A_89 = arith.constant 0 : i32
      %dma_start3A_90 = tpu.memref_slice %arg6[%arg0, %mul3A_88, %dma_start3A_89] : memref<2x10240x128xf32, #tpu.memory_space<hbm>> -> memref<1x640x128xf32, #tpu.memory_space<hbm>>
      %dma_start3A_91 = tpu.memref_squeeze %dma_start3A_90 : memref<1x640x128xf32, #tpu.memory_space<hbm>> -> memref<640x128xf32, #tpu.memory_space<hbm>>
      %dma_start3A_92 = arith.constant 0 : i32
      %dma_start3A_93 = tpu.memref_slice %arg11[%mul3A_86, %dma_start3A_92] : memref<10240x128xf32, #tpu.memory_space<vmem_shared>> -> memref<640x128xf32, #tpu.memory_space<vmem_shared>>
      tpu.enqueue_dma source(%dma_start3A_93 : memref<640x128xf32, #tpu.memory_space<vmem_shared>>) target(%dma_start3A_91 : memref<640x128xf32, #tpu.memory_space<hbm>>) target_semaphore(%run_scoped3A : memref<!tpu.dma_semaphore, #tpu.memory_space<semaphore_mem>>)
      %dma_wait3A_94 = arith.constant 0 : i32
      %dma_wait3A_95 = tpu.memref_slice %arg6[%arg0, %mul3A_88, %dma_wait3A_94] : memref<2x10240x128xf32, #tpu.memory_space<hbm>> -> memref<1x640x128xf32, #tpu.memory_space<hbm>>
      %dma_wait3A_96 = tpu.memref_squeeze %dma_wait3A_95 : memref<1x640x128xf32, #tpu.memory_space<hbm>> -> memref<640x128xf32, #tpu.memory_space<hbm>>
      %dma_wait3A_97 = arith.constant 0 : i32
      %dma_wait3A_98 = tpu.memref_slice %arg11[%mul3A_86, %dma_wait3A_97] : memref<10240x128xf32, #tpu.memory_space<vmem_shared>> -> memref<640x128xf32, #tpu.memory_space<vmem_shared>>
      tpu.wait_dma2 semaphore(%run_scoped3A : memref<!tpu.dma_semaphore, #tpu.memory_space<semaphore_mem>>) src(%dma_wait3A_98 : memref<640x128xf32, #tpu.memory_space<vmem_shared>>) dst(%dma_wait3A_96 : memref<640x128xf32, #tpu.memory_space<hbm>>)
      tpu.yield
    }) : () -> ()
    return
  }
}

#map = affine_map<(d0, d1) -> (0, 0)>
#map1 = affine_map<(d0, d1) -> (0, 0, 0)>
module attributes {stable_mosaic.version = 14 : i64} {
  func.func @body(%arg0: i32, %arg1: i32, %arg2: memref<2560x125xi32, #tpu.memory_space<hbm>>, %arg3: memref<2560x125xi32, #tpu.memory_space<hbm>>, %arg4: memref<10240x128xf32, #tpu.memory_space<hbm>>, %arg5: memref<80x128xf32, #tpu.memory_space<hbm>>, %arg6: memref<2x10240x128xf32, #tpu.memory_space<hbm>>, %arg7: memref<40x125xi32, #tpu.memory_space<vmem>>, %arg8: memref<40x125xi32, #tpu.memory_space<vmem>>, %arg9: memref<125x128xf32, #tpu.memory_space<vmem>>, %arg10: memref<125x128xf32, #tpu.memory_space<vmem>>, %arg11: memref<10240x128xf32, #tpu.memory_space<vmem_shared>>, %arg12: memref<!tpu.dma_semaphore, #tpu.memory_space<semaphore_mem>>, %arg13: memref<!tpu.dma_semaphore, #tpu.memory_space<semaphore_mem>>, %arg14: memref<!tpu.dma_semaphore, #tpu.memory_space<semaphore_mem>>, %arg15: memref<!tpu.dma_semaphore, #tpu.memory_space<semaphore_mem>>) attributes {dimension_semantics = [#tpu.dimension_semantics<core_parallel>, #tpu.dimension_semantics<subcore_parallel>], iteration_bounds = array<i64: 2, 16>, scalar_prefetch = 0 : i64, scratch_operands = 9 : i64, tpu.core_type = #tpu.core_type<sc_vector_subcore>, window_params = [{transform_indices = #map}, {transform_indices = #map}, {transform_indices = #map}, {transform_indices = #map}, {transform_indices = #map1}]} {
    %mul3A = arith.constant 16 : i32
    %mul3A_0 = arith.muli %arg0, %mul3A : i32
    %add3A = arith.addi %mul3A_0, %arg1 : i32
    %mul3A_1 = arith.constant 80 : i32
    %mul3A_2 = arith.muli %add3A, %mul3A_1 : i32
    "tpu.region"() ({
      %run_scoped3A = tpu.sem_alloc : memref<!tpu.dma_semaphore, #tpu.memory_space<semaphore_mem>>
      %dma_start3A_89 = arith.constant 0 : i32
      %dma_start3A_90 = tpu.memref_slice %arg2[%mul3A_2, %dma_start3A_89] : memref<2560x125xi32, #tpu.memory_space<hbm>> -> memref<40x125xi32, #tpu.memory_space<hbm>>
      %dma_start3A_91 = arith.constant 0 : i32
      %dma_start3A_92 = tpu.memref_slice %arg2[%mul3A_2, %dma_start3A_91] : memref<2560x125xi32, #tpu.memory_space<hbm>> -> memref<40x125xi32, #tpu.memory_space<hbm>>
      tpu.enqueue_dma source(%dma_start3A_92 : memref<40x125xi32, #tpu.memory_space<hbm>>) target(%arg7 : memref<40x125xi32, #tpu.memory_space<vmem>>) target_semaphore(%run_scoped3A : memref<!tpu.dma_semaphore, #tpu.memory_space<semaphore_mem>>)
      %dma_wait3A_93 = arith.constant 0 : i32
      %dma_wait3A_94 = tpu.memref_slice %arg2[%mul3A_2, %dma_wait3A_93] : memref<2560x125xi32, #tpu.memory_space<hbm>> -> memref<40x125xi32, #tpu.memory_space<hbm>>
      %dma_wait3A_95 = arith.constant 0 : i32
      %dma_wait3A_96 = tpu.memref_slice %arg2[%mul3A_2, %dma_wait3A_95] : memref<2560x125xi32, #tpu.memory_space<hbm>> -> memref<40x125xi32, #tpu.memory_space<hbm>>
      tpu.wait_dma2 semaphore(%run_scoped3A : memref<!tpu.dma_semaphore, #tpu.memory_space<semaphore_mem>>) src(%dma_wait3A_96 : memref<40x125xi32, #tpu.memory_space<hbm>>) dst(%arg7 : memref<40x125xi32, #tpu.memory_space<vmem>>)
      tpu.yield
    }) : () -> ()
    %dma_start3A = arith.constant 0 : i32
    %dma_start3A_3 = arith.constant 0 : i32
    %dma_start3A_4 = tpu.memref_slice %arg7[%dma_start3A, %dma_start3A_3] : memref<40x125xi32, #tpu.memory_space<vmem>> -> memref<1x125xi32, #tpu.memory_space<vmem>>
    %dma_start3A_5 = tpu.memref_squeeze %dma_start3A_4 : memref<1x125xi32, #tpu.memory_space<vmem>> -> memref<125xi32, #tpu.memory_space<vmem>>
    %dma_start3A_6 = arith.constant 0 : i32
    %dma_start3A_7 = arith.constant 0 : i32
    %dma_start3A_8 = tpu.memref_slice %arg4[%dma_start3A_6, %dma_start3A_7] : memref<10240x128xf32, #tpu.memory_space<hbm>> -> memref<10240x128xf32, #tpu.memory_space<hbm>>
    tpu.enqueue_indirect_dma source(%dma_start3A_8 : memref<10240x128xf32, #tpu.memory_space<hbm>>) target(%arg9 : memref<125x128xf32, #tpu.memory_space<vmem>>) offsets(%dma_start3A_5 : memref<125xi32, #tpu.memory_space<vmem>>) semaphore(%arg12 : memref<!tpu.dma_semaphore, #tpu.memory_space<semaphore_mem>>)
    %mul3A_9 = arith.constant 80 : i32
    %mul3A_10 = arith.muli %add3A, %mul3A_9 : i32
    "tpu.region"() ({
      %run_scoped3A = tpu.sem_alloc : memref<!tpu.dma_semaphore, #tpu.memory_space<semaphore_mem>>
      %dma_start3A_89 = arith.constant 0 : i32
      %dma_start3A_90 = tpu.memref_slice %arg3[%mul3A_10, %dma_start3A_89] : memref<2560x125xi32, #tpu.memory_space<hbm>> -> memref<40x125xi32, #tpu.memory_space<hbm>>
      %dma_start3A_91 = arith.constant 0 : i32
      %dma_start3A_92 = tpu.memref_slice %arg3[%mul3A_10, %dma_start3A_91] : memref<2560x125xi32, #tpu.memory_space<hbm>> -> memref<40x125xi32, #tpu.memory_space<hbm>>
      tpu.enqueue_dma source(%dma_start3A_92 : memref<40x125xi32, #tpu.memory_space<hbm>>) target(%arg8 : memref<40x125xi32, #tpu.memory_space<vmem>>) target_semaphore(%run_scoped3A : memref<!tpu.dma_semaphore, #tpu.memory_space<semaphore_mem>>)
      %dma_wait3A_93 = arith.constant 0 : i32
      %dma_wait3A_94 = tpu.memref_slice %arg3[%mul3A_10, %dma_wait3A_93] : memref<2560x125xi32, #tpu.memory_space<hbm>> -> memref<40x125xi32, #tpu.memory_space<hbm>>
      %dma_wait3A_95 = arith.constant 0 : i32
      %dma_wait3A_96 = tpu.memref_slice %arg3[%mul3A_10, %dma_wait3A_95] : memref<2560x125xi32, #tpu.memory_space<hbm>> -> memref<40x125xi32, #tpu.memory_space<hbm>>
      tpu.wait_dma2 semaphore(%run_scoped3A : memref<!tpu.dma_semaphore, #tpu.memory_space<semaphore_mem>>) src(%dma_wait3A_96 : memref<40x125xi32, #tpu.memory_space<hbm>>) dst(%arg8 : memref<40x125xi32, #tpu.memory_space<vmem>>)
      tpu.yield
    }) : () -> ()
    "tpu.region"() ({
      %run_scoped3A = tpu.sem_alloc : memref<!tpu.dma_semaphore, #tpu.memory_space<semaphore_mem>>
      %dma_start3A_89 = arith.constant 0 : i32
      %dma_start3A_90 = arith.constant 0 : i32
      %dma_start3A_91 = tpu.memref_slice %arg10[%dma_start3A_89, %dma_start3A_90] : memref<125x128xf32, #tpu.memory_space<vmem>> -> memref<80x128xf32, #tpu.memory_space<vmem>>
      %dma_start3A_92 = arith.constant 0 : i32
      %dma_start3A_93 = arith.constant 0 : i32
      %dma_start3A_94 = tpu.memref_slice %arg10[%dma_start3A_92, %dma_start3A_93] : memref<125x128xf32, #tpu.memory_space<vmem>> -> memref<80x128xf32, #tpu.memory_space<vmem>>
      tpu.enqueue_dma source(%arg5 : memref<80x128xf32, #tpu.memory_space<hbm>>) target(%dma_start3A_94 : memref<80x128xf32, #tpu.memory_space<vmem>>) target_semaphore(%run_scoped3A : memref<!tpu.dma_semaphore, #tpu.memory_space<semaphore_mem>>)
      %dma_wait3A_95 = arith.constant 0 : i32
      %dma_wait3A_96 = arith.constant 0 : i32
      %dma_wait3A_97 = tpu.memref_slice %arg10[%dma_wait3A_95, %dma_wait3A_96] : memref<125x128xf32, #tpu.memory_space<vmem>> -> memref<80x128xf32, #tpu.memory_space<vmem>>
      %dma_wait3A_98 = arith.constant 0 : i32
      %dma_wait3A_99 = arith.constant 0 : i32
      %dma_wait3A_100 = tpu.memref_slice %arg10[%dma_wait3A_98, %dma_wait3A_99] : memref<125x128xf32, #tpu.memory_space<vmem>> -> memref<80x128xf32, #tpu.memory_space<vmem>>
      tpu.wait_dma2 semaphore(%run_scoped3A : memref<!tpu.dma_semaphore, #tpu.memory_space<semaphore_mem>>) src(%arg5 : memref<80x128xf32, #tpu.memory_space<hbm>>) dst(%dma_wait3A_100 : memref<80x128xf32, #tpu.memory_space<vmem>>)
      tpu.yield
    }) : () -> ()
    %mul3A_11 = arith.constant 640 : i32
    %mul3A_12 = arith.muli %arg1, %mul3A_11 : i32
    %add3A_13 = arith.constant 0 : i32
    %add3A_14 = arith.addi %mul3A_12, %add3A_13 : i32
    "tpu.region"() ({
      %run_scoped3A = tpu.sem_alloc : memref<!tpu.dma_semaphore, #tpu.memory_space<semaphore_mem>>
      %dma_start3A_89 = arith.constant 0 : i32
      %dma_start3A_90 = arith.constant 0 : i32
      %dma_start3A_91 = tpu.memref_slice %arg10[%dma_start3A_89, %dma_start3A_90] : memref<125x128xf32, #tpu.memory_space<vmem>> -> memref<80x128xf32, #tpu.memory_space<vmem>>
      %dma_start3A_92 = arith.constant 0 : i32
      %dma_start3A_93 = tpu.memref_slice %arg11[%add3A_14, %dma_start3A_92] : memref<10240x128xf32, #tpu.memory_space<vmem_shared>> -> memref<80x128xf32, #tpu.memory_space<vmem_shared>>
      %dma_start3A_94 = arith.constant 0 : i32
      %dma_start3A_95 = tpu.memref_slice %arg11[%add3A_14, %dma_start3A_94] : memref<10240x128xf32, #tpu.memory_space<vmem_shared>> -> memref<80x128xf32, #tpu.memory_space<vmem_shared>>
      %dma_start3A_96 = arith.constant 0 : i32
      %dma_start3A_97 = arith.constant 0 : i32
      %dma_start3A_98 = tpu.memref_slice %arg10[%dma_start3A_96, %dma_start3A_97] : memref<125x128xf32, #tpu.memory_space<vmem>> -> memref<80x128xf32, #tpu.memory_space<vmem>>
      tpu.enqueue_dma source(%dma_start3A_98 : memref<80x128xf32, #tpu.memory_space<vmem>>) target(%dma_start3A_95 : memref<80x128xf32, #tpu.memory_space<vmem_shared>>) target_semaphore(%run_scoped3A : memref<!tpu.dma_semaphore, #tpu.memory_space<semaphore_mem>>)
      %dma_wait3A_99 = arith.constant 0 : i32
      %dma_wait3A_100 = arith.constant 0 : i32
      %dma_wait3A_101 = tpu.memref_slice %arg10[%dma_wait3A_99, %dma_wait3A_100] : memref<125x128xf32, #tpu.memory_space<vmem>> -> memref<80x128xf32, #tpu.memory_space<vmem>>
      %dma_wait3A_102 = arith.constant 0 : i32
      %dma_wait3A_103 = tpu.memref_slice %arg11[%add3A_14, %dma_wait3A_102] : memref<10240x128xf32, #tpu.memory_space<vmem_shared>> -> memref<80x128xf32, #tpu.memory_space<vmem_shared>>
      %dma_wait3A_104 = arith.constant 0 : i32
      %dma_wait3A_105 = tpu.memref_slice %arg11[%add3A_14, %dma_wait3A_104] : memref<10240x128xf32, #tpu.memory_space<vmem_shared>> -> memref<80x128xf32, #tpu.memory_space<vmem_shared>>
      %dma_wait3A_106 = arith.constant 0 : i32
      %dma_wait3A_107 = arith.constant 0 : i32
      %dma_wait3A_108 = tpu.memref_slice %arg10[%dma_wait3A_106, %dma_wait3A_107] : memref<125x128xf32, #tpu.memory_space<vmem>> -> memref<80x128xf32, #tpu.memory_space<vmem>>
      tpu.wait_dma2 semaphore(%run_scoped3A : memref<!tpu.dma_semaphore, #tpu.memory_space<semaphore_mem>>) src(%dma_wait3A_108 : memref<80x128xf32, #tpu.memory_space<vmem>>) dst(%dma_wait3A_105 : memref<80x128xf32, #tpu.memory_space<vmem_shared>>)
      tpu.yield
    }) : () -> ()
    %mul3A_15 = arith.constant 640 : i32
    %mul3A_16 = arith.muli %arg1, %mul3A_15 : i32
    %add3A_17 = arith.constant 80 : i32
    %add3A_18 = arith.addi %mul3A_16, %add3A_17 : i32
    "tpu.region"() ({
      %run_scoped3A = tpu.sem_alloc : memref<!tpu.dma_semaphore, #tpu.memory_space<semaphore_mem>>
      %dma_start3A_89 = arith.constant 0 : i32
      %dma_start3A_90 = arith.constant 0 : i32
      %dma_start3A_91 = tpu.memref_slice %arg10[%dma_start3A_89, %dma_start3A_90] : memref<125x128xf32, #tpu.memory_space<vmem>> -> memref<80x128xf32, #tpu.memory_space<vmem>>
      %dma_start3A_92 = arith.constant 0 : i32
      %dma_start3A_93 = tpu.memref_slice %arg11[%add3A_18, %dma_start3A_92] : memref<10240x128xf32, #tpu.memory_space<vmem_shared>> -> memref<80x128xf32, #tpu.memory_space<vmem_shared>>
      %dma_start3A_94 = arith.constant 0 : i32
      %dma_start3A_95 = tpu.memref_slice %arg11[%add3A_18, %dma_start3A_94] : memref<10240x128xf32, #tpu.memory_space<vmem_shared>> -> memref<80x128xf32, #tpu.memory_space<vmem_shared>>
      %dma_start3A_96 = arith.constant 0 : i32
      %dma_start3A_97 = arith.constant 0 : i32
      %dma_start3A_98 = tpu.memref_slice %arg10[%dma_start3A_96, %dma_start3A_97] : memref<125x128xf32, #tpu.memory_space<vmem>> -> memref<80x128xf32, #tpu.memory_space<vmem>>
      tpu.enqueue_dma source(%dma_start3A_98 : memref<80x128xf32, #tpu.memory_space<vmem>>) target(%dma_start3A_95 : memref<80x128xf32, #tpu.memory_space<vmem_shared>>) target_semaphore(%run_scoped3A : memref<!tpu.dma_semaphore, #tpu.memory_space<semaphore_mem>>)
      %dma_wait3A_99 = arith.constant 0 : i32
      %dma_wait3A_100 = arith.constant 0 : i32
      %dma_wait3A_101 = tpu.memref_slice %arg10[%dma_wait3A_99, %dma_wait3A_100] : memref<125x128xf32, #tpu.memory_space<vmem>> -> memref<80x128xf32, #tpu.memory_space<vmem>>
      %dma_wait3A_102 = arith.constant 0 : i32
      %dma_wait3A_103 = tpu.memref_slice %arg11[%add3A_18, %dma_wait3A_102] : memref<10240x128xf32, #tpu.memory_space<vmem_shared>> -> memref<80x128xf32, #tpu.memory_space<vmem_shared>>
      %dma_wait3A_104 = arith.constant 0 : i32
      %dma_wait3A_105 = tpu.memref_slice %arg11[%add3A_18, %dma_wait3A_104] : memref<10240x128xf32, #tpu.memory_space<vmem_shared>> -> memref<80x128xf32, #tpu.memory_space<vmem_shared>>
      %dma_wait3A_106 = arith.constant 0 : i32
      %dma_wait3A_107 = arith.constant 0 : i32
      %dma_wait3A_108 = tpu.memref_slice %arg10[%dma_wait3A_106, %dma_wait3A_107] : memref<125x128xf32, #tpu.memory_space<vmem>> -> memref<80x128xf32, #tpu.memory_space<vmem>>
      tpu.wait_dma2 semaphore(%run_scoped3A : memref<!tpu.dma_semaphore, #tpu.memory_space<semaphore_mem>>) src(%dma_wait3A_108 : memref<80x128xf32, #tpu.memory_space<vmem>>) dst(%dma_wait3A_105 : memref<80x128xf32, #tpu.memory_space<vmem_shared>>)
      tpu.yield
    }) : () -> ()
    %mul3A_19 = arith.constant 640 : i32
    %mul3A_20 = arith.muli %arg1, %mul3A_19 : i32
    %add3A_21 = arith.constant 160 : i32
    %add3A_22 = arith.addi %mul3A_20, %add3A_21 : i32
    "tpu.region"() ({
      %run_scoped3A = tpu.sem_alloc : memref<!tpu.dma_semaphore, #tpu.memory_space<semaphore_mem>>
      %dma_start3A_89 = arith.constant 0 : i32
      %dma_start3A_90 = arith.constant 0 : i32
      %dma_start3A_91 = tpu.memref_slice %arg10[%dma_start3A_89, %dma_start3A_90] : memref<125x128xf32, #tpu.memory_space<vmem>> -> memref<80x128xf32, #tpu.memory_space<vmem>>
      %dma_start3A_92 = arith.constant 0 : i32
      %dma_start3A_93 = tpu.memref_slice %arg11[%add3A_22, %dma_start3A_92] : memref<10240x128xf32, #tpu.memory_space<vmem_shared>> -> memref<80x128xf32, #tpu.memory_space<vmem_shared>>
      %dma_start3A_94 = arith.constant 0 : i32
      %dma_start3A_95 = tpu.memref_slice %arg11[%add3A_22, %dma_start3A_94] : memref<10240x128xf32, #tpu.memory_space<vmem_shared>> -> memref<80x128xf32, #tpu.memory_space<vmem_shared>>
      %dma_start3A_96 = arith.constant 0 : i32
      %dma_start3A_97 = arith.constant 0 : i32
      %dma_start3A_98 = tpu.memref_slice %arg10[%dma_start3A_96, %dma_start3A_97] : memref<125x128xf32, #tpu.memory_space<vmem>> -> memref<80x128xf32, #tpu.memory_space<vmem>>
      tpu.enqueue_dma source(%dma_start3A_98 : memref<80x128xf32, #tpu.memory_space<vmem>>) target(%dma_start3A_95 : memref<80x128xf32, #tpu.memory_space<vmem_shared>>) target_semaphore(%run_scoped3A : memref<!tpu.dma_semaphore, #tpu.memory_space<semaphore_mem>>)
      %dma_wait3A_99 = arith.constant 0 : i32
      %dma_wait3A_100 = arith.constant 0 : i32
      %dma_wait3A_101 = tpu.memref_slice %arg10[%dma_wait3A_99, %dma_wait3A_100] : memref<125x128xf32, #tpu.memory_space<vmem>> -> memref<80x128xf32, #tpu.memory_space<vmem>>
      %dma_wait3A_102 = arith.constant 0 : i32
      %dma_wait3A_103 = tpu.memref_slice %arg11[%add3A_22, %dma_wait3A_102] : memref<10240x128xf32, #tpu.memory_space<vmem_shared>> -> memref<80x128xf32, #tpu.memory_space<vmem_shared>>
      %dma_wait3A_104 = arith.constant 0 : i32
      %dma_wait3A_105 = tpu.memref_slice %arg11[%add3A_22, %dma_wait3A_104] : memref<10240x128xf32, #tpu.memory_space<vmem_shared>> -> memref<80x128xf32, #tpu.memory_space<vmem_shared>>
      %dma_wait3A_106 = arith.constant 0 : i32
      %dma_wait3A_107 = arith.constant 0 : i32
      %dma_wait3A_108 = tpu.memref_slice %arg10[%dma_wait3A_106, %dma_wait3A_107] : memref<125x128xf32, #tpu.memory_space<vmem>> -> memref<80x128xf32, #tpu.memory_space<vmem>>
      tpu.wait_dma2 semaphore(%run_scoped3A : memref<!tpu.dma_semaphore, #tpu.memory_space<semaphore_mem>>) src(%dma_wait3A_108 : memref<80x128xf32, #tpu.memory_space<vmem>>) dst(%dma_wait3A_105 : memref<80x128xf32, #tpu.memory_space<vmem_shared>>)
      tpu.yield
    }) : () -> ()
    %mul3A_23 = arith.constant 640 : i32
    %mul3A_24 = arith.muli %arg1, %mul3A_23 : i32
    %add3A_25 = arith.constant 240 : i32
    %add3A_26 = arith.addi %mul3A_24, %add3A_25 : i32
    "tpu.region"() ({
      %run_scoped3A = tpu.sem_alloc : memref<!tpu.dma_semaphore, #tpu.memory_space<semaphore_mem>>
      %dma_start3A_89 = arith.constant 0 : i32
      %dma_start3A_90 = arith.constant 0 : i32
      %dma_start3A_91 = tpu.memref_slice %arg10[%dma_start3A_89, %dma_start3A_90] : memref<125x128xf32, #tpu.memory_space<vmem>> -> memref<80x128xf32, #tpu.memory_space<vmem>>
      %dma_start3A_92 = arith.constant 0 : i32
      %dma_start3A_93 = tpu.memref_slice %arg11[%add3A_26, %dma_start3A_92] : memref<10240x128xf32, #tpu.memory_space<vmem_shared>> -> memref<80x128xf32, #tpu.memory_space<vmem_shared>>
      %dma_start3A_94 = arith.constant 0 : i32
      %dma_start3A_95 = tpu.memref_slice %arg11[%add3A_26, %dma_start3A_94] : memref<10240x128xf32, #tpu.memory_space<vmem_shared>> -> memref<80x128xf32, #tpu.memory_space<vmem_shared>>
      %dma_start3A_96 = arith.constant 0 : i32
      %dma_start3A_97 = arith.constant 0 : i32
      %dma_start3A_98 = tpu.memref_slice %arg10[%dma_start3A_96, %dma_start3A_97] : memref<125x128xf32, #tpu.memory_space<vmem>> -> memref<80x128xf32, #tpu.memory_space<vmem>>
      tpu.enqueue_dma source(%dma_start3A_98 : memref<80x128xf32, #tpu.memory_space<vmem>>) target(%dma_start3A_95 : memref<80x128xf32, #tpu.memory_space<vmem_shared>>) target_semaphore(%run_scoped3A : memref<!tpu.dma_semaphore, #tpu.memory_space<semaphore_mem>>)
      %dma_wait3A_99 = arith.constant 0 : i32
      %dma_wait3A_100 = arith.constant 0 : i32
      %dma_wait3A_101 = tpu.memref_slice %arg10[%dma_wait3A_99, %dma_wait3A_100] : memref<125x128xf32, #tpu.memory_space<vmem>> -> memref<80x128xf32, #tpu.memory_space<vmem>>
      %dma_wait3A_102 = arith.constant 0 : i32
      %dma_wait3A_103 = tpu.memref_slice %arg11[%add3A_26, %dma_wait3A_102] : memref<10240x128xf32, #tpu.memory_space<vmem_shared>> -> memref<80x128xf32, #tpu.memory_space<vmem_shared>>
      %dma_wait3A_104 = arith.constant 0 : i32
      %dma_wait3A_105 = tpu.memref_slice %arg11[%add3A_26, %dma_wait3A_104] : memref<10240x128xf32, #tpu.memory_space<vmem_shared>> -> memref<80x128xf32, #tpu.memory_space<vmem_shared>>
      %dma_wait3A_106 = arith.constant 0 : i32
      %dma_wait3A_107 = arith.constant 0 : i32
      %dma_wait3A_108 = tpu.memref_slice %arg10[%dma_wait3A_106, %dma_wait3A_107] : memref<125x128xf32, #tpu.memory_space<vmem>> -> memref<80x128xf32, #tpu.memory_space<vmem>>
      tpu.wait_dma2 semaphore(%run_scoped3A : memref<!tpu.dma_semaphore, #tpu.memory_space<semaphore_mem>>) src(%dma_wait3A_108 : memref<80x128xf32, #tpu.memory_space<vmem>>) dst(%dma_wait3A_105 : memref<80x128xf32, #tpu.memory_space<vmem_shared>>)
      tpu.yield
    }) : () -> ()
    %mul3A_27 = arith.constant 640 : i32
    %mul3A_28 = arith.muli %arg1, %mul3A_27 : i32
    %add3A_29 = arith.constant 320 : i32
    %add3A_30 = arith.addi %mul3A_28, %add3A_29 : i32
    "tpu.region"() ({
      %run_scoped3A = tpu.sem_alloc : memref<!tpu.dma_semaphore, #tpu.memory_space<semaphore_mem>>
      %dma_start3A_89 = arith.constant 0 : i32
      %dma_start3A_90 = arith.constant 0 : i32
      %dma_start3A_91 = tpu.memref_slice %arg10[%dma_start3A_89, %dma_start3A_90] : memref<125x128xf32, #tpu.memory_space<vmem>> -> memref<80x128xf32, #tpu.memory_space<vmem>>
      %dma_start3A_92 = arith.constant 0 : i32
      %dma_start3A_93 = tpu.memref_slice %arg11[%add3A_30, %dma_start3A_92] : memref<10240x128xf32, #tpu.memory_space<vmem_shared>> -> memref<80x128xf32, #tpu.memory_space<vmem_shared>>
      %dma_start3A_94 = arith.constant 0 : i32
      %dma_start3A_95 = tpu.memref_slice %arg11[%add3A_30, %dma_start3A_94] : memref<10240x128xf32, #tpu.memory_space<vmem_shared>> -> memref<80x128xf32, #tpu.memory_space<vmem_shared>>
      %dma_start3A_96 = arith.constant 0 : i32
      %dma_start3A_97 = arith.constant 0 : i32
      %dma_start3A_98 = tpu.memref_slice %arg10[%dma_start3A_96, %dma_start3A_97] : memref<125x128xf32, #tpu.memory_space<vmem>> -> memref<80x128xf32, #tpu.memory_space<vmem>>
      tpu.enqueue_dma source(%dma_start3A_98 : memref<80x128xf32, #tpu.memory_space<vmem>>) target(%dma_start3A_95 : memref<80x128xf32, #tpu.memory_space<vmem_shared>>) target_semaphore(%run_scoped3A : memref<!tpu.dma_semaphore, #tpu.memory_space<semaphore_mem>>)
      %dma_wait3A_99 = arith.constant 0 : i32
      %dma_wait3A_100 = arith.constant 0 : i32
      %dma_wait3A_101 = tpu.memref_slice %arg10[%dma_wait3A_99, %dma_wait3A_100] : memref<125x128xf32, #tpu.memory_space<vmem>> -> memref<80x128xf32, #tpu.memory_space<vmem>>
      %dma_wait3A_102 = arith.constant 0 : i32
      %dma_wait3A_103 = tpu.memref_slice %arg11[%add3A_30, %dma_wait3A_102] : memref<10240x128xf32, #tpu.memory_space<vmem_shared>> -> memref<80x128xf32, #tpu.memory_space<vmem_shared>>
      %dma_wait3A_104 = arith.constant 0 : i32
      %dma_wait3A_105 = tpu.memref_slice %arg11[%add3A_30, %dma_wait3A_104] : memref<10240x128xf32, #tpu.memory_space<vmem_shared>> -> memref<80x128xf32, #tpu.memory_space<vmem_shared>>
      %dma_wait3A_106 = arith.constant 0 : i32
      %dma_wait3A_107 = arith.constant 0 : i32
      %dma_wait3A_108 = tpu.memref_slice %arg10[%dma_wait3A_106, %dma_wait3A_107] : memref<125x128xf32, #tpu.memory_space<vmem>> -> memref<80x128xf32, #tpu.memory_space<vmem>>
      tpu.wait_dma2 semaphore(%run_scoped3A : memref<!tpu.dma_semaphore, #tpu.memory_space<semaphore_mem>>) src(%dma_wait3A_108 : memref<80x128xf32, #tpu.memory_space<vmem>>) dst(%dma_wait3A_105 : memref<80x128xf32, #tpu.memory_space<vmem_shared>>)
      tpu.yield
    }) : () -> ()
    %mul3A_31 = arith.constant 640 : i32
    %mul3A_32 = arith.muli %arg1, %mul3A_31 : i32
    %add3A_33 = arith.constant 400 : i32
    %add3A_34 = arith.addi %mul3A_32, %add3A_33 : i32
    "tpu.region"() ({
      %run_scoped3A = tpu.sem_alloc : memref<!tpu.dma_semaphore, #tpu.memory_space<semaphore_mem>>
      %dma_start3A_89 = arith.constant 0 : i32
      %dma_start3A_90 = arith.constant 0 : i32
      %dma_start3A_91 = tpu.memref_slice %arg10[%dma_start3A_89, %dma_start3A_90] : memref<125x128xf32, #tpu.memory_space<vmem>> -> memref<80x128xf32, #tpu.memory_space<vmem>>
      %dma_start3A_92 = arith.constant 0 : i32
      %dma_start3A_93 = tpu.memref_slice %arg11[%add3A_34, %dma_start3A_92] : memref<10240x128xf32, #tpu.memory_space<vmem_shared>> -> memref<80x128xf32, #tpu.memory_space<vmem_shared>>
      %dma_start3A_94 = arith.constant 0 : i32
      %dma_start3A_95 = tpu.memref_slice %arg11[%add3A_34, %dma_start3A_94] : memref<10240x128xf32, #tpu.memory_space<vmem_shared>> -> memref<80x128xf32, #tpu.memory_space<vmem_shared>>
      %dma_start3A_96 = arith.constant 0 : i32
      %dma_start3A_97 = arith.constant 0 : i32
      %dma_start3A_98 = tpu.memref_slice %arg10[%dma_start3A_96, %dma_start3A_97] : memref<125x128xf32, #tpu.memory_space<vmem>> -> memref<80x128xf32, #tpu.memory_space<vmem>>
      tpu.enqueue_dma source(%dma_start3A_98 : memref<80x128xf32, #tpu.memory_space<vmem>>) target(%dma_start3A_95 : memref<80x128xf32, #tpu.memory_space<vmem_shared>>) target_semaphore(%run_scoped3A : memref<!tpu.dma_semaphore, #tpu.memory_space<semaphore_mem>>)
      %dma_wait3A_99 = arith.constant 0 : i32
      %dma_wait3A_100 = arith.constant 0 : i32
      %dma_wait3A_101 = tpu.memref_slice %arg10[%dma_wait3A_99, %dma_wait3A_100] : memref<125x128xf32, #tpu.memory_space<vmem>> -> memref<80x128xf32, #tpu.memory_space<vmem>>
      %dma_wait3A_102 = arith.constant 0 : i32
      %dma_wait3A_103 = tpu.memref_slice %arg11[%add3A_34, %dma_wait3A_102] : memref<10240x128xf32, #tpu.memory_space<vmem_shared>> -> memref<80x128xf32, #tpu.memory_space<vmem_shared>>
      %dma_wait3A_104 = arith.constant 0 : i32
      %dma_wait3A_105 = tpu.memref_slice %arg11[%add3A_34, %dma_wait3A_104] : memref<10240x128xf32, #tpu.memory_space<vmem_shared>> -> memref<80x128xf32, #tpu.memory_space<vmem_shared>>
      %dma_wait3A_106 = arith.constant 0 : i32
      %dma_wait3A_107 = arith.constant 0 : i32
      %dma_wait3A_108 = tpu.memref_slice %arg10[%dma_wait3A_106, %dma_wait3A_107] : memref<125x128xf32, #tpu.memory_space<vmem>> -> memref<80x128xf32, #tpu.memory_space<vmem>>
      tpu.wait_dma2 semaphore(%run_scoped3A : memref<!tpu.dma_semaphore, #tpu.memory_space<semaphore_mem>>) src(%dma_wait3A_108 : memref<80x128xf32, #tpu.memory_space<vmem>>) dst(%dma_wait3A_105 : memref<80x128xf32, #tpu.memory_space<vmem_shared>>)
      tpu.yield
    }) : () -> ()
    %mul3A_35 = arith.constant 640 : i32
    %mul3A_36 = arith.muli %arg1, %mul3A_35 : i32
    %add3A_37 = arith.constant 480 : i32
    %add3A_38 = arith.addi %mul3A_36, %add3A_37 : i32
    "tpu.region"() ({
      %run_scoped3A = tpu.sem_alloc : memref<!tpu.dma_semaphore, #tpu.memory_space<semaphore_mem>>
      %dma_start3A_89 = arith.constant 0 : i32
      %dma_start3A_90 = arith.constant 0 : i32
      %dma_start3A_91 = tpu.memref_slice %arg10[%dma_start3A_89, %dma_start3A_90] : memref<125x128xf32, #tpu.memory_space<vmem>> -> memref<80x128xf32, #tpu.memory_space<vmem>>
      %dma_start3A_92 = arith.constant 0 : i32
      %dma_start3A_93 = tpu.memref_slice %arg11[%add3A_38, %dma_start3A_92] : memref<10240x128xf32, #tpu.memory_space<vmem_shared>> -> memref<80x128xf32, #tpu.memory_space<vmem_shared>>
      %dma_start3A_94 = arith.constant 0 : i32
      %dma_start3A_95 = tpu.memref_slice %arg11[%add3A_38, %dma_start3A_94] : memref<10240x128xf32, #tpu.memory_space<vmem_shared>> -> memref<80x128xf32, #tpu.memory_space<vmem_shared>>
      %dma_start3A_96 = arith.constant 0 : i32
      %dma_start3A_97 = arith.constant 0 : i32
      %dma_start3A_98 = tpu.memref_slice %arg10[%dma_start3A_96, %dma_start3A_97] : memref<125x128xf32, #tpu.memory_space<vmem>> -> memref<80x128xf32, #tpu.memory_space<vmem>>
      tpu.enqueue_dma source(%dma_start3A_98 : memref<80x128xf32, #tpu.memory_space<vmem>>) target(%dma_start3A_95 : memref<80x128xf32, #tpu.memory_space<vmem_shared>>) target_semaphore(%run_scoped3A : memref<!tpu.dma_semaphore, #tpu.memory_space<semaphore_mem>>)
      %dma_wait3A_99 = arith.constant 0 : i32
      %dma_wait3A_100 = arith.constant 0 : i32
      %dma_wait3A_101 = tpu.memref_slice %arg10[%dma_wait3A_99, %dma_wait3A_100] : memref<125x128xf32, #tpu.memory_space<vmem>> -> memref<80x128xf32, #tpu.memory_space<vmem>>
      %dma_wait3A_102 = arith.constant 0 : i32
      %dma_wait3A_103 = tpu.memref_slice %arg11[%add3A_38, %dma_wait3A_102] : memref<10240x128xf32, #tpu.memory_space<vmem_shared>> -> memref<80x128xf32, #tpu.memory_space<vmem_shared>>
      %dma_wait3A_104 = arith.constant 0 : i32
      %dma_wait3A_105 = tpu.memref_slice %arg11[%add3A_38, %dma_wait3A_104] : memref<10240x128xf32, #tpu.memory_space<vmem_shared>> -> memref<80x128xf32, #tpu.memory_space<vmem_shared>>
      %dma_wait3A_106 = arith.constant 0 : i32
      %dma_wait3A_107 = arith.constant 0 : i32
      %dma_wait3A_108 = tpu.memref_slice %arg10[%dma_wait3A_106, %dma_wait3A_107] : memref<125x128xf32, #tpu.memory_space<vmem>> -> memref<80x128xf32, #tpu.memory_space<vmem>>
      tpu.wait_dma2 semaphore(%run_scoped3A : memref<!tpu.dma_semaphore, #tpu.memory_space<semaphore_mem>>) src(%dma_wait3A_108 : memref<80x128xf32, #tpu.memory_space<vmem>>) dst(%dma_wait3A_105 : memref<80x128xf32, #tpu.memory_space<vmem_shared>>)
      tpu.yield
    }) : () -> ()
    %mul3A_39 = arith.constant 640 : i32
    %mul3A_40 = arith.muli %arg1, %mul3A_39 : i32
    %add3A_41 = arith.constant 560 : i32
    %add3A_42 = arith.addi %mul3A_40, %add3A_41 : i32
    "tpu.region"() ({
      %run_scoped3A = tpu.sem_alloc : memref<!tpu.dma_semaphore, #tpu.memory_space<semaphore_mem>>
      %dma_start3A_89 = arith.constant 0 : i32
      %dma_start3A_90 = arith.constant 0 : i32
      %dma_start3A_91 = tpu.memref_slice %arg10[%dma_start3A_89, %dma_start3A_90] : memref<125x128xf32, #tpu.memory_space<vmem>> -> memref<80x128xf32, #tpu.memory_space<vmem>>
      %dma_start3A_92 = arith.constant 0 : i32
      %dma_start3A_93 = tpu.memref_slice %arg11[%add3A_42, %dma_start3A_92] : memref<10240x128xf32, #tpu.memory_space<vmem_shared>> -> memref<80x128xf32, #tpu.memory_space<vmem_shared>>
      %dma_start3A_94 = arith.constant 0 : i32
      %dma_start3A_95 = tpu.memref_slice %arg11[%add3A_42, %dma_start3A_94] : memref<10240x128xf32, #tpu.memory_space<vmem_shared>> -> memref<80x128xf32, #tpu.memory_space<vmem_shared>>
      %dma_start3A_96 = arith.constant 0 : i32
      %dma_start3A_97 = arith.constant 0 : i32
      %dma_start3A_98 = tpu.memref_slice %arg10[%dma_start3A_96, %dma_start3A_97] : memref<125x128xf32, #tpu.memory_space<vmem>> -> memref<80x128xf32, #tpu.memory_space<vmem>>
      tpu.enqueue_dma source(%dma_start3A_98 : memref<80x128xf32, #tpu.memory_space<vmem>>) target(%dma_start3A_95 : memref<80x128xf32, #tpu.memory_space<vmem_shared>>) target_semaphore(%run_scoped3A : memref<!tpu.dma_semaphore, #tpu.memory_space<semaphore_mem>>)
      %dma_wait3A_99 = arith.constant 0 : i32
      %dma_wait3A_100 = arith.constant 0 : i32
      %dma_wait3A_101 = tpu.memref_slice %arg10[%dma_wait3A_99, %dma_wait3A_100] : memref<125x128xf32, #tpu.memory_space<vmem>> -> memref<80x128xf32, #tpu.memory_space<vmem>>
      %dma_wait3A_102 = arith.constant 0 : i32
      %dma_wait3A_103 = tpu.memref_slice %arg11[%add3A_42, %dma_wait3A_102] : memref<10240x128xf32, #tpu.memory_space<vmem_shared>> -> memref<80x128xf32, #tpu.memory_space<vmem_shared>>
      %dma_wait3A_104 = arith.constant 0 : i32
      %dma_wait3A_105 = tpu.memref_slice %arg11[%add3A_42, %dma_wait3A_104] : memref<10240x128xf32, #tpu.memory_space<vmem_shared>> -> memref<80x128xf32, #tpu.memory_space<vmem_shared>>
      %dma_wait3A_106 = arith.constant 0 : i32
      %dma_wait3A_107 = arith.constant 0 : i32
      %dma_wait3A_108 = tpu.memref_slice %arg10[%dma_wait3A_106, %dma_wait3A_107] : memref<125x128xf32, #tpu.memory_space<vmem>> -> memref<80x128xf32, #tpu.memory_space<vmem>>
      tpu.wait_dma2 semaphore(%run_scoped3A : memref<!tpu.dma_semaphore, #tpu.memory_space<semaphore_mem>>) src(%dma_wait3A_108 : memref<80x128xf32, #tpu.memory_space<vmem>>) dst(%dma_wait3A_105 : memref<80x128xf32, #tpu.memory_space<vmem_shared>>)
      tpu.yield
    }) : () -> ()
    %barrier3A = arith.constant 0 : index
    tpu.barrier barrier_id(%barrier3A)
    %scan3A = arith.constant 0 : i32
    %scan3A_43 = arith.constant 0 : i32
    %scan3A_44 = arith.constant 40 : i32
    %scan3A_45 = arith.addi %scan3A_43, %scan3A_44 : i32
    %scan3A_46 = arith.constant 1 : i32
    %scan3A_47 = scf.for %scan3A_89 = %scan3A_43 to %scan3A_45 step %scan3A_46 iter_args(%scan3A_90 = %scan3A) -> (i32)  : i32 {
      %jit3A = arith.constant 2 : i32
      %eq3A = arith.constant 0 : i32
      %eq3A_91 = arith.cmpi eq, %jit3A, %eq3A : i32
      %jit3A_92 = arith.constant 1 : i32
      %select_n3A = arith.select %eq3A_91, %jit3A_92, %jit3A : i32
      %rem3A = arith.remsi %scan3A_89, %select_n3A : i32
      %ne3A = arith.constant 0 : i32
      %ne3A_93 = arith.cmpi ne, %rem3A, %ne3A : i32
      %lt3A = arith.constant 0 : i32
      %lt3A_94 = arith.cmpi slt, %rem3A, %lt3A : i32
      %lt3A_95 = arith.constant 0 : i32
      %lt3A_96 = arith.cmpi slt, %select_n3A, %lt3A_95 : i32
      %ne3A_97 = arith.xori %lt3A_94, %lt3A_96 : i1
      %and3A = arith.andi %ne3A_97, %ne3A_93 : i1
      %add3A_98 = arith.addi %rem3A, %select_n3A : i32
      %select_n3A_99 = arith.select %and3A, %add3A_98, %rem3A : i32
      %eq3A_100 = arith.constant 0 : i32
      %eq3A_101 = arith.cmpi eq, %select_n3A_99, %eq3A_100 : i32
      %add3A_102 = arith.constant 1 : i32
      %add3A_103 = arith.addi %scan3A_89, %add3A_102 : i32
      %ge3A = arith.constant 1 : i32
      %ge3A_104 = arith.cmpi sge, %scan3A_89, %ge3A : i32
      %and3A_105 = arith.andi %ge3A_104, %eq3A_101 : i1
      %convert_element_type3A = arith.extui %and3A_105 : i1 to i32
      %cond3A = arith.constant 0 : i32
      %cond3A_106 = arith.cmpi ne, %convert_element_type3A, %cond3A : i32
      scf.if %cond3A_106 {
        %sub3A = arith.constant 1 : i32
        %sub3A_137 = arith.subi %scan3A_89, %sub3A : i32
        %dma_wait3A_138 = arith.constant 0 : i32
        %dma_wait3A_139 = tpu.memref_slice %arg8[%sub3A_137, %dma_wait3A_138] : memref<40x125xi32, #tpu.memory_space<vmem>> -> memref<1x125xi32, #tpu.memory_space<vmem>>
        %dma_wait3A_140 = tpu.memref_squeeze %dma_wait3A_139 : memref<1x125xi32, #tpu.memory_space<vmem>> -> memref<125xi32, #tpu.memory_space<vmem>>
        %dma_wait3A_141 = arith.constant 0 : i32
        %dma_wait3A_142 = arith.constant 0 : i32
        %dma_wait3A_143 = tpu.memref_slice %arg11[%dma_wait3A_141, %dma_wait3A_142] : memref<10240x128xf32, #tpu.memory_space<vmem_shared>> -> memref<10240x128xf32, #tpu.memory_space<vmem_shared>>
        tpu.wait_indirect_dma semaphore(%arg15 : memref<!tpu.dma_semaphore, #tpu.memory_space<semaphore_mem>>) src(%arg10 : memref<125x128xf32, #tpu.memory_space<vmem>>) dst(%dma_wait3A_143 : memref<10240x128xf32, #tpu.memory_space<vmem_shared>>)
      } else {
      }
      %ge3A_107 = arith.constant 1 : i32
      %ge3A_108 = arith.cmpi sge, %scan3A_89, %ge3A_107 : i32
      %not3A = arith.constant true
      %not3A_109 = arith.xori %eq3A_101, %not3A : i1
      %and3A_110 = arith.andi %ge3A_108, %not3A_109 : i1
      %convert_element_type3A_111 = arith.extui %and3A_110 : i1 to i32
      %cond3A_112 = arith.constant 0 : i32
      %cond3A_113 = arith.cmpi ne, %convert_element_type3A_111, %cond3A_112 : i32
      scf.if %cond3A_113 {
        %sub3A = arith.constant 1 : i32
        %sub3A_137 = arith.subi %scan3A_89, %sub3A : i32
        %dma_wait3A_138 = arith.constant 0 : i32
        %dma_wait3A_139 = tpu.memref_slice %arg8[%sub3A_137, %dma_wait3A_138] : memref<40x125xi32, #tpu.memory_space<vmem>> -> memref<1x125xi32, #tpu.memory_space<vmem>>
        %dma_wait3A_140 = tpu.memref_squeeze %dma_wait3A_139 : memref<1x125xi32, #tpu.memory_space<vmem>> -> memref<125xi32, #tpu.memory_space<vmem>>
        %dma_wait3A_141 = arith.constant 0 : i32
        %dma_wait3A_142 = arith.constant 0 : i32
        %dma_wait3A_143 = tpu.memref_slice %arg11[%dma_wait3A_141, %dma_wait3A_142] : memref<10240x128xf32, #tpu.memory_space<vmem_shared>> -> memref<10240x128xf32, #tpu.memory_space<vmem_shared>>
        tpu.wait_indirect_dma semaphore(%arg14 : memref<!tpu.dma_semaphore, #tpu.memory_space<semaphore_mem>>) src(%arg9 : memref<125x128xf32, #tpu.memory_space<vmem>>) dst(%dma_wait3A_143 : memref<10240x128xf32, #tpu.memory_space<vmem_shared>>)
      } else {
      }
      %lt3A_114 = arith.constant 40 : i32
      %lt3A_115 = arith.cmpi slt, %add3A_103, %lt3A_114 : i32
      %and3A_116 = arith.andi %lt3A_115, %eq3A_101 : i1
      %convert_element_type3A_117 = arith.extui %and3A_116 : i1 to i32
      %cond3A_118 = arith.constant 0 : i32
      %cond3A_119 = arith.cmpi ne, %convert_element_type3A_117, %cond3A_118 : i32
      scf.if %cond3A_119 {
        %dma_start3A_137 = arith.constant 0 : i32
        %dma_start3A_138 = tpu.memref_slice %arg7[%add3A_103, %dma_start3A_137] : memref<40x125xi32, #tpu.memory_space<vmem>> -> memref<1x125xi32, #tpu.memory_space<vmem>>
        %dma_start3A_139 = tpu.memref_squeeze %dma_start3A_138 : memref<1x125xi32, #tpu.memory_space<vmem>> -> memref<125xi32, #tpu.memory_space<vmem>>
        %dma_start3A_140 = arith.constant 0 : i32
        %dma_start3A_141 = arith.constant 0 : i32
        %dma_start3A_142 = tpu.memref_slice %arg4[%dma_start3A_140, %dma_start3A_141] : memref<10240x128xf32, #tpu.memory_space<hbm>> -> memref<10240x128xf32, #tpu.memory_space<hbm>>
        tpu.enqueue_indirect_dma source(%dma_start3A_142 : memref<10240x128xf32, #tpu.memory_space<hbm>>) target(%arg10 : memref<125x128xf32, #tpu.memory_space<vmem>>) offsets(%dma_start3A_139 : memref<125xi32, #tpu.memory_space<vmem>>) semaphore(%arg13 : memref<!tpu.dma_semaphore, #tpu.memory_space<semaphore_mem>>)
      } else {
      }
      %lt3A_120 = arith.constant 40 : i32
      %lt3A_121 = arith.cmpi slt, %add3A_103, %lt3A_120 : i32
      %not3A_122 = arith.constant true
      %not3A_123 = arith.xori %eq3A_101, %not3A_122 : i1
      %and3A_124 = arith.andi %lt3A_121, %not3A_123 : i1
      %convert_element_type3A_125 = arith.extui %and3A_124 : i1 to i32
      %cond3A_126 = arith.constant 0 : i32
      %cond3A_127 = arith.cmpi ne, %convert_element_type3A_125, %cond3A_126 : i32
      scf.if %cond3A_127 {
        %dma_start3A_137 = arith.constant 0 : i32
        %dma_start3A_138 = tpu.memref_slice %arg7[%add3A_103, %dma_start3A_137] : memref<40x125xi32, #tpu.memory_space<vmem>> -> memref<1x125xi32, #tpu.memory_space<vmem>>
        %dma_start3A_139 = tpu.memref_squeeze %dma_start3A_138 : memref<1x125xi32, #tpu.memory_space<vmem>> -> memref<125xi32, #tpu.memory_space<vmem>>
        %dma_start3A_140 = arith.constant 0 : i32
        %dma_start3A_141 = arith.constant 0 : i32
        %dma_start3A_142 = tpu.memref_slice %arg4[%dma_start3A_140, %dma_start3A_141] : memref<10240x128xf32, #tpu.memory_space<hbm>> -> memref<10240x128xf32, #tpu.memory_space<hbm>>
        tpu.enqueue_indirect_dma source(%dma_start3A_142 : memref<10240x128xf32, #tpu.memory_space<hbm>>) target(%arg9 : memref<125x128xf32, #tpu.memory_space<vmem>>) offsets(%dma_start3A_139 : memref<125xi32, #tpu.memory_space<vmem>>) semaphore(%arg12 : memref<!tpu.dma_semaphore, #tpu.memory_space<semaphore_mem>>)
      } else {
      }
      %convert_element_type3A_128 = arith.extui %eq3A_101 : i1 to i32
      %cond3A_129 = arith.constant 0 : i32
      %cond3A_130 = arith.cmpi ne, %convert_element_type3A_128, %cond3A_129 : i32
      scf.if %cond3A_130 {
        %dma_wait3A_137 = arith.constant 0 : i32
        %dma_wait3A_138 = tpu.memref_slice %arg7[%scan3A_89, %dma_wait3A_137] : memref<40x125xi32, #tpu.memory_space<vmem>> -> memref<1x125xi32, #tpu.memory_space<vmem>>
        %dma_wait3A_139 = tpu.memref_squeeze %dma_wait3A_138 : memref<1x125xi32, #tpu.memory_space<vmem>> -> memref<125xi32, #tpu.memory_space<vmem>>
        %dma_wait3A_140 = arith.constant 0 : i32
        %dma_wait3A_141 = arith.constant 0 : i32
        %dma_wait3A_142 = tpu.memref_slice %arg4[%dma_wait3A_140, %dma_wait3A_141] : memref<10240x128xf32, #tpu.memory_space<hbm>> -> memref<10240x128xf32, #tpu.memory_space<hbm>>
        tpu.wait_indirect_dma semaphore(%arg12 : memref<!tpu.dma_semaphore, #tpu.memory_space<semaphore_mem>>) src(%dma_wait3A_142 : memref<10240x128xf32, #tpu.memory_space<hbm>>) dst(%arg9 : memref<125x128xf32, #tpu.memory_space<vmem>>)
        %dma_start3A_143 = arith.constant 0 : i32
        %dma_start3A_144 = tpu.memref_slice %arg8[%scan3A_89, %dma_start3A_143] : memref<40x125xi32, #tpu.memory_space<vmem>> -> memref<1x125xi32, #tpu.memory_space<vmem>>
        %dma_start3A_145 = tpu.memref_squeeze %dma_start3A_144 : memref<1x125xi32, #tpu.memory_space<vmem>> -> memref<125xi32, #tpu.memory_space<vmem>>
        %dma_start3A_146 = arith.constant 0 : i32
        %dma_start3A_147 = arith.constant 0 : i32
        %dma_start3A_148 = tpu.memref_slice %arg11[%dma_start3A_146, %dma_start3A_147] : memref<10240x128xf32, #tpu.memory_space<vmem_shared>> -> memref<10240x128xf32, #tpu.memory_space<vmem_shared>>
        tpu.enqueue_indirect_dma source(%arg9 : memref<125x128xf32, #tpu.memory_space<vmem>>) target(%dma_start3A_148 : memref<10240x128xf32, #tpu.memory_space<vmem_shared>>) offsets(%dma_start3A_145 : memref<125xi32, #tpu.memory_space<vmem>>) semaphore(%arg14 : memref<!tpu.dma_semaphore, #tpu.memory_space<semaphore_mem>>) {add = true}
      } else {
      }
      %not3A_131 = arith.constant true
      %not3A_132 = arith.xori %eq3A_101, %not3A_131 : i1
      %convert_element_type3A_133 = arith.extui %not3A_132 : i1 to i32
      %cond3A_134 = arith.constant 0 : i32
      %cond3A_135 = arith.cmpi ne, %convert_element_type3A_133, %cond3A_134 : i32
      scf.if %cond3A_135 {
        %dma_wait3A_137 = arith.constant 0 : i32
        %dma_wait3A_138 = tpu.memref_slice %arg7[%scan3A_89, %dma_wait3A_137] : memref<40x125xi32, #tpu.memory_space<vmem>> -> memref<1x125xi32, #tpu.memory_space<vmem>>
        %dma_wait3A_139 = tpu.memref_squeeze %dma_wait3A_138 : memref<1x125xi32, #tpu.memory_space<vmem>> -> memref<125xi32, #tpu.memory_space<vmem>>
        %dma_wait3A_140 = arith.constant 0 : i32
        %dma_wait3A_141 = arith.constant 0 : i32
        %dma_wait3A_142 = tpu.memref_slice %arg4[%dma_wait3A_140, %dma_wait3A_141] : memref<10240x128xf32, #tpu.memory_space<hbm>> -> memref<10240x128xf32, #tpu.memory_space<hbm>>
        tpu.wait_indirect_dma semaphore(%arg13 : memref<!tpu.dma_semaphore, #tpu.memory_space<semaphore_mem>>) src(%dma_wait3A_142 : memref<10240x128xf32, #tpu.memory_space<hbm>>) dst(%arg10 : memref<125x128xf32, #tpu.memory_space<vmem>>)
        %dma_start3A_143 = arith.constant 0 : i32
        %dma_start3A_144 = tpu.memref_slice %arg8[%scan3A_89, %dma_start3A_143] : memref<40x125xi32, #tpu.memory_space<vmem>> -> memref<1x125xi32, #tpu.memory_space<vmem>>
        %dma_start3A_145 = tpu.memref_squeeze %dma_start3A_144 : memref<1x125xi32, #tpu.memory_space<vmem>> -> memref<125xi32, #tpu.memory_space<vmem>>
        %dma_start3A_146 = arith.constant 0 : i32
        %dma_start3A_147 = arith.constant 0 : i32
        %dma_start3A_148 = tpu.memref_slice %arg11[%dma_start3A_146, %dma_start3A_147] : memref<10240x128xf32, #tpu.memory_space<vmem_shared>> -> memref<10240x128xf32, #tpu.memory_space<vmem_shared>>
        tpu.enqueue_indirect_dma source(%arg10 : memref<125x128xf32, #tpu.memory_space<vmem>>) target(%dma_start3A_148 : memref<10240x128xf32, #tpu.memory_space<vmem_shared>>) offsets(%dma_start3A_145 : memref<125xi32, #tpu.memory_space<vmem>>) semaphore(%arg15 : memref<!tpu.dma_semaphore, #tpu.memory_space<semaphore_mem>>) {add = true}
      } else {
      }
      %scan3A_136 = arith.constant 0 : i32
      scf.yield %scan3A_136 : i32
    }
    %scan3A_48 = arith.constant 40 : i32
    %dma_wait3A = arith.constant 39 : i32
    %dma_wait3A_49 = arith.constant 0 : i32
    %dma_wait3A_50 = tpu.memref_slice %arg8[%dma_wait3A, %dma_wait3A_49] : memref<40x125xi32, #tpu.memory_space<vmem>> -> memref<1x125xi32, #tpu.memory_space<vmem>>
    %dma_wait3A_51 = tpu.memref_squeeze %dma_wait3A_50 : memref<1x125xi32, #tpu.memory_space<vmem>> -> memref<125xi32, #tpu.memory_space<vmem>>
    %dma_wait3A_52 = arith.constant 0 : i32
    %dma_wait3A_53 = arith.constant 0 : i32
    %dma_wait3A_54 = tpu.memref_slice %arg11[%dma_wait3A_52, %dma_wait3A_53] : memref<10240x128xf32, #tpu.memory_space<vmem_shared>> -> memref<10240x128xf32, #tpu.memory_space<vmem_shared>>
    tpu.wait_indirect_dma semaphore(%arg15 : memref<!tpu.dma_semaphore, #tpu.memory_space<semaphore_mem>>) src(%arg10 : memref<125x128xf32, #tpu.memory_space<vmem>>) dst(%dma_wait3A_54 : memref<10240x128xf32, #tpu.memory_space<vmem_shared>>)
    %mul3A_55 = arith.constant 80 : i32
    %mul3A_56 = arith.muli %add3A, %mul3A_55 : i32
    %add3A_57 = arith.constant 40 : i32
    %add3A_58 = arith.addi %mul3A_56, %add3A_57 : i32
    "tpu.region"() ({
      %run_scoped3A = tpu.sem_alloc : memref<!tpu.dma_semaphore, #tpu.memory_space<semaphore_mem>>
      %dma_start3A_89 = arith.constant 0 : i32
      %dma_start3A_90 = tpu.memref_slice %arg2[%add3A_58, %dma_start3A_89] : memref<2560x125xi32, #tpu.memory_space<hbm>> -> memref<40x125xi32, #tpu.memory_space<hbm>>
      %dma_start3A_91 = arith.constant 0 : i32
      %dma_start3A_92 = tpu.memref_slice %arg2[%add3A_58, %dma_start3A_91] : memref<2560x125xi32, #tpu.memory_space<hbm>> -> memref<40x125xi32, #tpu.memory_space<hbm>>
      tpu.enqueue_dma source(%dma_start3A_92 : memref<40x125xi32, #tpu.memory_space<hbm>>) target(%arg7 : memref<40x125xi32, #tpu.memory_space<vmem>>) target_semaphore(%run_scoped3A : memref<!tpu.dma_semaphore, #tpu.memory_space<semaphore_mem>>)
      %dma_wait3A_93 = arith.constant 0 : i32
      %dma_wait3A_94 = tpu.memref_slice %arg2[%add3A_58, %dma_wait3A_93] : memref<2560x125xi32, #tpu.memory_space<hbm>> -> memref<40x125xi32, #tpu.memory_space<hbm>>
      %dma_wait3A_95 = arith.constant 0 : i32
      %dma_wait3A_96 = tpu.memref_slice %arg2[%add3A_58, %dma_wait3A_95] : memref<2560x125xi32, #tpu.memory_space<hbm>> -> memref<40x125xi32, #tpu.memory_space<hbm>>
      tpu.wait_dma2 semaphore(%run_scoped3A : memref<!tpu.dma_semaphore, #tpu.memory_space<semaphore_mem>>) src(%dma_wait3A_96 : memref<40x125xi32, #tpu.memory_space<hbm>>) dst(%arg7 : memref<40x125xi32, #tpu.memory_space<vmem>>)
      tpu.yield
    }) : () -> ()
    %mul3A_59 = arith.constant 80 : i32
    %mul3A_60 = arith.muli %add3A, %mul3A_59 : i32
    %add3A_61 = arith.constant 40 : i32
    %add3A_62 = arith.addi %mul3A_60, %add3A_61 : i32
    "tpu.region"() ({
      %run_scoped3A = tpu.sem_alloc : memref<!tpu.dma_semaphore, #tpu.memory_space<semaphore_mem>>
      %dma_start3A_89 = arith.constant 0 : i32
      %dma_start3A_90 = tpu.memref_slice %arg3[%add3A_62, %dma_start3A_89] : memref<2560x125xi32, #tpu.memory_space<hbm>> -> memref<40x125xi32, #tpu.memory_space<hbm>>
      %dma_start3A_91 = arith.constant 0 : i32
      %dma_start3A_92 = tpu.memref_slice %arg3[%add3A_62, %dma_start3A_91] : memref<2560x125xi32, #tpu.memory_space<hbm>> -> memref<40x125xi32, #tpu.memory_space<hbm>>
      tpu.enqueue_dma source(%dma_start3A_92 : memref<40x125xi32, #tpu.memory_space<hbm>>) target(%arg8 : memref<40x125xi32, #tpu.memory_space<vmem>>) target_semaphore(%run_scoped3A : memref<!tpu.dma_semaphore, #tpu.memory_space<semaphore_mem>>)
      %dma_wait3A_93 = arith.constant 0 : i32
      %dma_wait3A_94 = tpu.memref_slice %arg3[%add3A_62, %dma_wait3A_93] : memref<2560x125xi32, #tpu.memory_space<hbm>> -> memref<40x125xi32, #tpu.memory_space<hbm>>
      %dma_wait3A_95 = arith.constant 0 : i32
      %dma_wait3A_96 = tpu.memref_slice %arg3[%add3A_62, %dma_wait3A_95] : memref<2560x125xi32, #tpu.memory_space<hbm>> -> memref<40x125xi32, #tpu.memory_space<hbm>>
      tpu.wait_dma2 semaphore(%run_scoped3A : memref<!tpu.dma_semaphore, #tpu.memory_space<semaphore_mem>>) src(%dma_wait3A_96 : memref<40x125xi32, #tpu.memory_space<hbm>>) dst(%arg8 : memref<40x125xi32, #tpu.memory_space<vmem>>)
      tpu.yield
    }) : () -> ()
    %dma_start3A_63 = arith.constant 0 : i32
    %dma_start3A_64 = arith.constant 0 : i32
    %dma_start3A_65 = tpu.memref_slice %arg7[%dma_start3A_63, %dma_start3A_64] : memref<40x125xi32, #tpu.memory_space<vmem>> -> memref<1x125xi32, #tpu.memory_space<vmem>>
    %dma_start3A_66 = tpu.memref_squeeze %dma_start3A_65 : memref<1x125xi32, #tpu.memory_space<vmem>> -> memref<125xi32, #tpu.memory_space<vmem>>
    %dma_start3A_67 = arith.constant 0 : i32
    %dma_start3A_68 = arith.constant 0 : i32
    %dma_start3A_69 = tpu.memref_slice %arg4[%dma_start3A_67, %dma_start3A_68] : memref<10240x128xf32, #tpu.memory_space<hbm>> -> memref<10240x128xf32, #tpu.memory_space<hbm>>
    tpu.enqueue_indirect_dma source(%dma_start3A_69 : memref<10240x128xf32, #tpu.memory_space<hbm>>) target(%arg9 : memref<125x128xf32, #tpu.memory_space<vmem>>) offsets(%dma_start3A_66 : memref<125xi32, #tpu.memory_space<vmem>>) semaphore(%arg12 : memref<!tpu.dma_semaphore, #tpu.memory_space<semaphore_mem>>)
    %scan3A_70 = arith.constant 0 : i32
    %scan3A_71 = arith.constant 0 : i32
    %scan3A_72 = arith.constant 40 : i32
    %scan3A_73 = arith.addi %scan3A_71, %scan3A_72 : i32
    %scan3A_74 = arith.constant 1 : i32
    %scan3A_75 = scf.for %scan3A_89 = %scan3A_71 to %scan3A_73 step %scan3A_74 iter_args(%scan3A_90 = %scan3A_70) -> (i32)  : i32 {
      %jit3A = arith.constant 2 : i32
      %eq3A = arith.constant 0 : i32
      %eq3A_91 = arith.cmpi eq, %jit3A, %eq3A : i32
      %jit3A_92 = arith.constant 1 : i32
      %select_n3A = arith.select %eq3A_91, %jit3A_92, %jit3A : i32
      %rem3A = arith.remsi %scan3A_89, %select_n3A : i32
      %ne3A = arith.constant 0 : i32
      %ne3A_93 = arith.cmpi ne, %rem3A, %ne3A : i32
      %lt3A = arith.constant 0 : i32
      %lt3A_94 = arith.cmpi slt, %rem3A, %lt3A : i32
      %lt3A_95 = arith.constant 0 : i32
      %lt3A_96 = arith.cmpi slt, %select_n3A, %lt3A_95 : i32
      %ne3A_97 = arith.xori %lt3A_94, %lt3A_96 : i1
      %and3A = arith.andi %ne3A_97, %ne3A_93 : i1
      %add3A_98 = arith.addi %rem3A, %select_n3A : i32
      %select_n3A_99 = arith.select %and3A, %add3A_98, %rem3A : i32
      %eq3A_100 = arith.constant 0 : i32
      %eq3A_101 = arith.cmpi eq, %select_n3A_99, %eq3A_100 : i32
      %add3A_102 = arith.constant 1 : i32
      %add3A_103 = arith.addi %scan3A_89, %add3A_102 : i32
      %ge3A = arith.constant 1 : i32
      %ge3A_104 = arith.cmpi sge, %scan3A_89, %ge3A : i32
      %and3A_105 = arith.andi %ge3A_104, %eq3A_101 : i1
      %convert_element_type3A = arith.extui %and3A_105 : i1 to i32
      %cond3A = arith.constant 0 : i32
      %cond3A_106 = arith.cmpi ne, %convert_element_type3A, %cond3A : i32
      scf.if %cond3A_106 {
        %sub3A = arith.constant 1 : i32
        %sub3A_137 = arith.subi %scan3A_89, %sub3A : i32
        %dma_wait3A_138 = arith.constant 0 : i32
        %dma_wait3A_139 = tpu.memref_slice %arg8[%sub3A_137, %dma_wait3A_138] : memref<40x125xi32, #tpu.memory_space<vmem>> -> memref<1x125xi32, #tpu.memory_space<vmem>>
        %dma_wait3A_140 = tpu.memref_squeeze %dma_wait3A_139 : memref<1x125xi32, #tpu.memory_space<vmem>> -> memref<125xi32, #tpu.memory_space<vmem>>
        %dma_wait3A_141 = arith.constant 0 : i32
        %dma_wait3A_142 = arith.constant 0 : i32
        %dma_wait3A_143 = tpu.memref_slice %arg11[%dma_wait3A_141, %dma_wait3A_142] : memref<10240x128xf32, #tpu.memory_space<vmem_shared>> -> memref<10240x128xf32, #tpu.memory_space<vmem_shared>>
        tpu.wait_indirect_dma semaphore(%arg15 : memref<!tpu.dma_semaphore, #tpu.memory_space<semaphore_mem>>) src(%arg10 : memref<125x128xf32, #tpu.memory_space<vmem>>) dst(%dma_wait3A_143 : memref<10240x128xf32, #tpu.memory_space<vmem_shared>>)
      } else {
      }
      %ge3A_107 = arith.constant 1 : i32
      %ge3A_108 = arith.cmpi sge, %scan3A_89, %ge3A_107 : i32
      %not3A = arith.constant true
      %not3A_109 = arith.xori %eq3A_101, %not3A : i1
      %and3A_110 = arith.andi %ge3A_108, %not3A_109 : i1
      %convert_element_type3A_111 = arith.extui %and3A_110 : i1 to i32
      %cond3A_112 = arith.constant 0 : i32
      %cond3A_113 = arith.cmpi ne, %convert_element_type3A_111, %cond3A_112 : i32
      scf.if %cond3A_113 {
        %sub3A = arith.constant 1 : i32
        %sub3A_137 = arith.subi %scan3A_89, %sub3A : i32
        %dma_wait3A_138 = arith.constant 0 : i32
        %dma_wait3A_139 = tpu.memref_slice %arg8[%sub3A_137, %dma_wait3A_138] : memref<40x125xi32, #tpu.memory_space<vmem>> -> memref<1x125xi32, #tpu.memory_space<vmem>>
        %dma_wait3A_140 = tpu.memref_squeeze %dma_wait3A_139 : memref<1x125xi32, #tpu.memory_space<vmem>> -> memref<125xi32, #tpu.memory_space<vmem>>
        %dma_wait3A_141 = arith.constant 0 : i32
        %dma_wait3A_142 = arith.constant 0 : i32
        %dma_wait3A_143 = tpu.memref_slice %arg11[%dma_wait3A_141, %dma_wait3A_142] : memref<10240x128xf32, #tpu.memory_space<vmem_shared>> -> memref<10240x128xf32, #tpu.memory_space<vmem_shared>>
        tpu.wait_indirect_dma semaphore(%arg14 : memref<!tpu.dma_semaphore, #tpu.memory_space<semaphore_mem>>) src(%arg9 : memref<125x128xf32, #tpu.memory_space<vmem>>) dst(%dma_wait3A_143 : memref<10240x128xf32, #tpu.memory_space<vmem_shared>>)
      } else {
      }
      %lt3A_114 = arith.constant 40 : i32
      %lt3A_115 = arith.cmpi slt, %add3A_103, %lt3A_114 : i32
      %and3A_116 = arith.andi %lt3A_115, %eq3A_101 : i1
      %convert_element_type3A_117 = arith.extui %and3A_116 : i1 to i32
      %cond3A_118 = arith.constant 0 : i32
      %cond3A_119 = arith.cmpi ne, %convert_element_type3A_117, %cond3A_118 : i32
      scf.if %cond3A_119 {
        %dma_start3A_137 = arith.constant 0 : i32
        %dma_start3A_138 = tpu.memref_slice %arg7[%add3A_103, %dma_start3A_137] : memref<40x125xi32, #tpu.memory_space<vmem>> -> memref<1x125xi32, #tpu.memory_space<vmem>>
        %dma_start3A_139 = tpu.memref_squeeze %dma_start3A_138 : memref<1x125xi32, #tpu.memory_space<vmem>> -> memref<125xi32, #tpu.memory_space<vmem>>
        %dma_start3A_140 = arith.constant 0 : i32
        %dma_start3A_141 = arith.constant 0 : i32
        %dma_start3A_142 = tpu.memref_slice %arg4[%dma_start3A_140, %dma_start3A_141] : memref<10240x128xf32, #tpu.memory_space<hbm>> -> memref<10240x128xf32, #tpu.memory_space<hbm>>
        tpu.enqueue_indirect_dma source(%dma_start3A_142 : memref<10240x128xf32, #tpu.memory_space<hbm>>) target(%arg10 : memref<125x128xf32, #tpu.memory_space<vmem>>) offsets(%dma_start3A_139 : memref<125xi32, #tpu.memory_space<vmem>>) semaphore(%arg13 : memref<!tpu.dma_semaphore, #tpu.memory_space<semaphore_mem>>)
      } else {
      }
      %lt3A_120 = arith.constant 40 : i32
      %lt3A_121 = arith.cmpi slt, %add3A_103, %lt3A_120 : i32
      %not3A_122 = arith.constant true
      %not3A_123 = arith.xori %eq3A_101, %not3A_122 : i1
      %and3A_124 = arith.andi %lt3A_121, %not3A_123 : i1
      %convert_element_type3A_125 = arith.extui %and3A_124 : i1 to i32
      %cond3A_126 = arith.constant 0 : i32
      %cond3A_127 = arith.cmpi ne, %convert_element_type3A_125, %cond3A_126 : i32
      scf.if %cond3A_127 {
        %dma_start3A_137 = arith.constant 0 : i32
        %dma_start3A_138 = tpu.memref_slice %arg7[%add3A_103, %dma_start3A_137] : memref<40x125xi32, #tpu.memory_space<vmem>> -> memref<1x125xi32, #tpu.memory_space<vmem>>
        %dma_start3A_139 = tpu.memref_squeeze %dma_start3A_138 : memref<1x125xi32, #tpu.memory_space<vmem>> -> memref<125xi32, #tpu.memory_space<vmem>>
        %dma_start3A_140 = arith.constant 0 : i32
        %dma_start3A_141 = arith.constant 0 : i32
        %dma_start3A_142 = tpu.memref_slice %arg4[%dma_start3A_140, %dma_start3A_141] : memref<10240x128xf32, #tpu.memory_space<hbm>> -> memref<10240x128xf32, #tpu.memory_space<hbm>>
        tpu.enqueue_indirect_dma source(%dma_start3A_142 : memref<10240x128xf32, #tpu.memory_space<hbm>>) target(%arg9 : memref<125x128xf32, #tpu.memory_space<vmem>>) offsets(%dma_start3A_139 : memref<125xi32, #tpu.memory_space<vmem>>) semaphore(%arg12 : memref<!tpu.dma_semaphore, #tpu.memory_space<semaphore_mem>>)
      } else {
      }
      %convert_element_type3A_128 = arith.extui %eq3A_101 : i1 to i32
      %cond3A_129 = arith.constant 0 : i32
      %cond3A_130 = arith.cmpi ne, %convert_element_type3A_128, %cond3A_129 : i32
      scf.if %cond3A_130 {
        %dma_wait3A_137 = arith.constant 0 : i32
        %dma_wait3A_138 = tpu.memref_slice %arg7[%scan3A_89, %dma_wait3A_137] : memref<40x125xi32, #tpu.memory_space<vmem>> -> memref<1x125xi32, #tpu.memory_space<vmem>>
        %dma_wait3A_139 = tpu.memref_squeeze %dma_wait3A_138 : memref<1x125xi32, #tpu.memory_space<vmem>> -> memref<125xi32, #tpu.memory_space<vmem>>
        %dma_wait3A_140 = arith.constant 0 : i32
        %dma_wait3A_141 = arith.constant 0 : i32
        %dma_wait3A_142 = tpu.memref_slice %arg4[%dma_wait3A_140, %dma_wait3A_141] : memref<10240x128xf32, #tpu.memory_space<hbm>> -> memref<10240x128xf32, #tpu.memory_space<hbm>>
        tpu.wait_indirect_dma semaphore(%arg12 : memref<!tpu.dma_semaphore, #tpu.memory_space<semaphore_mem>>) src(%dma_wait3A_142 : memref<10240x128xf32, #tpu.memory_space<hbm>>) dst(%arg9 : memref<125x128xf32, #tpu.memory_space<vmem>>)
        %dma_start3A_143 = arith.constant 0 : i32
        %dma_start3A_144 = tpu.memref_slice %arg8[%scan3A_89, %dma_start3A_143] : memref<40x125xi32, #tpu.memory_space<vmem>> -> memref<1x125xi32, #tpu.memory_space<vmem>>
        %dma_start3A_145 = tpu.memref_squeeze %dma_start3A_144 : memref<1x125xi32, #tpu.memory_space<vmem>> -> memref<125xi32, #tpu.memory_space<vmem>>
        %dma_start3A_146 = arith.constant 0 : i32
        %dma_start3A_147 = arith.constant 0 : i32
        %dma_start3A_148 = tpu.memref_slice %arg11[%dma_start3A_146, %dma_start3A_147] : memref<10240x128xf32, #tpu.memory_space<vmem_shared>> -> memref<10240x128xf32, #tpu.memory_space<vmem_shared>>
        tpu.enqueue_indirect_dma source(%arg9 : memref<125x128xf32, #tpu.memory_space<vmem>>) target(%dma_start3A_148 : memref<10240x128xf32, #tpu.memory_space<vmem_shared>>) offsets(%dma_start3A_145 : memref<125xi32, #tpu.memory_space<vmem>>) semaphore(%arg14 : memref<!tpu.dma_semaphore, #tpu.memory_space<semaphore_mem>>) {add = true}
      } else {
      }
      %not3A_131 = arith.constant true
      %not3A_132 = arith.xori %eq3A_101, %not3A_131 : i1
      %convert_element_type3A_133 = arith.extui %not3A_132 : i1 to i32
      %cond3A_134 = arith.constant 0 : i32
      %cond3A_135 = arith.cmpi ne, %convert_element_type3A_133, %cond3A_134 : i32
      scf.if %cond3A_135 {
        %dma_wait3A_137 = arith.constant 0 : i32
        %dma_wait3A_138 = tpu.memref_slice %arg7[%scan3A_89, %dma_wait3A_137] : memref<40x125xi32, #tpu.memory_space<vmem>> -> memref<1x125xi32, #tpu.memory_space<vmem>>
        %dma_wait3A_139 = tpu.memref_squeeze %dma_wait3A_138 : memref<1x125xi32, #tpu.memory_space<vmem>> -> memref<125xi32, #tpu.memory_space<vmem>>
        %dma_wait3A_140 = arith.constant 0 : i32
        %dma_wait3A_141 = arith.constant 0 : i32
        %dma_wait3A_142 = tpu.memref_slice %arg4[%dma_wait3A_140, %dma_wait3A_141] : memref<10240x128xf32, #tpu.memory_space<hbm>> -> memref<10240x128xf32, #tpu.memory_space<hbm>>
        tpu.wait_indirect_dma semaphore(%arg13 : memref<!tpu.dma_semaphore, #tpu.memory_space<semaphore_mem>>) src(%dma_wait3A_142 : memref<10240x128xf32, #tpu.memory_space<hbm>>) dst(%arg10 : memref<125x128xf32, #tpu.memory_space<vmem>>)
        %dma_start3A_143 = arith.constant 0 : i32
        %dma_start3A_144 = tpu.memref_slice %arg8[%scan3A_89, %dma_start3A_143] : memref<40x125xi32, #tpu.memory_space<vmem>> -> memref<1x125xi32, #tpu.memory_space<vmem>>
        %dma_start3A_145 = tpu.memref_squeeze %dma_start3A_144 : memref<1x125xi32, #tpu.memory_space<vmem>> -> memref<125xi32, #tpu.memory_space<vmem>>
        %dma_start3A_146 = arith.constant 0 : i32
        %dma_start3A_147 = arith.constant 0 : i32
        %dma_start3A_148 = tpu.memref_slice %arg11[%dma_start3A_146, %dma_start3A_147] : memref<10240x128xf32, #tpu.memory_space<vmem_shared>> -> memref<10240x128xf32, #tpu.memory_space<vmem_shared>>
        tpu.enqueue_indirect_dma source(%arg10 : memref<125x128xf32, #tpu.memory_space<vmem>>) target(%dma_start3A_148 : memref<10240x128xf32, #tpu.memory_space<vmem_shared>>) offsets(%dma_start3A_145 : memref<125xi32, #tpu.memory_space<vmem>>) semaphore(%arg15 : memref<!tpu.dma_semaphore, #tpu.memory_space<semaphore_mem>>) {add = true}
      } else {
      }
      %scan3A_136 = arith.constant 0 : i32
      scf.yield %scan3A_136 : i32
    }
    %scan3A_76 = arith.constant 40 : i32
    %dma_wait3A_77 = arith.constant 39 : i32
    %dma_wait3A_78 = arith.constant 0 : i32
    %dma_wait3A_79 = tpu.memref_slice %arg8[%dma_wait3A_77, %dma_wait3A_78] : memref<40x125xi32, #tpu.memory_space<vmem>> -> memref<1x125xi32, #tpu.memory_space<vmem>>
    %dma_wait3A_80 = tpu.memref_squeeze %dma_wait3A_79 : memref<1x125xi32, #tpu.memory_space<vmem>> -> memref<125xi32, #tpu.memory_space<vmem>>
    %dma_wait3A_81 = arith.constant 0 : i32
    %dma_wait3A_82 = arith.constant 0 : i32
    %dma_wait3A_83 = tpu.memref_slice %arg11[%dma_wait3A_81, %dma_wait3A_82] : memref<10240x128xf32, #tpu.memory_space<vmem_shared>> -> memref<10240x128xf32, #tpu.memory_space<vmem_shared>>
    tpu.wait_indirect_dma semaphore(%arg15 : memref<!tpu.dma_semaphore, #tpu.memory_space<semaphore_mem>>) src(%arg10 : memref<125x128xf32, #tpu.memory_space<vmem>>) dst(%dma_wait3A_83 : memref<10240x128xf32, #tpu.memory_space<vmem_shared>>)
    %barrier3A_84 = arith.constant 0 : index
    tpu.barrier barrier_id(%barrier3A_84)
    %mul3A_85 = arith.constant 640 : i32
    %mul3A_86 = arith.muli %arg1, %mul3A_85 : i32
    %mul3A_87 = arith.constant 640 : i32
    %mul3A_88 = arith.muli %arg1, %mul3A_87 : i32
    "tpu.region"() ({
      %run_scoped3A = tpu.sem_alloc : memref<!tpu.dma_semaphore, #tpu.memory_space<semaphore_mem>>
      %dma_start3A_89 = arith.constant 0 : i32
      %dma_start3A_90 = tpu.memref_slice %arg6[%arg0, %mul3A_88, %dma_start3A_89] : memref<2x10240x128xf32, #tpu.memory_space<hbm>> -> memref<1x640x128xf32, #tpu.memory_space<hbm>>
      %dma_start3A_91 = tpu.memref_squeeze %dma_start3A_90 : memref<1x640x128xf32, #tpu.memory_space<hbm>> -> memref<640x128xf32, #tpu.memory_space<hbm>>
      %dma_start3A_92 = arith.constant 0 : i32
      %dma_start3A_93 = tpu.memref_slice %arg11[%mul3A_86, %dma_start3A_92] : memref<10240x128xf32, #tpu.memory_space<vmem_shared>> -> memref<640x128xf32, #tpu.memory_space<vmem_shared>>
      tpu.enqueue_dma source(%dma_start3A_93 : memref<640x128xf32, #tpu.memory_space<vmem_shared>>) target(%dma_start3A_91 : memref<640x128xf32, #tpu.memory_space<hbm>>) target_semaphore(%run_scoped3A : memref<!tpu.dma_semaphore, #tpu.memory_space<semaphore_mem>>)
      %dma_wait3A_94 = arith.constant 0 : i32
      %dma_wait3A_95 = tpu.memref_slice %arg6[%arg0, %mul3A_88, %dma_wait3A_94] : memref<2x10240x128xf32, #tpu.memory_space<hbm>> -> memref<1x640x128xf32, #tpu.memory_space<hbm>>
      %dma_wait3A_96 = tpu.memref_squeeze %dma_wait3A_95 : memref<1x640x128xf32, #tpu.memory_space<hbm>> -> memref<640x128xf32, #tpu.memory_space<hbm>>
      %dma_wait3A_97 = arith.constant 0 : i32
      %dma_wait3A_98 = tpu.memref_slice %arg11[%mul3A_86, %dma_wait3A_97] : memref<10240x128xf32, #tpu.memory_space<vmem_shared>> -> memref<640x128xf32, #tpu.memory_space<vmem_shared>>
      tpu.wait_dma2 semaphore(%run_scoped3A : memref<!tpu.dma_semaphore, #tpu.memory_space<semaphore_mem>>) src(%dma_wait3A_98 : memref<640x128xf32, #tpu.memory_space<vmem_shared>>) dst(%dma_wait3A_96 : memref<640x128xf32, #tpu.memory_space<hbm>>)
      tpu.yield
    }) : () -> ()
    return
  }
}

#map = affine_map<(d0, d1) -> (0, 0)>
module attributes {stable_mosaic.version = 14 : i64} {
  func.func @body(%arg0: i32, %arg1: i32, %arg2: memref<2560x125xi32, #tpu.memory_space<hbm>>, %arg3: memref<2x10240xf32, #tpu.memory_space<hbm>>, %arg4: memref<80x125xi32, #tpu.memory_space<vmem>>, %arg5: memref<128xf32, #tpu.memory_space<vmem>>, %arg6: memref<640xf32, #tpu.memory_space<vmem>>, %arg7: memref<10240xf32, #tpu.memory_space<vmem_shared>>) attributes {dimension_semantics = [#tpu.dimension_semantics<core_parallel>, #tpu.dimension_semantics<subcore_parallel>], iteration_bounds = array<i64: 2, 16>, scalar_prefetch = 0 : i64, scratch_operands = 4 : i64, tpu.core_type = #tpu.core_type<sc_vector_subcore>, window_params = [{transform_indices = #map}, {transform_indices = #map}]} {
    %mul3A = arith.constant 16 : i32
    %mul3A_0 = arith.muli %arg0, %mul3A : i32
    %add3A = arith.addi %mul3A_0, %arg1 : i32
    %broadcast_in_dim3A = arith.constant 1.000000e+00 : f32
    %broadcast_in_dim3A_1 = vector.broadcast %broadcast_in_dim3A : f32 to vector<16xf32>
    %swap3A = arith.constant 0 : index
    %swap3A_2 = tpu.vector_load %arg5[%swap3A] {strides = array<i32>} : memref<128xf32, #tpu.memory_space<vmem>>, vector<16xf32>,
    %swap3A_3 = vector.shape_cast %swap3A_2 : vector<16xf32> to vector<16xf32>
    %swap3A_4 = vector.shape_cast %broadcast_in_dim3A_1 : vector<16xf32> to vector<16xf32>
    tpu.vector_store %arg5[%swap3A], %swap3A_4 {strides = array<i32>} : memref<128xf32, #tpu.memory_space<vmem>>, vector<16xf32>,
    %broadcast_in_dim3A_5 = arith.constant 1.000000e+00 : f32
    %broadcast_in_dim3A_6 = vector.broadcast %broadcast_in_dim3A_5 : f32 to vector<16xf32>
    %swap3A_7 = arith.constant 16 : index
    %swap3A_8 = tpu.vector_load %arg5[%swap3A_7] {strides = array<i32>} : memref<128xf32, #tpu.memory_space<vmem>>, vector<16xf32>,
    %swap3A_9 = vector.shape_cast %swap3A_8 : vector<16xf32> to vector<16xf32>
    %swap3A_10 = vector.shape_cast %broadcast_in_dim3A_6 : vector<16xf32> to vector<16xf32>
    tpu.vector_store %arg5[%swap3A_7], %swap3A_10 {strides = array<i32>} : memref<128xf32, #tpu.memory_space<vmem>>, vector<16xf32>,
    %broadcast_in_dim3A_11 = arith.constant 1.000000e+00 : f32
    %broadcast_in_dim3A_12 = vector.broadcast %broadcast_in_dim3A_11 : f32 to vector<16xf32>
    %swap3A_13 = arith.constant 32 : index
    %swap3A_14 = tpu.vector_load %arg5[%swap3A_13] {strides = array<i32>} : memref<128xf32, #tpu.memory_space<vmem>>, vector<16xf32>,
    %swap3A_15 = vector.shape_cast %swap3A_14 : vector<16xf32> to vector<16xf32>
    %swap3A_16 = vector.shape_cast %broadcast_in_dim3A_12 : vector<16xf32> to vector<16xf32>
    tpu.vector_store %arg5[%swap3A_13], %swap3A_16 {strides = array<i32>} : memref<128xf32, #tpu.memory_space<vmem>>, vector<16xf32>,
    %broadcast_in_dim3A_17 = arith.constant 1.000000e+00 : f32
    %broadcast_in_dim3A_18 = vector.broadcast %broadcast_in_dim3A_17 : f32 to vector<16xf32>
    %swap3A_19 = arith.constant 48 : index
    %swap3A_20 = tpu.vector_load %arg5[%swap3A_19] {strides = array<i32>} : memref<128xf32, #tpu.memory_space<vmem>>, vector<16xf32>,
    %swap3A_21 = vector.shape_cast %swap3A_20 : vector<16xf32> to vector<16xf32>
    %swap3A_22 = vector.shape_cast %broadcast_in_dim3A_18 : vector<16xf32> to vector<16xf32>
    tpu.vector_store %arg5[%swap3A_19], %swap3A_22 {strides = array<i32>} : memref<128xf32, #tpu.memory_space<vmem>>, vector<16xf32>,
    %broadcast_in_dim3A_23 = arith.constant 1.000000e+00 : f32
    %broadcast_in_dim3A_24 = vector.broadcast %broadcast_in_dim3A_23 : f32 to vector<16xf32>
    %swap3A_25 = arith.constant 64 : index
    %swap3A_26 = tpu.vector_load %arg5[%swap3A_25] {strides = array<i32>} : memref<128xf32, #tpu.memory_space<vmem>>, vector<16xf32>,
    %swap3A_27 = vector.shape_cast %swap3A_26 : vector<16xf32> to vector<16xf32>
    %swap3A_28 = vector.shape_cast %broadcast_in_dim3A_24 : vector<16xf32> to vector<16xf32>
    tpu.vector_store %arg5[%swap3A_25], %swap3A_28 {strides = array<i32>} : memref<128xf32, #tpu.memory_space<vmem>>, vector<16xf32>,
    %broadcast_in_dim3A_29 = arith.constant 1.000000e+00 : f32
    %broadcast_in_dim3A_30 = vector.broadcast %broadcast_in_dim3A_29 : f32 to vector<16xf32>
    %swap3A_31 = arith.constant 80 : index
    %swap3A_32 = tpu.vector_load %arg5[%swap3A_31] {strides = array<i32>} : memref<128xf32, #tpu.memory_space<vmem>>, vector<16xf32>,
    %swap3A_33 = vector.shape_cast %swap3A_32 : vector<16xf32> to vector<16xf32>
    %swap3A_34 = vector.shape_cast %broadcast_in_dim3A_30 : vector<16xf32> to vector<16xf32>
    tpu.vector_store %arg5[%swap3A_31], %swap3A_34 {strides = array<i32>} : memref<128xf32, #tpu.memory_space<vmem>>, vector<16xf32>,
    %broadcast_in_dim3A_35 = arith.constant 1.000000e+00 : f32
    %broadcast_in_dim3A_36 = vector.broadcast %broadcast_in_dim3A_35 : f32 to vector<16xf32>
    %swap3A_37 = arith.constant 96 : index
    %swap3A_38 = tpu.vector_load %arg5[%swap3A_37] {strides = array<i32>} : memref<128xf32, #tpu.memory_space<vmem>>, vector<16xf32>,
    %swap3A_39 = vector.shape_cast %swap3A_38 : vector<16xf32> to vector<16xf32>
    %swap3A_40 = vector.shape_cast %broadcast_in_dim3A_36 : vector<16xf32> to vector<16xf32>
    tpu.vector_store %arg5[%swap3A_37], %swap3A_40 {strides = array<i32>} : memref<128xf32, #tpu.memory_space<vmem>>, vector<16xf32>,
    %broadcast_in_dim3A_41 = arith.constant 1.000000e+00 : f32
    %broadcast_in_dim3A_42 = vector.broadcast %broadcast_in_dim3A_41 : f32 to vector<16xf32>
    %swap3A_43 = arith.constant 112 : index
    %swap3A_44 = tpu.vector_load %arg5[%swap3A_43] {strides = array<i32>} : memref<128xf32, #tpu.memory_space<vmem>>, vector<16xf32>,
    %swap3A_45 = vector.shape_cast %swap3A_44 : vector<16xf32> to vector<16xf32>
    %swap3A_46 = vector.shape_cast %broadcast_in_dim3A_42 : vector<16xf32> to vector<16xf32>
    tpu.vector_store %arg5[%swap3A_43], %swap3A_46 {strides = array<i32>} : memref<128xf32, #tpu.memory_space<vmem>>, vector<16xf32>,
    %scan3A = arith.constant 0 : i32
    %scan3A_47 = arith.constant 0 : i32
    %scan3A_48 = arith.constant 40 : i32
    %scan3A_49 = arith.addi %scan3A_47, %scan3A_48 : i32
    %scan3A_50 = arith.constant 1 : i32
    %scan3A_51 = scf.for %scan3A_69 = %scan3A_47 to %scan3A_49 step %scan3A_50 iter_args(%scan3A_70 = %scan3A) -> (i32)  : i32 {
      %broadcast_in_dim3A_71 = arith.constant 0.000000e+00 : f32
      %broadcast_in_dim3A_72 = vector.broadcast %broadcast_in_dim3A_71 : f32 to vector<16xf32>
      %mul3A_73 = arith.constant 16 : i32
      %mul3A_74 = arith.muli %scan3A_69, %mul3A_73 : i32
      %swap3A_75 = arith.index_cast %mul3A_74 : i32 to index
      %swap3A_76 = tpu.vector_load %arg6[%swap3A_75] {strides = array<i32>} : memref<640xf32, #tpu.memory_space<vmem>>, vector<16xf32>,
      %swap3A_77 = vector.shape_cast %swap3A_76 : vector<16xf32> to vector<16xf32>
      %swap3A_78 = vector.shape_cast %broadcast_in_dim3A_72 : vector<16xf32> to vector<16xf32>
      tpu.vector_store %arg6[%swap3A_75], %swap3A_78 {strides = array<i32>} : memref<640xf32, #tpu.memory_space<vmem>>, vector<16xf32>,
      %scan3A_79 = arith.constant 0 : i32
      scf.yield %scan3A_79 : i32
    }
    %scan3A_52 = arith.constant 40 : i32
    %mul3A_53 = arith.constant 640 : i32
    %mul3A_54 = arith.muli %arg1, %mul3A_53 : i32
    "tpu.region"() ({
      %run_scoped3A = tpu.sem_alloc : memref<!tpu.dma_semaphore, #tpu.memory_space<semaphore_mem>>
      %dma_start3A = tpu.memref_slice %arg7[%mul3A_54] : memref<10240xf32, #tpu.memory_space<vmem_shared>> -> memref<640xf32, #tpu.memory_space<vmem_shared>>
      %dma_start3A_69 = tpu.memref_slice %arg7[%mul3A_54] : memref<10240xf32, #tpu.memory_space<vmem_shared>> -> memref<640xf32, #tpu.memory_space<vmem_shared>>
      tpu.enqueue_dma source(%arg6 : memref<640xf32, #tpu.memory_space<vmem>>) target(%dma_start3A_69 : memref<640xf32, #tpu.memory_space<vmem_shared>>) target_semaphore(%run_scoped3A : memref<!tpu.dma_semaphore, #tpu.memory_space<semaphore_mem>>)
      %dma_wait3A = tpu.memref_slice %arg7[%mul3A_54] : memref<10240xf32, #tpu.memory_space<vmem_shared>> -> memref<640xf32, #tpu.memory_space<vmem_shared>>
      %dma_wait3A_70 = tpu.memref_slice %arg7[%mul3A_54] : memref<10240xf32, #tpu.memory_space<vmem_shared>> -> memref<640xf32, #tpu.memory_space<vmem_shared>>
      tpu.wait_dma2 semaphore(%run_scoped3A : memref<!tpu.dma_semaphore, #tpu.memory_space<semaphore_mem>>) src(%arg6 : memref<640xf32, #tpu.memory_space<vmem>>) dst(%dma_wait3A_70 : memref<640xf32, #tpu.memory_space<vmem_shared>>)
      tpu.yield
    }) : () -> ()
    %mul3A_55 = arith.constant 80 : i32
    %mul3A_56 = arith.muli %add3A, %mul3A_55 : i32
    "tpu.region"() ({
      %run_scoped3A = tpu.sem_alloc : memref<!tpu.dma_semaphore, #tpu.memory_space<semaphore_mem>>
      %dma_start3A = arith.constant 0 : i32
      %dma_start3A_69 = tpu.memref_slice %arg2[%mul3A_56, %dma_start3A] : memref<2560x125xi32, #tpu.memory_space<hbm>> -> memref<80x125xi32, #tpu.memory_space<hbm>>
      %dma_start3A_70 = arith.constant 0 : i32
      %dma_start3A_71 = tpu.memref_slice %arg2[%mul3A_56, %dma_start3A_70] : memref<2560x125xi32, #tpu.memory_space<hbm>> -> memref<80x125xi32, #tpu.memory_space<hbm>>
      tpu.enqueue_dma source(%dma_start3A_71 : memref<80x125xi32, #tpu.memory_space<hbm>>) target(%arg4 : memref<80x125xi32, #tpu.memory_space<vmem>>) target_semaphore(%run_scoped3A : memref<!tpu.dma_semaphore, #tpu.memory_space<semaphore_mem>>)
      %dma_wait3A = arith.constant 0 : i32
      %dma_wait3A_72 = tpu.memref_slice %arg2[%mul3A_56, %dma_wait3A] : memref<2560x125xi32, #tpu.memory_space<hbm>> -> memref<80x125xi32, #tpu.memory_space<hbm>>
      %dma_wait3A_73 = arith.constant 0 : i32
      %dma_wait3A_74 = tpu.memref_slice %arg2[%mul3A_56, %dma_wait3A_73] : memref<2560x125xi32, #tpu.memory_space<hbm>> -> memref<80x125xi32, #tpu.memory_space<hbm>>
      tpu.wait_dma2 semaphore(%run_scoped3A : memref<!tpu.dma_semaphore, #tpu.memory_space<semaphore_mem>>) src(%dma_wait3A_74 : memref<80x125xi32, #tpu.memory_space<hbm>>) dst(%arg4 : memref<80x125xi32, #tpu.memory_space<vmem>>)
      tpu.yield
    }) : () -> ()
    %barrier3A = arith.constant 0 : index
    tpu.barrier barrier_id(%barrier3A)
    %scan3A_57 = arith.constant 0 : i32
    %scan3A_58 = arith.constant 0 : i32
    %scan3A_59 = arith.constant 80 : i32
    %scan3A_60 = arith.addi %scan3A_58, %scan3A_59 : i32
    %scan3A_61 = arith.constant 1 : i32
    %scan3A_62 = scf.for %scan3A_69 = %scan3A_58 to %scan3A_60 step %scan3A_61 iter_args(%scan3A_70 = %scan3A_57) -> (i32)  : i32 {
      "tpu.region"() ({
        %run_scoped3A = tpu.sem_alloc : memref<!tpu.dma_semaphore, #tpu.memory_space<semaphore_mem>>
        %dma_start3A = arith.constant 0 : i32
        %dma_start3A_72 = tpu.memref_slice %arg5[%dma_start3A] : memref<128xf32, #tpu.memory_space<vmem>> -> memref<125xf32, #tpu.memory_space<vmem>>
        %dma_start3A_73 = arith.constant 0 : i32
        %dma_start3A_74 = tpu.memref_slice %arg4[%scan3A_69, %dma_start3A_73] : memref<80x125xi32, #tpu.memory_space<vmem>> -> memref<1x125xi32, #tpu.memory_space<vmem>>
        %dma_start3A_75 = tpu.memref_squeeze %dma_start3A_74 : memref<1x125xi32, #tpu.memory_space<vmem>> -> memref<125xi32, #tpu.memory_space<vmem>>
        %dma_start3A_76 = arith.constant 0 : i32
        %dma_start3A_77 = tpu.memref_slice %arg7[%dma_start3A_76] : memref<10240xf32, #tpu.memory_space<vmem_shared>> -> memref<10240xf32, #tpu.memory_space<vmem_shared>>
        tpu.enqueue_indirect_dma source(%dma_start3A_72 : memref<125xf32, #tpu.memory_space<vmem>>) target(%dma_start3A_77 : memref<10240xf32, #tpu.memory_space<vmem_shared>>) offsets(%dma_start3A_75 : memref<125xi32, #tpu.memory_space<vmem>>) semaphore(%run_scoped3A : memref<!tpu.dma_semaphore, #tpu.memory_space<semaphore_mem>>) {add = true}
        %dma_wait3A = arith.constant 0 : i32
        %dma_wait3A_78 = tpu.memref_slice %arg5[%dma_wait3A] : memref<128xf32, #tpu.memory_space<vmem>> -> memref<125xf32, #tpu.memory_space<vmem>>
        %dma_wait3A_79 = arith.constant 0 : i32
        %dma_wait3A_80 = tpu.memref_slice %arg4[%scan3A_69, %dma_wait3A_79] : memref<80x125xi32, #tpu.memory_space<vmem>> -> memref<1x125xi32, #tpu.memory_space<vmem>>
        %dma_wait3A_81 = tpu.memref_squeeze %dma_wait3A_80 : memref<1x125xi32, #tpu.memory_space<vmem>> -> memref<125xi32, #tpu.memory_space<vmem>>
        %dma_wait3A_82 = arith.constant 0 : i32
        %dma_wait3A_83 = tpu.memref_slice %arg7[%dma_wait3A_82] : memref<10240xf32, #tpu.memory_space<vmem_shared>> -> memref<10240xf32, #tpu.memory_space<vmem_shared>>
        tpu.wait_indirect_dma semaphore(%run_scoped3A : memref<!tpu.dma_semaphore, #tpu.memory_space<semaphore_mem>>) src(%dma_wait3A_78 : memref<125xf32, #tpu.memory_space<vmem>>) dst(%dma_wait3A_83 : memref<10240xf32, #tpu.memory_space<vmem_shared>>)
        tpu.yield
      }) : () -> ()
      %scan3A_71 = arith.constant 0 : i32
      scf.yield %scan3A_71 : i32
    }
    %scan3A_63 = arith.constant 80 : i32
    %barrier3A_64 = arith.constant 0 : index
    tpu.barrier barrier_id(%barrier3A_64)
    %mul3A_65 = arith.constant 640 : i32
    %mul3A_66 = arith.muli %arg1, %mul3A_65 : i32
    %mul3A_67 = arith.constant 640 : i32
    %mul3A_68 = arith.muli %arg1, %mul3A_67 : i32
    "tpu.region"() ({
      %run_scoped3A = tpu.sem_alloc : memref<!tpu.dma_semaphore, #tpu.memory_space<semaphore_mem>>
      %dma_start3A = tpu.memref_slice %arg3[%arg0, %mul3A_68] : memref<2x10240xf32, #tpu.memory_space<hbm>> -> memref<1x640xf32, #tpu.memory_space<hbm>>
      %dma_start3A_69 = tpu.memref_squeeze %dma_start3A : memref<1x640xf32, #tpu.memory_space<hbm>> -> memref<640xf32, #tpu.memory_space<hbm>>
      %dma_start3A_70 = tpu.memref_slice %arg7[%mul3A_66] : memref<10240xf32, #tpu.memory_space<vmem_shared>> -> memref<640xf32, #tpu.memory_space<vmem_shared>>
      tpu.enqueue_dma source(%dma_start3A_70 : memref<640xf32, #tpu.memory_space<vmem_shared>>) target(%dma_start3A_69 : memref<640xf32, #tpu.memory_space<hbm>>) target_semaphore(%run_scoped3A : memref<!tpu.dma_semaphore, #tpu.memory_space<semaphore_mem>>)
      %dma_wait3A = tpu.memref_slice %arg3[%arg0, %mul3A_68] : memref<2x10240xf32, #tpu.memory_space<hbm>> -> memref<1x640xf32, #tpu.memory_space<hbm>>
      %dma_wait3A_71 = tpu.memref_squeeze %dma_wait3A : memref<1x640xf32, #tpu.memory_space<hbm>> -> memref<640xf32, #tpu.memory_space<hbm>>
      %dma_wait3A_72 = tpu.memref_slice %arg7[%mul3A_66] : memref<10240xf32, #tpu.memory_space<vmem_shared>> -> memref<640xf32, #tpu.memory_space<vmem_shared>>
      tpu.wait_dma2 semaphore(%run_scoped3A : memref<!tpu.dma_semaphore, #tpu.memory_space<semaphore_mem>>) src(%dma_wait3A_72 : memref<640xf32, #tpu.memory_space<vmem_shared>>) dst(%dma_wait3A_71 : memref<640xf32, #tpu.memory_space<hbm>>)
      tpu.yield
    }) : () -> ()
    return
  }
}

module attributes {stable_mosaic.version = 14 : i64} {
  func.func @body(%arg0: i32, %arg1: memref<2560x128xf32, #tpu.memory_space<vmem>>, %arg2: memref<128x128xf32, #tpu.memory_space<vmem>>, %arg3: memref<2x2560x1xf32, #tpu.memory_space<vmem>>, %arg4: memref<2560x128xf32, #tpu.memory_space<vmem>>, %arg5: memref<2560x1xf32, #tpu.memory_space<vmem>>) attributes {dimension_semantics = [#tpu.dimension_semantics<arbitrary>], iteration_bounds = array<i64: 4>, scalar_prefetch = 0 : i64, scratch_operands = 0 : i64, tpu.core_type = #tpu.core_type<tc>, window_params = [{transform_indices = @transform_0, window_bounds = array<i64: 2560, 128>}, {pipeline_mode = #tpu.pipeline_mode<synchronous>, transform_indices = @transform_1, window_bounds = array<i64: 128, 128>}, {transform_indices = @transform_2, window_bounds = array<i64: 2, 2560, 1>}, {transform_indices = @transform_3, window_bounds = array<i64: 2560, 128>}, {transform_indices = @transform_4, window_bounds = array<i64: 2560, 1>}]} {
    %get3A = arith.constant 0 : index
    %get3A_0 = arith.constant 0 : index
    %get3A_1 = arith.constant 0 : index
    %get3A_2 = vector.load %arg3[%get3A, %get3A_0, %get3A_1] : memref<2x2560x1xf32, #tpu.memory_space<vmem>>, vector<1x2560x1xf32>
    %get3A_3 = vector.shape_cast %get3A_2 : vector<1x2560x1xf32> to vector<2560x1xf32>
    %get3A_4 = arith.constant 1 : index
    %get3A_5 = arith.constant 0 : index
    %get3A_6 = arith.constant 0 : index
    %get3A_7 = vector.load %arg3[%get3A_4, %get3A_5, %get3A_6] : memref<2x2560x1xf32, #tpu.memory_space<vmem>>, vector<1x2560x1xf32>
    %get3A_8 = vector.shape_cast %get3A_7 : vector<1x2560x1xf32> to vector<2560x1xf32>
    %add3A = arith.addf %get3A_3, %get3A_8 : vector<2560x1xf32>
    %add3A_9 = arith.constant 1.000000e+00 : f32
    %add3A_10 = vector.broadcast %add3A_9 : f32 to vector<2560x1xf32>
    %add3A_11 = arith.addf %add3A, %add3A_10 : vector<2560x1xf32>
    %rsqrt3A = math.rsqrt %add3A_11 : vector<2560x1xf32>
    %get3A_12 = arith.constant 0 : index
    %get3A_13 = arith.constant 0 : index
    %get3A_14 = vector.load %arg1[%get3A_12, %get3A_13] : memref<2560x128xf32, #tpu.memory_space<vmem>>, vector<2560x128xf32>
    %get3A_15 = arith.constant 0 : index
    %get3A_16 = arith.constant 0 : index
    %get3A_17 = vector.load %arg2[%get3A_15, %get3A_16] : memref<128x128xf32, #tpu.memory_space<vmem>>, vector<128x128xf32>
    %dot_general3A = arith.constant dense<0.000000e+00> : vector<2560x128xf32>
    %dot_general3A_18 = tpu.matmul %get3A_14, %get3A_17, %dot_general3A {dimension_numbers = #tpu.dot_dimension_numbers<[1], [0], [0], [1], [0, 0, 1, 1], [], []>, transpose_lhs_hint = false} : vector<2560x128xf32>, vector<128x128xf32>, vector<2560x128xf32> -> vector<2560x128xf32>
    %mul3A = vector.broadcast %rsqrt3A : vector<2560x1xf32> to vector<2560x128xf32>
    %mul3A_19 = arith.mulf %dot_general3A_18, %mul3A : vector<2560x128xf32>
    %swap3A = arith.constant 0 : index
    %swap3A_20 = arith.constant 0 : index
    %swap3A_21 = vector.load %arg4[%swap3A, %swap3A_20] : memref<2560x128xf32, #tpu.memory_space<vmem>>, vector<2560x128xf32>
    tpu.vector_store %arg4[%swap3A, %swap3A_20], %mul3A_19 {strides = array<i32>} : memref<2560x128xf32, #tpu.memory_space<vmem>>, vector<2560x128xf32>,
    %swap3A_22 = arith.constant 0 : index
    %swap3A_23 = arith.constant 0 : index
    %swap3A_24 = vector.load %arg5[%swap3A_22, %swap3A_23] : memref<2560x1xf32, #tpu.memory_space<vmem>>, vector<2560x1xf32>
    tpu.vector_store %arg5[%swap3A_22, %swap3A_23], %rsqrt3A {strides = array<i32>} : memref<2560x1xf32, #tpu.memory_space<vmem>>, vector<2560x1xf32>,
    return
  }
  func.func @transform_0(%arg0: i32) -> (i32, i32) {
    %c0_i32 = arith.constant 0 : i32
    %c0_i32_0 = arith.constant 0 : i32
    return %arg0, %c0_i32 : i32, i32
  }
  func.func @transform_1(%arg0: i32) -> (i32, i32) {
    %c0_i32 = arith.constant 0 : i32
    %c0_i32_0 = arith.constant 0 : i32
    %c0_i32_1 = arith.constant 0 : i32
    return %c0_i32, %c0_i32_0 : i32, i32
  }
  func.func @transform_2(%arg0: i32) -> (i32, i32, i32) {
    %c0_i32 = arith.constant 0 : i32
    %c0_i32_0 = arith.constant 0 : i32
    %c0_i32_1 = arith.constant 0 : i32
    return %c0_i32, %arg0, %c0_i32_0 : i32, i32, i32
  }
  func.func @transform_3(%arg0: i32) -> (i32, i32) {
    %c0_i32 = arith.constant 0 : i32
    %c0_i32_0 = arith.constant 0 : i32
    return %arg0, %c0_i32 : i32, i32
  }
  func.func @transform_4(%arg0: i32) -> (i32, i32) {
    %c0_i32 = arith.constant 0 : i32
    %c0_i32_0 = arith.constant 0 : i32
    return %arg0, %c0_i32 : i32, i32
  }
}

module attributes {stable_mosaic.version = 14 : i64} {
  func.func @body(%arg0: i32, %arg1: memref<2x2560x128xf32, #tpu.memory_space<vmem>>, %arg2: memref<2560x128xf32, #tpu.memory_space<vmem>>, %arg3: memref<2560x1xf32, #tpu.memory_space<vmem>>, %arg4: memref<1x128xf32, #tpu.memory_space<vmem>>, %arg5: memref<128x128xf32, #tpu.memory_space<vmem>>, %arg6: memref<2560x128xf32, #tpu.memory_space<vmem>>) attributes {dimension_semantics = [#tpu.dimension_semantics<arbitrary>], iteration_bounds = array<i64: 4>, scalar_prefetch = 0 : i64, scratch_operands = 0 : i64, tpu.core_type = #tpu.core_type<tc>, window_params = [{transform_indices = @transform_0, window_bounds = array<i64: 2, 2560, 128>}, {transform_indices = @transform_1, window_bounds = array<i64: 2560, 128>}, {transform_indices = @transform_2, window_bounds = array<i64: 2560, 1>}, {pipeline_mode = #tpu.pipeline_mode<synchronous>, transform_indices = @transform_3, window_bounds = array<i64: 1, 128>}, {pipeline_mode = #tpu.pipeline_mode<synchronous>, transform_indices = @transform_4, window_bounds = array<i64: 128, 128>}, {transform_indices = @transform_5, window_bounds = array<i64: 2560, 128>}]} {
    %get3A = arith.constant 0 : index
    %get3A_0 = arith.constant 0 : index
    %get3A_1 = arith.constant 0 : index
    %get3A_2 = vector.load %arg1[%get3A, %get3A_0, %get3A_1] : memref<2x2560x128xf32, #tpu.memory_space<vmem>>, vector<1x2560x128xf32>
    %get3A_3 = vector.shape_cast %get3A_2 : vector<1x2560x128xf32> to vector<2560x128xf32>
    %get3A_4 = arith.constant 1 : index
    %get3A_5 = arith.constant 0 : index
    %get3A_6 = arith.constant 0 : index
    %get3A_7 = vector.load %arg1[%get3A_4, %get3A_5, %get3A_6] : memref<2x2560x128xf32, #tpu.memory_space<vmem>>, vector<1x2560x128xf32>
    %get3A_8 = vector.shape_cast %get3A_7 : vector<1x2560x128xf32> to vector<2560x128xf32>
    %add3A = arith.addf %get3A_3, %get3A_8 : vector<2560x128xf32>
    %get3A_9 = arith.constant 0 : index
    %get3A_10 = arith.constant 0 : index
    %get3A_11 = vector.load %arg2[%get3A_9, %get3A_10] : memref<2560x128xf32, #tpu.memory_space<vmem>>, vector<2560x128xf32>
    %add3A_12 = arith.addf %add3A, %get3A_11 : vector<2560x128xf32>
    %get3A_13 = arith.constant 0 : index
    %get3A_14 = arith.constant 0 : index
    %get3A_15 = vector.load %arg3[%get3A_13, %get3A_14] : memref<2560x1xf32, #tpu.memory_space<vmem>>, vector<2560x1xf32>
    %mul3A = vector.broadcast %get3A_15 : vector<2560x1xf32> to vector<2560x128xf32>
    %mul3A_16 = arith.mulf %add3A_12, %mul3A : vector<2560x128xf32>
    %get3A_17 = arith.constant 0 : index
    %get3A_18 = arith.constant 0 : index
    %get3A_19 = vector.load %arg4[%get3A_17, %get3A_18] : memref<1x128xf32, #tpu.memory_space<vmem>>, vector<1x128xf32>
    %add3A_20 = vector.broadcast %get3A_19 : vector<1x128xf32> to vector<2560x128xf32>
    %add3A_21 = arith.addf %mul3A_16, %add3A_20 : vector<2560x128xf32>
    %max3A = arith.constant 0.000000e+00 : f32
    %max3A_22 = vector.broadcast %max3A : f32 to vector<2560x128xf32>
    %max3A_23 = arith.maximumf %add3A_21, %max3A_22 : vector<2560x128xf32>
    %get3A_24 = arith.constant 0 : index
    %get3A_25 = arith.constant 0 : index
    %get3A_26 = vector.load %arg5[%get3A_24, %get3A_25] : memref<128x128xf32, #tpu.memory_space<vmem>>, vector<128x128xf32>
    %dot_general3A = arith.constant dense<0.000000e+00> : vector<2560x128xf32>
    %dot_general3A_27 = tpu.matmul %max3A_23, %get3A_26, %dot_general3A {dimension_numbers = #tpu.dot_dimension_numbers<[1], [0], [0], [1], [0, 0, 1, 1], [], []>, transpose_lhs_hint = false} : vector<2560x128xf32>, vector<128x128xf32>, vector<2560x128xf32> -> vector<2560x128xf32>
    %get3A_28 = arith.constant 0 : index
    %get3A_29 = arith.constant 0 : index
    %get3A_30 = vector.load %arg3[%get3A_28, %get3A_29] : memref<2560x1xf32, #tpu.memory_space<vmem>>, vector<2560x1xf32>
    %mul3A_31 = vector.broadcast %get3A_30 : vector<2560x1xf32> to vector<2560x128xf32>
    %mul3A_32 = arith.mulf %dot_general3A_27, %mul3A_31 : vector<2560x128xf32>
    %swap3A = arith.constant 0 : index
    %swap3A_33 = arith.constant 0 : index
    %swap3A_34 = vector.load %arg6[%swap3A, %swap3A_33] : memref<2560x128xf32, #tpu.memory_space<vmem>>, vector<2560x128xf32>
    tpu.vector_store %arg6[%swap3A, %swap3A_33], %mul3A_32 {strides = array<i32>} : memref<2560x128xf32, #tpu.memory_space<vmem>>, vector<2560x128xf32>,
    return
  }
  func.func @transform_0(%arg0: i32) -> (i32, i32, i32) {
    %c0_i32 = arith.constant 0 : i32
    %c0_i32_0 = arith.constant 0 : i32
    %c0_i32_1 = arith.constant 0 : i32
    return %c0_i32, %arg0, %c0_i32_0 : i32, i32, i32
  }
  func.func @transform_1(%arg0: i32) -> (i32, i32) {
    %c0_i32 = arith.constant 0 : i32
    %c0_i32_0 = arith.constant 0 : i32
    return %arg0, %c0_i32 : i32, i32
  }
  func.func @transform_2(%arg0: i32) -> (i32, i32) {
    %c0_i32 = arith.constant 0 : i32
    %c0_i32_0 = arith.constant 0 : i32
    return %arg0, %c0_i32 : i32, i32
  }
  func.func @transform_3(%arg0: i32) -> (i32, i32) {
    %c0_i32 = arith.constant 0 : i32
    %c0_i32_0 = arith.constant 0 : i32
    %c0_i32_1 = arith.constant 0 : i32
    return %c0_i32, %c0_i32_0 : i32, i32
  }
  func.func @transform_4(%arg0: i32) -> (i32, i32) {
    %c0_i32 = arith.constant 0 : i32
    %c0_i32_0 = arith.constant 0 : i32
    %c0_i32_1 = arith.constant 0 : i32
    return %c0_i32, %c0_i32_0 : i32, i32
  }
  func.func @transform_5(%arg0: i32) -> (i32, i32) {
    %c0_i32 = arith.constant 0 : i32
    %c0_i32_0 = arith.constant 0 : i32
    return %arg0, %c0_i32 : i32, i32
  }
}

module attributes {stable_mosaic.version = 14 : i64} {
  func.func @body(%arg0: i32, %arg1: memref<2x2560x128xf32, #tpu.memory_space<vmem>>, %arg2: memref<2560x128xf32, #tpu.memory_space<vmem>>, %arg3: memref<2560x1xf32, #tpu.memory_space<vmem>>, %arg4: memref<1x128xf32, #tpu.memory_space<vmem>>, %arg5: memref<2560x128xf32, #tpu.memory_space<vmem>>) attributes {dimension_semantics = [#tpu.dimension_semantics<arbitrary>], iteration_bounds = array<i64: 4>, scalar_prefetch = 0 : i64, scratch_operands = 0 : i64, tpu.core_type = #tpu.core_type<tc>, window_params = [{transform_indices = @transform_0, window_bounds = array<i64: 2, 2560, 128>}, {transform_indices = @transform_1, window_bounds = array<i64: 2560, 128>}, {transform_indices = @transform_2, window_bounds = array<i64: 2560, 1>}, {pipeline_mode = #tpu.pipeline_mode<synchronous>, transform_indices = @transform_3, window_bounds = array<i64: 1, 128>}, {transform_indices = @transform_4, window_bounds = array<i64: 2560, 128>}]} {
    %get3A = arith.constant 0 : index
    %get3A_0 = arith.constant 0 : index
    %get3A_1 = arith.constant 0 : index
    %get3A_2 = vector.load %arg1[%get3A, %get3A_0, %get3A_1] : memref<2x2560x128xf32, #tpu.memory_space<vmem>>, vector<1x2560x128xf32>
    %get3A_3 = vector.shape_cast %get3A_2 : vector<1x2560x128xf32> to vector<2560x128xf32>
    %get3A_4 = arith.constant 1 : index
    %get3A_5 = arith.constant 0 : index
    %get3A_6 = arith.constant 0 : index
    %get3A_7 = vector.load %arg1[%get3A_4, %get3A_5, %get3A_6] : memref<2x2560x128xf32, #tpu.memory_space<vmem>>, vector<1x2560x128xf32>
    %get3A_8 = vector.shape_cast %get3A_7 : vector<1x2560x128xf32> to vector<2560x128xf32>
    %add3A = arith.addf %get3A_3, %get3A_8 : vector<2560x128xf32>
    %get3A_9 = arith.constant 0 : index
    %get3A_10 = arith.constant 0 : index
    %get3A_11 = vector.load %arg2[%get3A_9, %get3A_10] : memref<2560x128xf32, #tpu.memory_space<vmem>>, vector<2560x128xf32>
    %add3A_12 = arith.addf %add3A, %get3A_11 : vector<2560x128xf32>
    %get3A_13 = arith.constant 0 : index
    %get3A_14 = arith.constant 0 : index
    %get3A_15 = vector.load %arg3[%get3A_13, %get3A_14] : memref<2560x1xf32, #tpu.memory_space<vmem>>, vector<2560x1xf32>
    %mul3A = vector.broadcast %get3A_15 : vector<2560x1xf32> to vector<2560x128xf32>
    %mul3A_16 = arith.mulf %add3A_12, %mul3A : vector<2560x128xf32>
    %get3A_17 = arith.constant 0 : index
    %get3A_18 = arith.constant 0 : index
    %get3A_19 = vector.load %arg4[%get3A_17, %get3A_18] : memref<1x128xf32, #tpu.memory_space<vmem>>, vector<1x128xf32>
    %add3A_20 = vector.broadcast %get3A_19 : vector<1x128xf32> to vector<2560x128xf32>
    %add3A_21 = arith.addf %mul3A_16, %add3A_20 : vector<2560x128xf32>
    %swap3A = arith.constant 0 : index
    %swap3A_22 = arith.constant 0 : index
    %swap3A_23 = vector.load %arg5[%swap3A, %swap3A_22] : memref<2560x128xf32, #tpu.memory_space<vmem>>, vector<2560x128xf32>
    tpu.vector_store %arg5[%swap3A, %swap3A_22], %add3A_21 {strides = array<i32>} : memref<2560x128xf32, #tpu.memory_space<vmem>>, vector<2560x128xf32>,
    return
  }
  func.func @transform_0(%arg0: i32) -> (i32, i32, i32) {
    %c0_i32 = arith.constant 0 : i32
    %c0_i32_0 = arith.constant 0 : i32
    %c0_i32_1 = arith.constant 0 : i32
    return %c0_i32, %arg0, %c0_i32_0 : i32, i32, i32
  }
  func.func @transform_1(%arg0: i32) -> (i32, i32) {
    %c0_i32 = arith.constant 0 : i32
    %c0_i32_0 = arith.constant 0 : i32
    return %arg0, %c0_i32 : i32, i32
  }
  func.func @transform_2(%arg0: i32) -> (i32, i32) {
    %c0_i32 = arith.constant 0 : i32
    %c0_i32_0 = arith.constant 0 : i32
    return %arg0, %c0_i32 : i32, i32
  }
  func.func @transform_3(%arg0: i32) -> (i32, i32) {
    %c0_i32 = arith.constant 0 : i32
    %c0_i32_0 = arith.constant 0 : i32
    %c0_i32_1 = arith.constant 0 : i32
    return %c0_i32, %c0_i32_0 : i32, i32
  }
  func.func @transform_4(%arg0: i32) -> (i32, i32) {
    %c0_i32 = arith.constant 0 : i32
    %c0_i32_0 = arith.constant 0 : i32
    return %arg0, %c0_i32 : i32, i32
  }
}

</mosaic_0001>

<sc_bundles>
// kernel: kernel.11.cloned.1.call-start
scs
__scs_entry_jumppad:
0x0: {  	(pc) =	sbr.rel $0x88, $3  }
0x1: {  	(tag) =	ssettag $0x0;
	lr =	simm.s32 $0x1  }
0x2: {  	[smem:$0x3F9B] =	sst lr;
	_ =	strace $0xD0000000  }
0x3: {  	_ = 	snop  }
0x4: {  	_ = 	snop  }
0x5: {  	_ = 	snop  }
0x6: {  	_ = 	snop  }
0x7: {  	_ = 	snop  }
__scs_overlays_trampoline_lowered:
0x8: {  	[smem:$0x3FAA] =	sst s0  }
0x9: {  	[smem:$0x3FAB] =	sst s1  }
0xa: {  	[smem:$0x3FAC] =	sst s2  }
0xb: {  	[smem:$0x3FAD] =	sst s3  }
0xc: {  	[smem:$0x3FAE] =	sst s4  }
0xd: {  	[smem:$0x3FAF] =	sst s5  }
0xe: {  	[smem:$0x3FB0] =	sst s6  }
0xf: {  	[smem:$0x3FB1] =	sst s7  }
0x10: {  	[smem:$0x3FB2] =	sst s8  }
0x11: {  	[smem:$0x3FB3] =	sst s9;
	s0 =	simm.s32 @!p0 $0x0  }
0x12: {  	s1 =	sld [smem:$0x3F99];
	s0 =	simm.s32 @p0 $0x1  }
0x13: {  	[smem:$0x3FB4] =	sst s0;
	s0 =	simm.s32 @!p1 $0x0  }
0x14: {  	s2 =	sld [smem:$0x3F98];
	s0 =	simm.s32 @p1 $0x1  }
0x15: {  	[smem:$0x3FB5] =	sst s0;
	s0 =	simm.s32 @!p2 $0x0  }
0x16: {  	s3 =	sld [smem:$0x3FDB];
	s0 =	simm.s32 @p2 $0x1  }
0x17: {  	s4 =	simm.s32 $0x1BF5;
	[smem:$0x3FB7] =	sst s0  }
0x18: {  	s0 =	sld [smem:$0x3F9A];
	_ =	swait.ge [sflag:s4], $0x0  }
0x19: {  	s7 =	sld [smem:$0x3F9B]  }
0x1a: {  	s8 =	sadd.s32 $0xFFFFE003, lr  }
0x1b: {  	s9 =	sadd.s32 $0xFFFFFEF7, lr;
	s5 =	simm.s32 $0xFFFFFFFF;
	p2 =	slt.u32 s8, $0xFFFFF086  }
0x1c: {  	p1 =	slt.u32 s9, $0xF7A;
	s5 =	simm.s32 @!p2 $0x0  }
0x1d: {  	s5 =	simm.s32 @p1 $0x1;
	p0 =	seq.s32 s7, s2  }
0x1e: {  	s7 =	smul.u32 @!p0 $0xF7A, s2;
	p2 =	seq.s32 @!p0 s5, $0x0  }
0x1f: {  	s9 =	smul.u32 $0xF7A, s1;
	s8 =	simm.s32 @!p0 $0x1BF5;
	p2 =	por !p2, p0  }
0x20: {  	[sflag:s8] =	ssyncset.s32 @!p0 $0xFFFFF086;
	s6 =	sadd.s32 @!p0 s3, s7;
	s7 =	simm.s32 @!p0 $0x108  }
0x21: {  	s3 =	sadd.s32 s3, s9;
	s6 =	sadd.s32 @!p0 $0x88, s6;
	s7 =	simm.s32 @p2 $0x1082  }
0x22: {  	[simem:s7], [sflag:s8] =	dma.local @!p0 [hbm:s6], $0xF7A  }
0x23: {  	s9 =	sor.u32 $0xD0000000, s2;
	s6 =	simm.s32 $0x108;
	_ =	swait.ge @!p0 [sflag:s8], $0x0  }
0x24: {  	s3 =	sadd.s32 $0x88, s3;
	s6 =	simm.s32 @!p1 $0x1082;
	[sflag:s4] =	ssyncset.s32 $0xFFFFF086  }
0x25: {  	[simem:s6], [sflag:s4] =	dma.local [hbm:s3], $0xF7A  }
0x26: {  	[smem:$0x3F9B] =	sst s1;
	(tag) =	ssettag s2;
	_ =	strace s9  }
0x27: {  	s1 =	sld [smem:$0x3FAB]  }
0x28: {  	s2 =	sld [smem:$0x3FAC]  }
0x29: {  	s4 =	sld [smem:$0x3FAE]  }
0x2a: {  	p0 =	seq.s32 s5, $0x0;
	s5 =	sld [smem:$0x3FAF]  }
0x2b: {  	s6 =	sld [smem:$0x3FB0]  }
0x2c: {  	s7 =	sld [smem:$0x3FB1]  }
0x2d: {  	s3 =	simm.s32 $0x108;
	s8 =	sld [smem:$0x3FB2]  }
0x2e: {  	s3 =	simm.s32 @!p0 $0x1082;
	s9 =	sld [smem:$0x3FB3]  }
0x2f: {  	lr =	sadd.s32 s0, s3;
	s0 =	sld [smem:$0x3FAA]  }
0x30: {  	s3 =	sld [smem:$0x3FAD]  }
0x31: {  	[smem:$0x3FB6] =	sst s10  }
0x32: {  	s10 =	sld [smem:$0x3FB4];
	_ =	sdelay $0x3  }
0x33: {  	p0 =	seq.s32 s10, $0x1;
	s10 =	sld [smem:$0x3FB6];
	_ =	sdelay $0x3  }
0x34: {  	[smem:$0x3FB6] =	sst s10  }
0x35: {  	s10 =	sld [smem:$0x3FB5];
	_ =	sdelay $0x3  }
0x36: {  	p1 =	seq.s32 s10, $0x1;
	s10 =	sld [smem:$0x3FB6];
	_ =	sdelay $0x3  }
0x37: {  	[smem:$0x3FB6] =	sst s10  }
0x38: {  	s10 =	sld [smem:$0x3FB7]  }
0x39: {  	_ = 	snop;
	(pc) =	sbr.ind lr, $3  }
0x3a: {  	_ = 	snop  }
0x3b: {  	_ = 	snop  }
0x3c: {  	p2 =	seq.s32 s10, $0x1;
	s10 =	sld [smem:$0x3FB6]  }
0x3d: {  	_ =	shalt  }
0x3e: {  	_ =	shalt  }
0x3f: {  	_ =	shalt  }
0x40: {  	_ =	shalt  }
0x41: {  	_ =	shalt  }
0x42: {  	_ =	shalt  }
0x43: {  	_ =	shalt  }
0x44: {  	_ =	shalt  }
0x45: {  	_ =	shalt  }
0x46: {  	_ =	shalt  }
0x47: {  	_ =	shalt  }
0x48: {  	_ =	shalt  }
0x49: {  	_ =	shalt  }
0x4a: {  	_ =	shalt  }
0x4b: {  	_ =	shalt  }
0x4c: {  	_ =	shalt  }
0x4d: {  	_ =	shalt  }
0x4e: {  	_ =	shalt  }
0x4f: {  	_ =	shalt  }
0x50: {  	_ =	shalt  }
0x51: {  	_ =	shalt  }
0x52: {  	_ =	shalt  }
0x53: {  	_ =	shalt  }
0x54: {  	_ =	shalt  }
0x55: {  	_ =	shalt  }
0x56: {  	_ =	shalt  }
0x57: {  	_ =	shalt  }
0x58: {  	_ =	shalt  }
0x59: {  	_ =	shalt  }
0x5a: {  	_ =	shalt  }
0x5b: {  	_ =	shalt  }
0x5c: {  	_ =	shalt  }
0x5d: {  	_ =	shalt  }
0x5e: {  	_ =	shalt  }
0x5f: {  	_ =	shalt  }
0x60: {  	_ =	shalt  }
0x61: {  	_ =	shalt  }
0x62: {  	_ =	shalt  }
0x63: {  	_ =	shalt  }
0x64: {  	_ =	shalt  }
0x65: {  	_ =	shalt  }
0x66: {  	_ =	shalt  }
0x67: {  	_ =	shalt  }
0x68: {  	_ =	shalt  }
0x69: {  	_ =	shalt  }
0x6a: {  	_ =	shalt  }
0x6b: {  	_ =	shalt  }
0x6c: {  	_ =	shalt  }
0x6d: {  	_ =	shalt  }
0x6e: {  	_ =	shalt  }
0x6f: {  	_ =	shalt  }
0x70: {  	_ =	shalt  }
0x71: {  	_ =	shalt  }
0x72: {  	_ =	shalt  }
0x73: {  	_ =	shalt  }
0x74: {  	_ =	shalt  }
0x75: {  	_ =	shalt  }
0x76: {  	_ =	shalt  }
0x77: {  	_ =	shalt  }
0x78: {  	_ =	shalt  }
0x79: {  	_ =	shalt  }
0x7a: {  	_ =	shalt  }
0x7b: {  	_ =	shalt  }
0x7c: {  	_ =	shalt  }
0x7d: {  	_ =	shalt  }
0x7e: {  	_ =	shalt  }
0x7f: {  	_ =	shalt  }
0x80: {  	_ =	shalt  }
0x81: {  	_ =	shalt  }
0x82: {  	_ =	shalt  }
0x83: {  	_ =	shalt  }
0x84: {  	_ =	shalt  }
0x85: {  	_ =	shalt  }
0x86: {  	_ =	shalt  }
0x87: {  	_ =	shalt  }
.Lfunc_end0:
.L_simem_size_0:
called_computation.1_lowered:
.L_overlay_start_0:
0x88: {  	s2 =	sld [smem:$0x3FD9]  }
0x89: {  	s3 =	sld [smem:$0x3FFE];
	_ =	sdelay $0x1  }
0x8a: {  	s1 =	srdreg.scid  }
0x8b: {  	s0 =	sand.u32 $0x1, s1  }
0x8c: {  	s17 =	sshll.u32 s0, $0xA;
	s2 =	sadd.s32 s3, s2  }
0x8d: {  	s2 =	sadd.s32 s2, s17  }
0x8e: {  	[smem:$0x3FC2] =	sst s2  }
0x8f: {  	_ = 	snop  }
0x90: {  	s2 =	sld [smem:$0x3FD0];
	(tm) =	ssettm $0x1  }
0x91: {  	s18 =	sld [smem:$0x3FFB];
	_ =	sdelay $0x3  }
0x92: {  	_ =	strace s18  }
0x93: {  	s3 =	sld [smem:$0x3FFC];
	_ =	sdelay $0x3  }
0x94: {  	_ =	strace s3  }
0x95: {  	s3 =	sld [smem:$0x3FFD];
	_ =	sdelay $0x3  }
0x96: {  	_ =	strace s3  }
0x97: {  	_ =	strace $0x8FFFFFFF  }
0x98: {  	s19 =	sld [smem:$0x3FDB];
	_ =	sdelay $0x1  }
0x99: {  	s4 =	simm.s32 $_scs_section_size  }
0x9a: {  	s5 =	simm.s32 $_size__tile_overlayer_lowered;
	s6 =	simm.s32 $_tile_overlayer_lowered  }
0x9b: {  	s22 =	simm.s32 $0x1BFF;
	s21 =	sshll.u32 s6, $0x1;
	s3 =	sadd.s32 s4, s19  }
0x9c: {  	s7 =	simm.s32 $0x0;
	s20 =	sshll.u32 s5, $0x1;
	s5 =	sadd.s32 s21, s3  }
0x9d: {  	[timem:s7], [sflag:s22] =	dma.local [hbm:s5], s20  }
0x9e: {  	_ =	swait.ge [sflag:s22], s20  }
0x9f: {  	s4 =	ssub.s32 $0x0, s20;
	[sflag:s22] =	ssyncset.done $0x0  }
0xa0: {  	[sflag:s22] =	ssyncadd.s32 s4;
	_ =	sdelay $0x1  }
0xa1: {  	s23 =	simm.s32 $0x1B8B  }
0xa2: {  	_ =	swait.ge [sflag:s23], $0x1  }
0xa3: {  	[sflag:s23] =	ssyncset.done $0x0  }
0xa4: {  	s25 =	simm.s32 $0x1B8E;
	s24 =	sld [smem:$0x3FFE];
	[sflag:s23] =	ssyncadd.s32 $0xFFFFFFFF  }
0xa5: {  	s26 =	simm.s32 $execute0_lowered;
	[smem:$0x3FD2] =	sst s25  }
0xa6: {  	s5 =	sshll.u32 s26, $0x1;
	_ =	strace $0x80000049;
	[dreg:$0x1] =	wrdreg $0xFFFFFFFF  }
0xa7: {  	s28 =	simm.s32 $_size_execute0_lowered;
	s3 =	sadd.s32 s3, s5;
	[dreg:$0x0] =	wrdreg $0x0  }
0xa8: {  	s5 =	sshll.u32 s28, $0x1;
	[dreg:$0x2] =	wrdreg s3  }
0xa9: {  	[dreg:$0x3] =	wrdreg s5  }
0xaa: {  	[dreg:$0x4] =	wrdreg $0xC0  }
0xab: {  	_ =	task [dreg:s7], $0x5FFFF  }
0xac: {  	[dreg:$0x1] =	wrdreg $0xFFFFFFFF  }
0xad: {  	[dreg:$0x0] =	wrdreg $0x60  }
0xae: {  	[dreg:$0x2] =	wrdreg s2  }
0xaf: {  	[dreg:$0x3] =	wrdreg s24  }
0xb0: {  	[dreg:$0x4] =	wrdreg $0xA8000  }
0xb1: {  	[dreg:$0x5] =	wrdreg $0x9  }
0xb2: {  	_ =	task.clear_ibuf [dreg:s7], $0x6FFFF;
	_ =	strace $0x90000049  }
0xb3: {  	s29 =	simm.s32 $0x9;
	_ =	strace $0x8000004B  }
0xb4: {  	_ =	swait.ge [sflag:s29], $0x1  }
0xb5: {  	[sflag:s29] =	ssyncadd.s32 $0xFFFFFFFF  }
0xb6: {  	_ =	strace $0x9000004B  }
0xb7: {  	_ =	sfence  }
0xb8: {  	s30 =	sld [smem:$0x0];
	_ =	sdelay $0x2  }
0xb9: {  	s31 =	sshll.u32 s1, $0xD;
	s1 =	sshrl.u32 s1, $0x2  }
0xba: {  	s3 =	sand.u32 $0x4000, s31;
	s1 =	sadd.s32 s1, s30  }
0xbb: {  	s0 =	sor.u32 s3, s0;
	s1 =	sshll.u32 s1, $0x11  }
0xbc: {  	s0 =	sor.u32 s1, s0  }
0xbd: {  	s0 =	sadd.s32 $0x8F2B, s0  }
0xbe: {  	[sflag:s0] =	ssyncadd.remote.s32 $0x1  }
0xbf: {  	_ =	sfence.sel $0xFFFF  }
0xc0: {  	[dreg:$0x0] =	wrdreg $0xFFFFFFFF;
	(pc) =	sbr.abs _section_cstart, $3  }
0xc1: {  	[dreg:$0x1] =	wrdreg $0xFFFFFFFF  }
0xc2: {  	_ =	task.clear_ibuf [dreg:s7], $0x2FFFF;
	_ =	strace $0x9FFFFFFF  }
0xc3: {  	(tm) =	ssettm $0x7FFFFFFF  }
tec
execute0_lowered:
.L_overlay_start_1:
0x0: {  	(tag) =	ssettag $0x1  }
0x1: {  	s0 =	rddreg [dreg:$0x0]  }
0x2: {  	s2 =	rddreg [dreg:$0x1]  }
0x3: {  	s1 =	rddreg [dreg:$0x2];
	s3 =	srdreg.scid  }
0x4: {  	s8 =	stileid.u32;
	s28 =	simm.s32 $0x2;
	s29 =	simm.s32 $0x2780  }
0x5: {  	s30 =	simm.s32 $0x4;
	s31 =	simm.s32 $0x0;
	s5 =	sand.u32 $0x1, s3  }
0x6: {  	s3 =	simm.s32 $0x0;
	s7 =	smul.u32 $0x14000, s8;
	s9 =	sadd.s32 $0x1E00, s2  }
0x7: {  	s11 =	sadd.s32 $0x33E00, s2;
	s6 =	smul.u32 $0x140000, s5;
	[smem:$0x7FF] =	sst s3  }
0x8: {  	s4 =	sshll.u32 s5, $0x4;
	s5 =	ssub.s32 $0x2, s5;
	_ =	strace $0x8000004A  }
0x9: {  	s10 =	sor.u32 s8, s4;
	s4 =	sadd.s32 $0xBE00, s2;
	s8 =	smul.u32 $0x50000, s8  }
0xa: {  	[dreg:$0x4] =	wrdreg s11;
	s18 =	sshrl.u32 s5, $0x1;
	s6 =	sadd.s32 s7, s6  }
0xb: {  	s17 =	smul.u32 $0x500, s10;
	s5 =	ssub.s32 s5, s18;
	s6 =	sshrl.u32 s6, $0x3  }
0xc: {  	s21 =	smul.u32 $0x2800, s10;
	s20 =	sshrl.u32 s8, $0x2;
	s2 =	sadd.s32 s6, s2  }
0xd: {  	s19 =	sadd.s32 s0, s17;
	s7 =	sadd.s32 s9, s17;
	s8 =	sadd.s32 s20, s1  }
0xe: {  	s6 =	sshrl.u32 s21, $0x3;
	s20 =	simm.s32 $0x5;
	[dreg:$0x5] =	wrdreg s19  }
0xf: {  	s21 =	simm.s32 $0x7D;
	[dreg:$0x6] =	wrdreg s7;
	s22 =	sadd.s32 $0x2800, s8  }
0x10: {  	s23 =	sadd.s32 $0x5000, s8;
	s24 =	sadd.s32 $0x7800, s8;
	[dreg:$0x7] =	wrdreg s22  }
0x11: {  	s25 =	sadd.s32 $0xA000, s8;
	s26 =	sadd.s32 $0xC800, s8;
	[dreg:$0x8] =	wrdreg s23  }
0x12: {  	s14 =	sadd.s32 $0xF000, s8;
	s15 =	sadd.s32 $0x11800, s8;
	[dreg:$0x9] =	wrdreg s24  }
0x13: {  	s6 =	sadd.s32 $0x280, s6;
	s18 =	sadd.s32 $0x34400, s2;
	[dreg:$0xa] =	wrdreg s25  }
0x14: {  	s19 =	smax.u32 s5, $0x1;
	[dreg:$0xb] =	wrdreg s26;
	s16 =	sadd.s32 s0, s6  }
0x15: {  	s17 =	sadd.s32 s9, s6;
	s22 =	simm.s32 $0x2800;
	s23 =	simm.s32 $0x1400  }
0x16: {  	s24 =	simm.s32 $0x6800;
	s25 =	simm.s32 $0x80;
	s26 =	simm.s32 $0x3  }
.LBB2_1:
0x17: {  	s0 =	rddreg [dreg:$0x5]  }
0x18: {  	[tilespmem:s3], [sflag:$0x5] =	stream.linear.gather [hbm4b:s0+s3], $0x1400, $0x38;
	[tilespmem:$0x1E800] =	vst v63  }
0x19: {  	_ =	swait.ge [sflag:s20], $0x1400  }
0x1a: {  	[sflag:s20] =	ssyncset.done $0x0  }
0x1b: {  	[sflag:s20] =	ssyncadd.s32 $0xFFFFEC00  }
0x1c: {  	[tilespmem:s22], [sflag:$0x1] =	stream.indirect.gather [hbm4b:s4+s21], $0x80, s3, s21, $0xb8;
	[tilespmem:$0x1E800] =	vst v63  }
0x1d: {  	s5 =	rddreg [dreg:$0x6]  }
0x1e: {  	[tilespmem:s23], [sflag:$0x5] =	stream.linear.gather [hbm4b:s5+s3], $0x1400, $0x38;
	[tilespmem:$0x1E800] =	vst v63  }
0x1f: {  	_ =	swait.ge [sflag:s20], $0x1400  }
0x20: {  	[sflag:s20] =	ssyncset.done $0x0  }
0x21: {  	s6 =	rddreg [dreg:$0x4];
	[sflag:s20] =	ssyncadd.s32 $0xFFFFEC00  }
0x22: {  	[tilespmem:s24], [sflag:$0x5] =	stream.linear.gather [hbm4b:s6+s3], $0x2800, $0x38;
	[tilespmem:$0x1E800] =	vst v63  }
0x23: {  	_ =	swait.ge [sflag:s20], $0x2800  }
0x24: {  	[sflag:s20] =	ssyncset.done $0x0  }
0x25: {  	[sflag:s20] =	ssyncadd.s32 $0xFFFFD800  }
0x26: {  	[spmem:s8] =	stream.linear.scatter [tilespmem:s24], [sflag:$0x5], $0x2800, $0x38;
	[tilespmem:$0x1E800] =	vst v63  }
0x27: {  	_ =	swait.ge [sflag:s20], $0x2800  }
0x28: {  	[sflag:s20] =	ssyncset.done $0x0  }
0x29: {  	s7 =	rddreg [dreg:$0x7];
	[sflag:s20] =	ssyncadd.s32 $0xFFFFD800  }
0x2a: {  	[spmem:s7] =	stream.linear.scatter [tilespmem:s24], [sflag:$0x5], $0x2800, $0x38;
	[tilespmem:$0x1E800] =	vst v63  }
0x2b: {  	_ =	swait.ge [sflag:s20], $0x2800  }
0x2c: {  	[sflag:s20] =	ssyncset.done $0x0  }
0x2d: {  	s9 =	rddreg [dreg:$0x8];
	[sflag:s20] =	ssyncadd.s32 $0xFFFFD800  }
0x2e: {  	[spmem:s9] =	stream.linear.scatter [tilespmem:s24], [sflag:$0x5], $0x2800, $0x38;
	[tilespmem:$0x1E800] =	vst v63  }
0x2f: {  	_ =	swait.ge [sflag:s20], $0x2800  }
0x30: {  	[sflag:s20] =	ssyncset.done $0x0  }
0x31: {  	s10 =	rddreg [dreg:$0x9];
	[sflag:s20] =	ssyncadd.s32 $0xFFFFD800  }
0x32: {  	[spmem:s10] =	stream.linear.scatter [tilespmem:s24], [sflag:$0x5], $0x2800, $0x38;
	[tilespmem:$0x1E800] =	vst v63  }
0x33: {  	_ =	swait.ge [sflag:s20], $0x2800  }
0x34: {  	[sflag:s20] =	ssyncset.done $0x0  }
0x35: {  	s11 =	rddreg [dreg:$0xa];
	[sflag:s20] =	ssyncadd.s32 $0xFFFFD800  }
0x36: {  	[spmem:s11] =	stream.linear.scatter [tilespmem:s24], [sflag:$0x5], $0x2800, $0x38;
	[tilespmem:$0x1E800] =	vst v63  }
0x37: {  	_ =	swait.ge [sflag:s20], $0x2800  }
0x38: {  	[sflag:s20] =	ssyncset.done $0x0  }
0x39: {  	s12 =	rddreg [dreg:$0xb];
	[sflag:s20] =	ssyncadd.s32 $0xFFFFD800  }
0x3a: {  	[spmem:s12] =	stream.linear.scatter [tilespmem:s24], [sflag:$0x5], $0x2800, $0x38;
	[tilespmem:$0x1E800] =	vst v63  }
0x3b: {  	_ =	swait.ge [sflag:s20], $0x2800  }
0x3c: {  	[sflag:s20] =	ssyncset.done $0x0  }
0x3d: {  	[sflag:s20] =	ssyncadd.s32 $0xFFFFD800  }
0x3e: {  	[spmem:s14] =	stream.linear.scatter [tilespmem:s24], [sflag:$0x5], $0x2800, $0x38;
	[tilespmem:$0x1E800] =	vst v63  }
0x3f: {  	_ =	swait.ge [sflag:s20], $0x2800  }
0x40: {  	[sflag:s20] =	ssyncset.done $0x0  }
0x41: {  	[sflag:s20] =	ssyncadd.s32 $0xFFFFD800  }
0x42: {  	[spmem:s15] =	stream.linear.scatter [tilespmem:s24], [sflag:$0x5], $0x2800, $0x38;
	[tilespmem:$0x1E800] =	vst v63  }
0x43: {  	_ =	swait.ge [sflag:s20], $0x2800  }
0x44: {  	[sflag:s20] =	ssyncset.done $0x0  }
0x45: {  	[sflag:s20] =	ssyncadd.s32 $0xFFFFD800  }
0x46: {  	s13 =	simm.s32 $0x1;
	[bflag:$0x0] =	sbarrier.arrive $0xFFFF  }
0x47: {  	[tilespmem:s24], [sflag:$0x2] =	stream.indirect.gather [hbm4b:s4+s21], $0x80, s25, s21, $0xb8;
	[tilespmem:$0x1E800] =	vst v63  }
0x48: {  	s0 =	sand.u32 $0x1, s13;
	_ =	swait.ge [sflag:s13], $0x3E80  }
0x49: {  	p0 =	seq.s32 s0, $0x1;
	[sflag:s13] =	ssyncset.done $0x0  }
0x4a: {  	s2 =	simm.s32 @!p0 $0x4;
	[sflag:s13] =	ssyncadd.s32 $0xFFFFC180  }
0x4b: {  	[spmem:s1] =	stream.indirect.scatter.add.f32 [tilespmem:s22], [sflag:$0x3], $0x80, s23, s21, $0xb8;
	[tilespmem:$0x1E800] =	vst v63  }
0x4c: {  	_ =	swait.ge @!p0 [sflag:s2], $0x3E80  }
0x4d: {  	p2 =	seq.s32 s0, $0x0;
	[sflag:s2] =	ssyncset.done @!p0 $0x0;
	p0 =	por p0, p0  }
0x4e: {  	[sflag:s2] =	ssyncadd.s32 @!p0 $0xFFFFC180;
	s2 =	simm.s32 @!p2 $0x3  }
0x4f: {  	p1 =	sne.s32 s0, $0x0;
	_ =	swait.ge @!p2 [sflag:s2], $0x3E80  }
0x50: {  	s0 =	simm.s32 @!p1 $0x7D;
	[sflag:s2] =	ssyncset.done @!p2 $0x0  }
0x51: {  	s5 =	simm.s32 $0x100;
	[sflag:s2] =	ssyncadd.s32 @!p2 $0xFFFFC180;
	s2 =	simm.s32 @!p1 $0x6800  }
0x52: {  	[tilespmem:s2], [sflag:$0x2] =	stream.indirect.gather @!p1 [hbm4b:s4+s0], $0x80, s5, s0, $0xb8;
	[tilespmem:$0x1E800] =	vst v63  }
0x53: {  	s9 =	simm.s32 @!p1 $0x1;
	s7 =	simm.s32 @p0 $0x7D;
	s2 =	simm.s32 @p0 $0x2800  }
0x54: {  	[tilespmem:s2], [sflag:$0x1] =	stream.indirect.gather @p0 [hbm4b:s4+s7], $0x80, s5, s7, $0xb8;
	[tilespmem:$0x1E800] =	vst v63  }
0x55: {  	s6 =	simm.s32 $0x3;
	s11 =	simm.s32 $0x2;
	_ =	swait.ge @!p1 [sflag:s9], $0x3E80  }
0x56: {  	s10 =	simm.s32 @p0 $0x2;
	s5 =	simm.s32 $0x1480;
	[sflag:s9] =	ssyncset.done @!p1 $0x0  }
0x57: {  	s2 =	simm.s32 $0x180;
	[sflag:s9] =	ssyncadd.s32 @!p1 $0xFFFFC180;
	s9 =	simm.s32 @!p1 $0x2800  }
0x58: {  	[spmem:s1] =	stream.indirect.scatter.add.f32 @!p1 [tilespmem:s9], [sflag:$0x3], $0x80, s5, s0, $0xb8;
	[tilespmem:$0x1E800] =	vst v63  }
0x59: {  	s9 =	sand.u32 $0x1, s11;
	s0 =	simm.s32 $0x1500;
	_ =	swait.ge @p0 [sflag:s10], $0x3E80  }
0x5a: {  	s11 =	simm.s32 @p0 $0x6800;
	p2 =	seq.s32 s9, $0x1;
	[sflag:s10] =	ssyncset.done @p0 $0x0  }
.LBB2_2:
0x5b: {  	s12 =	simm.s32 @!p2 $0x4  }
0x5c: {  	[sflag:s10] =	ssyncadd.s32 @p0 $0xFFFFC180;
	s13 =	smov.u32 s6;
	s6 =	sadd.s32 $0x1, s6  }
0x5d: {  	[spmem:s1] =	stream.indirect.scatter.add.f32 @p0 [tilespmem:s11], [sflag:$0x4], $0x80, s5, s7, $0xb8;
	[tilespmem:$0x1E800] =	vst v63  }
0x5e: {  	p1 =	sne.s32 s6, $0x27;
	s5 =	smov.u32 s0;
	_ =	swait.ge @!p2 [sflag:s12], $0x3E80  }
0x5f: {  	p3 =	seq.s32 s9, $0x0;
	p0 =	por p2, p2;
	[sflag:s12] =	ssyncset.done @!p2 $0x0  }
0x60: {  	s7 =	simm.s32 @!p3 $0x3;
	[sflag:s12] =	ssyncadd.s32 @!p0 $0xFFFFC180  }
0x61: {  	_ =	swait.ge @!p3 [sflag:s7], $0x3E80  }
0x62: {  	p2 =	sne.s32 s9, $0x0;
	[sflag:s7] =	ssyncset.done @!p3 $0x0  }
0x63: {  	s9 =	simm.s32 @!p2 $0x7D;
	[sflag:s7] =	ssyncadd.s32 @!p3 $0xFFFFC180;
	s7 =	simm.s32 @!p2 $0x6800  }
0x64: {  	[tilespmem:s7], [sflag:$0x2] =	stream.indirect.gather @!p2 [hbm4b:s4+s9], $0x80, s2, s9, $0xb8;
	[tilespmem:$0x1E800] =	vst v63  }
0x65: {  	s10 =	simm.s32 @p0 $0x2800;
	s11 =	simm.s32 @!p2 $0x1;
	s7 =	simm.s32 @p0 $0x7D  }
0x66: {  	[tilespmem:s10], [sflag:$0x1] =	stream.indirect.gather @p0 [hbm4b:s4+s7], $0x80, s2, s7, $0xb8;
	[tilespmem:$0x1E800] =	vst v63  }
0x67: {  	_ =	swait.ge @!p2 [sflag:s11], $0x3E80  }
.Ltmp0:
0x68: {  	s2 =	sadd.s32 $0x80, s2;
	[sflag:s11] =	ssyncset.done @!p2 $0x0;
	(pc) =	sbr.rel @p1 .LBB2_2-.Ltmp0, $4  }
0x69: {  	s10 =	simm.s32 @p0 $0x2;
	[sflag:s11] =	ssyncadd.s32 @!p2 $0xFFFFC180;
	s11 =	simm.s32 @!p2 $0x2800  }
0x6a: {  	[spmem:s1] =	stream.indirect.scatter.add.f32 @!p2 [tilespmem:s11], [sflag:$0x3], $0x80, s0, s9, $0xb8;
	[tilespmem:$0x1E800] =	vst v63  }
0x6b: {  	s9 =	sand.u32 $0x1, s13;
	s0 =	sadd.s32 $0x80, s0;
	_ =	swait.ge @p0 [sflag:s10], $0x3E80  }
0x6c: {  	s11 =	simm.s32 @p0 $0x6800;
	p2 =	seq.s32 s9, $0x1;
	[sflag:s10] =	ssyncset.done @p0 $0x0  }
0x6d: {  	s6 =	simm.s32 @!p2 $0x4;
	[sflag:s10] =	ssyncadd.s32 @p0 $0xFFFFC180  }
0x6e: {  	[spmem:s1] =	stream.indirect.scatter.add.f32 @p0 [tilespmem:s11], [sflag:$0x4], $0x80, s5, s7, $0xb8;
	[tilespmem:$0x1E800] =	vst v63  }
0x6f: {  	_ =	swait.ge @!p2 [sflag:s6], $0x3E80  }
0x70: {  	p1 =	seq.s32 s9, $0x0;
	p0 =	por p2, p2;
	[sflag:s6] =	ssyncset.done @!p2 $0x0  }
0x71: {  	s5 =	simm.s32 @!p1 $0x3;
	[sflag:s6] =	ssyncadd.s32 @!p0 $0xFFFFC180  }
0x72: {  	_ =	swait.ge @!p1 [sflag:s5], $0x3E80  }
0x73: {  	p2 =	sne.s32 s9, $0x0;
	[sflag:s5] =	ssyncset.done @!p1 $0x0  }
0x74: {  	s6 =	simm.s32 @!p2 $0x6800;
	[sflag:s5] =	ssyncadd.s32 @!p1 $0xFFFFC180;
	s5 =	simm.s32 @!p2 $0x7D  }
0x75: {  	[tilespmem:s6], [sflag:$0x2] =	stream.indirect.gather @!p2 [hbm4b:s4+s5], $0x80, s2, s5, $0xb8;
	[tilespmem:$0x1E800] =	vst v63  }
0x76: {  	s7 =	simm.s32 @p0 $0x2800;
	s9 =	simm.s32 @!p2 $0x1;
	s6 =	simm.s32 @p0 $0x7D  }
0x77: {  	[tilespmem:s7], [sflag:$0x1] =	stream.indirect.gather @p0 [hbm4b:s4+s6], $0x80, s2, s6, $0xb8;
	[tilespmem:$0x1E800] =	vst v63  }
0x78: {  	_ =	swait.ge @!p2 [sflag:s9], $0x3E80  }
0x79: {  	[sflag:s9] =	ssyncset.done @!p2 $0x0  }
0x7a: {  	s2 =	simm.s32 @!p2 $0x2800;
	s7 =	simm.s32 @p0 $0x2;
	[sflag:s9] =	ssyncadd.s32 @!p2 $0xFFFFC180  }
0x7b: {  	[spmem:s1] =	stream.indirect.scatter.add.f32 @!p2 [tilespmem:s2], [sflag:$0x3], $0x80, s0, s5, $0xb8;
	[tilespmem:$0x1E800] =	vst v63  }
0x7c: {  	_ =	swait.ge @p0 [sflag:s7], $0x3E80  }
0x7d: {  	[sflag:s7] =	ssyncset.done @p0 $0x0  }
0x7e: {  	s2 =	simm.s32 @p0 $0x6800;
	[sflag:s7] =	ssyncadd.s32 @p0 $0xFFFFC180  }
0x7f: {  	[spmem:s1] =	stream.indirect.scatter.add.f32 @p0 [tilespmem:s2], [sflag:$0x4], $0x80, s0, s6, $0xb8;
	[tilespmem:$0x1E800] =	vst v63  }
0x80: {  	_ =	swait.ge [sflag:s26], $0x3E80  }
0x81: {  	[sflag:s26] =	ssyncset.done $0x0  }
0x82: {  	[sflag:s26] =	ssyncadd.s32 $0xFFFFC180  }
0x83: {  	_ =	swait.ge [sflag:s28], $0x3E80  }
0x84: {  	[sflag:s28] =	ssyncset.done $0x0  }
0x85: {  	[sflag:s28] =	ssyncadd.s32 $0xFFFFC180  }
0x86: {  	[spmem:s1] =	stream.indirect.scatter.add.f32 [tilespmem:s24], [sflag:$0x4], $0x80, s29, s21, $0xb8;
	[tilespmem:$0x1E800] =	vst v63  }
0x87: {  	_ =	swait.ge [sflag:s30], $0x3E80  }
0x88: {  	[sflag:s30] =	ssyncset.done $0x0  }
0x89: {  	[sflag:s30] =	ssyncadd.s32 $0xFFFFC180  }
0x8a: {  	[tilespmem:s3], [sflag:$0x5] =	stream.linear.gather [hbm4b:s16+s3], $0x1400, $0x38;
	[tilespmem:$0x1E800] =	vst v63  }
0x8b: {  	_ =	swait.ge [sflag:s20], $0x1400  }
0x8c: {  	[sflag:s20] =	ssyncset.done $0x0  }
0x8d: {  	[sflag:s20] =	ssyncadd.s32 $0xFFFFEC00  }
0x8e: {  	[tilespmem:s23], [sflag:$0x5] =	stream.linear.gather [hbm4b:s17+s3], $0x1400, $0x38;
	[tilespmem:$0x1E800] =	vst v63  }
0x8f: {  	_ =	swait.ge [sflag:s20], $0x1400  }
0x90: {  	[sflag:s20] =	ssyncset.done $0x0  }
0x91: {  	[sflag:s20] =	ssyncadd.s32 $0xFFFFEC00  }
0x92: {  	[tilespmem:s22], [sflag:$0x1] =	stream.indirect.gather [hbm4b:s4+s21], $0x80, s3, s21, $0xb8;
	[tilespmem:$0x1E800] =	vst v63  }
0x93: {  	s12 =	simm.s32 $0x1  }
0x94: {  	[tilespmem:s24], [sflag:$0x2] =	stream.indirect.gather [hbm4b:s4+s21], $0x80, s25, s21, $0xb8;
	[tilespmem:$0x1E800] =	vst v63  }
0x95: {  	s0 =	sand.u32 $0x1, s12;
	_ =	swait.ge [sflag:s12], $0x3E80  }
0x96: {  	p0 =	seq.s32 s0, $0x1;
	[sflag:s12] =	ssyncset.done $0x0  }
0x97: {  	s2 =	simm.s32 @!p0 $0x4;
	[sflag:s12] =	ssyncadd.s32 $0xFFFFC180  }
0x98: {  	[spmem:s1] =	stream.indirect.scatter.add.f32 [tilespmem:s22], [sflag:$0x3], $0x80, s23, s21, $0xb8;
	[tilespmem:$0x1E800] =	vst v63  }
0x99: {  	_ =	swait.ge @!p0 [sflag:s2], $0x3E80  }
0x9a: {  	p2 =	seq.s32 s0, $0x0;
	[sflag:s2] =	ssyncset.done @!p0 $0x0;
	p0 =	por p0, p0  }
0x9b: {  	[sflag:s2] =	ssyncadd.s32 @!p0 $0xFFFFC180;
	s2 =	simm.s32 @!p2 $0x3  }
0x9c: {  	_ =	swait.ge @!p2 [sflag:s2], $0x3E80  }
0x9d: {  	s5 =	simm.s32 $0x100;
	p1 =	sne.s32 s0, $0x0;
	[sflag:s2] =	ssyncset.done @!p2 $0x0  }
0x9e: {  	s0 =	simm.s32 @!p1 $0x7D;
	[sflag:s2] =	ssyncadd.s32 @!p2 $0xFFFFC180;
	s2 =	simm.s32 @!p1 $0x6800  }
0x9f: {  	[tilespmem:s2], [sflag:$0x2] =	stream.indirect.gather @!p1 [hbm4b:s4+s0], $0x80, s5, s0, $0xb8;
	[tilespmem:$0x1E800] =	vst v63  }
0xa0: {  	s9 =	simm.s32 @!p1 $0x1;
	s7 =	simm.s32 @p0 $0x7D;
	s2 =	simm.s32 @p0 $0x2800  }
0xa1: {  	[tilespmem:s2], [sflag:$0x1] =	stream.indirect.gather @p0 [hbm4b:s4+s7], $0x80, s5, s7, $0xb8;
	[tilespmem:$0x1E800] =	vst v63  }
0xa2: {  	s13 =	simm.s32 $0x2;
	s6 =	simm.s32 $0x3;
	_ =	swait.ge @!p1 [sflag:s9], $0x3E80  }
0xa3: {  	s10 =	simm.s32 @p0 $0x2;
	s11 =	simm.s32 @p0 $0x6800;
	[sflag:s9] =	ssyncset.done @!p1 $0x0  }
0xa4: {  	s5 =	simm.s32 $0x1480;
	[sflag:s9] =	ssyncadd.s32 @!p1 $0xFFFFC180;
	s9 =	simm.s32 @!p1 $0x2800  }
0xa5: {  	[spmem:s1] =	stream.indirect.scatter.add.f32 @!p1 [tilespmem:s9], [sflag:$0x3], $0x80, s5, s0, $0xb8;
	[tilespmem:$0x1E800] =	vst v63  }
0xa6: {  	s2 =	simm.s32 $0x180;
	s9 =	sand.u32 $0x1, s13;
	_ =	swait.ge @p0 [sflag:s10], $0x3E80  }
0xa7: {  	s0 =	simm.s32 $0x1500;
	p2 =	seq.s32 s9, $0x1;
	[sflag:s10] =	ssyncset.done @p0 $0x0  }
.LBB2_4:
0xa8: {  	s12 =	simm.s32 @!p2 $0x4  }
0xa9: {  	[sflag:s10] =	ssyncadd.s32 @p0 $0xFFFFC180;
	s13 =	smov.u32 s6;
	s6 =	sadd.s32 $0x1, s6  }
0xaa: {  	[spmem:s1] =	stream.indirect.scatter.add.f32 @p0 [tilespmem:s11], [sflag:$0x4], $0x80, s5, s7, $0xb8;
	[tilespmem:$0x1E800] =	vst v63  }
0xab: {  	p1 =	sne.s32 s6, $0x27;
	s5 =	smov.u32 s0;
	_ =	swait.ge @!p2 [sflag:s12], $0x3E80  }
0xac: {  	p3 =	seq.s32 s9, $0x0;
	p0 =	por p2, p2;
	[sflag:s12] =	ssyncset.done @!p2 $0x0  }
0xad: {  	s7 =	simm.s32 @!p3 $0x3;
	[sflag:s12] =	ssyncadd.s32 @!p0 $0xFFFFC180  }
0xae: {  	_ =	swait.ge @!p3 [sflag:s7], $0x3E80  }
0xaf: {  	p2 =	sne.s32 s9, $0x0;
	[sflag:s7] =	ssyncset.done @!p3 $0x0  }
0xb0: {  	s9 =	simm.s32 @!p2 $0x7D;
	[sflag:s7] =	ssyncadd.s32 @!p3 $0xFFFFC180;
	s7 =	simm.s32 @!p2 $0x6800  }
0xb1: {  	[tilespmem:s7], [sflag:$0x2] =	stream.indirect.gather @!p2 [hbm4b:s4+s9], $0x80, s2, s9, $0xb8;
	[tilespmem:$0x1E800] =	vst v63  }
0xb2: {  	s10 =	simm.s32 @p0 $0x2800;
	s11 =	simm.s32 @!p2 $0x1;
	s7 =	simm.s32 @p0 $0x7D  }
0xb3: {  	[tilespmem:s10], [sflag:$0x1] =	stream.indirect.gather @p0 [hbm4b:s4+s7], $0x80, s2, s7, $0xb8;
	[tilespmem:$0x1E800] =	vst v63  }
0xb4: {  	_ =	swait.ge @!p2 [sflag:s11], $0x3E80  }
.Ltmp1:
0xb5: {  	s2 =	sadd.s32 $0x80, s2;
	[sflag:s11] =	ssyncset.done @!p2 $0x0;
	(pc) =	sbr.rel @p1 .LBB2_4-.Ltmp1, $4  }
0xb6: {  	s10 =	simm.s32 @p0 $0x2;
	[sflag:s11] =	ssyncadd.s32 @!p2 $0xFFFFC180;
	s11 =	simm.s32 @!p2 $0x2800  }
0xb7: {  	[spmem:s1] =	stream.indirect.scatter.add.f32 @!p2 [tilespmem:s11], [sflag:$0x3], $0x80, s0, s9, $0xb8;
	[tilespmem:$0x1E800] =	vst v63  }
0xb8: {  	s9 =	sand.u32 $0x1, s13;
	s0 =	sadd.s32 $0x80, s0;
	_ =	swait.ge @p0 [sflag:s10], $0x3E80  }
0xb9: {  	s11 =	simm.s32 @p0 $0x6800;
	p2 =	seq.s32 s9, $0x1;
	[sflag:s10] =	ssyncset.done @p0 $0x0  }
0xba: {  	s6 =	simm.s32 @!p2 $0x4;
	[sflag:s10] =	ssyncadd.s32 @p0 $0xFFFFC180  }
0xbb: {  	[spmem:s1] =	stream.indirect.scatter.add.f32 @p0 [tilespmem:s11], [sflag:$0x4], $0x80, s5, s7, $0xb8;
	[tilespmem:$0x1E800] =	vst v63  }
0xbc: {  	_ =	swait.ge @!p2 [sflag:s6], $0x3E80  }
0xbd: {  	p1 =	seq.s32 s9, $0x0;
	p0 =	por p2, p2;
	[sflag:s6] =	ssyncset.done @!p2 $0x0  }
0xbe: {  	s5 =	simm.s32 @!p1 $0x3;
	[sflag:s6] =	ssyncadd.s32 @!p0 $0xFFFFC180  }
0xbf: {  	_ =	swait.ge @!p1 [sflag:s5], $0x3E80  }
0xc0: {  	p2 =	sne.s32 s9, $0x0;
	[sflag:s5] =	ssyncset.done @!p1 $0x0  }
0xc1: {  	s6 =	simm.s32 @!p2 $0x6800;
	[sflag:s5] =	ssyncadd.s32 @!p1 $0xFFFFC180;
	s5 =	simm.s32 @!p2 $0x7D  }
0xc2: {  	[tilespmem:s6], [sflag:$0x2] =	stream.indirect.gather @!p2 [hbm4b:s4+s5], $0x80, s2, s5, $0xb8;
	[tilespmem:$0x1E800] =	vst v63  }
0xc3: {  	s7 =	simm.s32 @p0 $0x2800;
	s9 =	simm.s32 @!p2 $0x1;
	s6 =	simm.s32 @p0 $0x7D  }
0xc4: {  	[tilespmem:s7], [sflag:$0x1] =	stream.indirect.gather @p0 [hbm4b:s4+s6], $0x80, s2, s6, $0xb8;
	[tilespmem:$0x1E800] =	vst v63  }
0xc5: {  	_ =	swait.ge @!p2 [sflag:s9], $0x3E80  }
0xc6: {  	[sflag:s9] =	ssyncset.done @!p2 $0x0  }
0xc7: {  	s2 =	simm.s32 @!p2 $0x2800;
	s7 =	simm.s32 @p0 $0x2;
	[sflag:s9] =	ssyncadd.s32 @!p2 $0xFFFFC180  }
0xc8: {  	[spmem:s1] =	stream.indirect.scatter.add.f32 @!p2 [tilespmem:s2], [sflag:$0x3], $0x80, s0, s5, $0xb8;
	[tilespmem:$0x1E800] =	vst v63  }
0xc9: {  	_ =	swait.ge @p0 [sflag:s7], $0x3E80  }
0xca: {  	[sflag:s7] =	ssyncset.done @p0 $0x0  }
0xcb: {  	s2 =	simm.s32 @p0 $0x6800;
	[sflag:s7] =	ssyncadd.s32 @p0 $0xFFFFC180  }
0xcc: {  	[spmem:s1] =	stream.indirect.scatter.add.f32 @p0 [tilespmem:s2], [sflag:$0x4], $0x80, s0, s6, $0xb8;
	[tilespmem:$0x1E800] =	vst v63  }
0xcd: {  	_ =	swait.ge [sflag:s26], $0x3E80  }
0xce: {  	[sflag:s26] =	ssyncset.done $0x0  }
0xcf: {  	[sflag:s26] =	ssyncadd.s32 $0xFFFFC180  }
0xd0: {  	_ =	swait.ge [sflag:s28], $0x3E80  }
0xd1: {  	[sflag:s28] =	ssyncset.done $0x0  }
0xd2: {  	[sflag:s28] =	ssyncadd.s32 $0xFFFFC180  }
0xd3: {  	[spmem:s1] =	stream.indirect.scatter.add.f32 [tilespmem:s24], [sflag:$0x4], $0x80, s29, s21, $0xb8;
	[tilespmem:$0x1E800] =	vst v63  }
0xd4: {  	s12 =	stileid.u32;
	_ =	swait.ge [sflag:s30], $0x3E80  }
0xd5: {  	s13 =	sshrl.u32 s8, $0x3;
	s31 =	sadd.s32 $0x1, s31;
	[sflag:s30] =	ssyncset.done $0x0  }
0xd6: {  	s0 =	sshll.u32 s12, $0x6;
	p0 =	sne.s32 s31, s19;
	[sflag:s30] =	ssyncadd.s32 $0xFFFFC180  }
.Ltmp2:
0xd7: {  	s0 =	sor.u32 $0x1C05, s0;
	[bflag:$0x0] =	sbarrier.arrive $0xFFFF;
	(pc) =	sbr.rel @p0 .LBB2_1-.Ltmp2, $4  }
0xd8: {  	[hbm:s18], [sflag:s0] =	dma.local [spmem:s13], $0x2800  }
0xd9: {  	_ =	swait.ge [sflag:s20], $0x2800  }
0xda: {  	[sflag:s20] =	ssyncset.done $0x0  }
0xdb: {  	[sflag:s20] =	ssyncadd.s32 $0xFFFFD800  }
0xdc: {  	_ =	sfence.sel $0x180000  }
0xdd: {  	[bflag:$0x0] =	sbarrier.arrive $0xFFFF  }
0xde: {  	_ =	strace $0x9000004A  }
0xdf: {  	s0 =	stileid.u32;
	[bflag:$0x2] =	sbarrier.arrive $0xFFFF  }
0xe0: {  	p0 =	sne.s32 s0, $0x0;
	s0 =	rddreg [dreg:$0x3]  }
0xe1: {  	s0 =	sadd.s32 @!p0 $0x100000, s0  }
0xe2: {  	[sflag:s0] =	ssyncadd.tile.s32 @!p0 $0x1;
	_ =	shalt  }
.Lfunc_end2:
_tile_overlayer_lowered:
.L_overlay_start_2:
0xe3: {  	(tag) =	ssettag $0x2  }
0xe4: {  	s0 =	rddreg [dreg:$0x0];
	s2 =	stileid.u32  }
0xe5: {  	s1 =	rddreg [dreg:$0x1];
	p0 =	sne.s32 s2, $0x0  }
0xe6: {  	s3 =	rddreg [dreg:$0x2];
	[bflag:$0x3] =	sbarrier.arrive $0xFFFF;
	s2 =	simm.s32 @!p0 $0x1C05  }
0xe7: {  	[timem:s3], [sflag:s2] =	dma.local @!p0 [hbm:s0], s1  }
0xe8: {  	s0 =	simm.s32 @!p0 $0x5  }
0xe9: {  	_ =	swait.ge @!p0 [sflag:s0], s1  }
0xea: {  	s1 =	ssub.s32 @!p0 $0x0, s1;
	[sflag:s0] =	ssyncset.done @!p0 $0x0  }
0xeb: {  	[sflag:s0] =	ssyncadd.s32 @!p0 s1  }
0xec: {  	[bflag:$0x3] =	sbarrier.arrive $0xFFFF  }
0xed: {  	_ =	shalt  }

// kernel: kernel.14.cloned.1.call-start
scs
__scs_entry_jumppad:
0x0: {  	(pc) =	sbr.rel $0x88, $3  }
0x1: {  	(tag) =	ssettag $0x0;
	lr =	simm.s32 $0x1  }
0x2: {  	[smem:$0x3F9B] =	sst lr;
	_ =	strace $0xD0000000  }
0x3: {  	_ = 	snop  }
0x4: {  	_ = 	snop  }
0x5: {  	_ = 	snop  }
0x6: {  	_ = 	snop  }
0x7: {  	_ = 	snop  }
__scs_overlays_trampoline_lowered:
0x8: {  	[smem:$0x3FAA] =	sst s0  }
0x9: {  	[smem:$0x3FAB] =	sst s1  }
0xa: {  	[smem:$0x3FAC] =	sst s2  }
0xb: {  	[smem:$0x3FAD] =	sst s3  }
0xc: {  	[smem:$0x3FAE] =	sst s4  }
0xd: {  	[smem:$0x3FAF] =	sst s5  }
0xe: {  	[smem:$0x3FB0] =	sst s6  }
0xf: {  	[smem:$0x3FB1] =	sst s7  }
0x10: {  	[smem:$0x3FB2] =	sst s8  }
0x11: {  	[smem:$0x3FB3] =	sst s9;
	s0 =	simm.s32 @!p0 $0x0  }
0x12: {  	s1 =	sld [smem:$0x3F99];
	s0 =	simm.s32 @p0 $0x1  }
0x13: {  	[smem:$0x3FB4] =	sst s0;
	s0 =	simm.s32 @!p1 $0x0  }
0x14: {  	s2 =	sld [smem:$0x3F98];
	s0 =	simm.s32 @p1 $0x1  }
0x15: {  	[smem:$0x3FB5] =	sst s0;
	s0 =	simm.s32 @!p2 $0x0  }
0x16: {  	s3 =	sld [smem:$0x3FDB];
	s0 =	simm.s32 @p2 $0x1  }
0x17: {  	s4 =	simm.s32 $0x1BF5;
	[smem:$0x3FB7] =	sst s0  }
0x18: {  	s0 =	sld [smem:$0x3F9A];
	_ =	swait.ge [sflag:s4], $0x0  }
0x19: {  	s7 =	sld [smem:$0x3F9B]  }
0x1a: {  	s8 =	sadd.s32 $0xFFFFE003, lr  }
0x1b: {  	s9 =	sadd.s32 $0xFFFFFEF7, lr;
	s5 =	simm.s32 $0xFFFFFFFF;
	p2 =	slt.u32 s8, $0xFFFFF086  }
0x1c: {  	p1 =	slt.u32 s9, $0xF7A;
	s5 =	simm.s32 @!p2 $0x0  }
0x1d: {  	s5 =	simm.s32 @p1 $0x1;
	p0 =	seq.s32 s7, s2  }
0x1e: {  	s7 =	smul.u32 @!p0 $0xF7A, s2;
	p2 =	seq.s32 @!p0 s5, $0x0  }
0x1f: {  	s9 =	smul.u32 $0xF7A, s1;
	s8 =	simm.s32 @!p0 $0x1BF5;
	p2 =	por !p2, p0  }
0x20: {  	[sflag:s8] =	ssyncset.s32 @!p0 $0xFFFFF086;
	s6 =	sadd.s32 @!p0 s3, s7;
	s7 =	simm.s32 @!p0 $0x108  }
0x21: {  	s3 =	sadd.s32 s3, s9;
	s6 =	sadd.s32 @!p0 $0x88, s6;
	s7 =	simm.s32 @p2 $0x1082  }
0x22: {  	[simem:s7], [sflag:s8] =	dma.local @!p0 [hbm:s6], $0xF7A  }
0x23: {  	s9 =	sor.u32 $0xD0000000, s2;
	s6 =	simm.s32 $0x108;
	_ =	swait.ge @!p0 [sflag:s8], $0x0  }
0x24: {  	s3 =	sadd.s32 $0x88, s3;
	s6 =	simm.s32 @!p1 $0x1082;
	[sflag:s4] =	ssyncset.s32 $0xFFFFF086  }
0x25: {  	[simem:s6], [sflag:s4] =	dma.local [hbm:s3], $0xF7A  }
0x26: {  	[smem:$0x3F9B] =	sst s1;
	(tag) =	ssettag s2;
	_ =	strace s9  }
0x27: {  	s1 =	sld [smem:$0x3FAB]  }
0x28: {  	s2 =	sld [smem:$0x3FAC]  }
0x29: {  	s4 =	sld [smem:$0x3FAE]  }
0x2a: {  	p0 =	seq.s32 s5, $0x0;
	s5 =	sld [smem:$0x3FAF]  }
0x2b: {  	s6 =	sld [smem:$0x3FB0]  }
0x2c: {  	s7 =	sld [smem:$0x3FB1]  }
0x2d: {  	s3 =	simm.s32 $0x108;
	s8 =	sld [smem:$0x3FB2]  }
0x2e: {  	s3 =	simm.s32 @!p0 $0x1082;
	s9 =	sld [smem:$0x3FB3]  }
0x2f: {  	lr =	sadd.s32 s0, s3;
	s0 =	sld [smem:$0x3FAA]  }
0x30: {  	s3 =	sld [smem:$0x3FAD]  }
0x31: {  	[smem:$0x3FB6] =	sst s10  }
0x32: {  	s10 =	sld [smem:$0x3FB4];
	_ =	sdelay $0x3  }
0x33: {  	p0 =	seq.s32 s10, $0x1;
	s10 =	sld [smem:$0x3FB6];
	_ =	sdelay $0x3  }
0x34: {  	[smem:$0x3FB6] =	sst s10  }
0x35: {  	s10 =	sld [smem:$0x3FB5];
	_ =	sdelay $0x3  }
0x36: {  	p1 =	seq.s32 s10, $0x1;
	s10 =	sld [smem:$0x3FB6];
	_ =	sdelay $0x3  }
0x37: {  	[smem:$0x3FB6] =	sst s10  }
0x38: {  	s10 =	sld [smem:$0x3FB7]  }
0x39: {  	_ = 	snop;
	(pc) =	sbr.ind lr, $3  }
0x3a: {  	_ = 	snop  }
0x3b: {  	_ = 	snop  }
0x3c: {  	p2 =	seq.s32 s10, $0x1;
	s10 =	sld [smem:$0x3FB6]  }
0x3d: {  	_ =	shalt  }
0x3e: {  	_ =	shalt  }
0x3f: {  	_ =	shalt  }
0x40: {  	_ =	shalt  }
0x41: {  	_ =	shalt  }
0x42: {  	_ =	shalt  }
0x43: {  	_ =	shalt  }
0x44: {  	_ =	shalt  }
0x45: {  	_ =	shalt  }
0x46: {  	_ =	shalt  }
0x47: {  	_ =	shalt  }
0x48: {  	_ =	shalt  }
0x49: {  	_ =	shalt  }
0x4a: {  	_ =	shalt  }
0x4b: {  	_ =	shalt  }
0x4c: {  	_ =	shalt  }
0x4d: {  	_ =	shalt  }
0x4e: {  	_ =	shalt  }
0x4f: {  	_ =	shalt  }
0x50: {  	_ =	shalt  }
0x51: {  	_ =	shalt  }
0x52: {  	_ =	shalt  }
0x53: {  	_ =	shalt  }
0x54: {  	_ =	shalt  }
0x55: {  	_ =	shalt  }
0x56: {  	_ =	shalt  }
0x57: {  	_ =	shalt  }
0x58: {  	_ =	shalt  }
0x59: {  	_ =	shalt  }
0x5a: {  	_ =	shalt  }
0x5b: {  	_ =	shalt  }
0x5c: {  	_ =	shalt  }
0x5d: {  	_ =	shalt  }
0x5e: {  	_ =	shalt  }
0x5f: {  	_ =	shalt  }
0x60: {  	_ =	shalt  }
0x61: {  	_ =	shalt  }
0x62: {  	_ =	shalt  }
0x63: {  	_ =	shalt  }
0x64: {  	_ =	shalt  }
0x65: {  	_ =	shalt  }
0x66: {  	_ =	shalt  }
0x67: {  	_ =	shalt  }
0x68: {  	_ =	shalt  }
0x69: {  	_ =	shalt  }
0x6a: {  	_ =	shalt  }
0x6b: {  	_ =	shalt  }
0x6c: {  	_ =	shalt  }
0x6d: {  	_ =	shalt  }
0x6e: {  	_ =	shalt  }
0x6f: {  	_ =	shalt  }
0x70: {  	_ =	shalt  }
0x71: {  	_ =	shalt  }
0x72: {  	_ =	shalt  }
0x73: {  	_ =	shalt  }
0x74: {  	_ =	shalt  }
0x75: {  	_ =	shalt  }
0x76: {  	_ =	shalt  }
0x77: {  	_ =	shalt  }
0x78: {  	_ =	shalt  }
0x79: {  	_ =	shalt  }
0x7a: {  	_ =	shalt  }
0x7b: {  	_ =	shalt  }
0x7c: {  	_ =	shalt  }
0x7d: {  	_ =	shalt  }
0x7e: {  	_ =	shalt  }
0x7f: {  	_ =	shalt  }
0x80: {  	_ =	shalt  }
0x81: {  	_ =	shalt  }
0x82: {  	_ =	shalt  }
0x83: {  	_ =	shalt  }
0x84: {  	_ =	shalt  }
0x85: {  	_ =	shalt  }
0x86: {  	_ =	shalt  }
0x87: {  	_ =	shalt  }
.Lfunc_end0:
.L_simem_size_0:
called_computation.2_lowered:
.L_overlay_start_0:
0x88: {  	s2 =	sld [smem:$0x3FD9]  }
0x89: {  	s3 =	sld [smem:$0x3FFE];
	_ =	sdelay $0x1  }
0x8a: {  	s1 =	srdreg.scid  }
0x8b: {  	s0 =	sand.u32 $0x1, s1  }
0x8c: {  	s17 =	sshll.u32 s0, $0xA;
	s2 =	sadd.s32 s3, s2  }
0x8d: {  	s2 =	sadd.s32 s2, s17  }
0x8e: {  	[smem:$0x3FC2] =	sst s2  }
0x8f: {  	_ = 	snop  }
0x90: {  	s2 =	sld [smem:$0x3FD0];
	(tm) =	ssettm $0x1  }
0x91: {  	s18 =	sld [smem:$0x3FFB];
	_ =	sdelay $0x3  }
0x92: {  	_ =	strace s18  }
0x93: {  	s3 =	sld [smem:$0x3FFC];
	_ =	sdelay $0x3  }
0x94: {  	_ =	strace s3  }
0x95: {  	s3 =	sld [smem:$0x3FFD];
	_ =	sdelay $0x3  }
0x96: {  	_ =	strace s3  }
0x97: {  	_ =	strace $0x8FFFFFFF  }
0x98: {  	s19 =	sld [smem:$0x3FDB];
	_ =	sdelay $0x1  }
0x99: {  	s4 =	simm.s32 $_scs_section_size  }
0x9a: {  	s5 =	simm.s32 $_size__tile_overlayer_lowered;
	s6 =	simm.s32 $_tile_overlayer_lowered  }
0x9b: {  	s22 =	simm.s32 $0x1BFF;
	s21 =	sshll.u32 s6, $0x1;
	s3 =	sadd.s32 s4, s19  }
0x9c: {  	s7 =	simm.s32 $0x0;
	s20 =	sshll.u32 s5, $0x1;
	s5 =	sadd.s32 s21, s3  }
0x9d: {  	[timem:s7], [sflag:s22] =	dma.local [hbm:s5], s20  }
0x9e: {  	_ =	swait.ge [sflag:s22], s20  }
0x9f: {  	s4 =	ssub.s32 $0x0, s20;
	[sflag:s22] =	ssyncset.done $0x0  }
0xa0: {  	[sflag:s22] =	ssyncadd.s32 s4;
	_ =	sdelay $0x1  }
0xa1: {  	s23 =	simm.s32 $0x1B8B  }
0xa2: {  	_ =	swait.ge [sflag:s23], $0x1  }
0xa3: {  	[sflag:s23] =	ssyncset.done $0x0  }
0xa4: {  	s25 =	simm.s32 $0x1B8E;
	s24 =	sld [smem:$0x3FFE];
	[sflag:s23] =	ssyncadd.s32 $0xFFFFFFFF  }
0xa5: {  	s26 =	simm.s32 $execute0_lowered;
	[smem:$0x3FD2] =	sst s25  }
0xa6: {  	s5 =	sshll.u32 s26, $0x1;
	_ =	strace $0x8000004C;
	[dreg:$0x1] =	wrdreg $0xFFFFFFFF  }
0xa7: {  	s28 =	simm.s32 $_size_execute0_lowered;
	s3 =	sadd.s32 s3, s5;
	[dreg:$0x0] =	wrdreg $0x0  }
0xa8: {  	s5 =	sshll.u32 s28, $0x1;
	[dreg:$0x2] =	wrdreg s3  }
0xa9: {  	[dreg:$0x3] =	wrdreg s5  }
0xaa: {  	[dreg:$0x4] =	wrdreg $0xC0  }
0xab: {  	_ =	task [dreg:s7], $0x5FFFF  }
0xac: {  	[dreg:$0x1] =	wrdreg $0xFFFFFFFF  }
0xad: {  	[dreg:$0x0] =	wrdreg $0x60  }
0xae: {  	[dreg:$0x2] =	wrdreg s2  }
0xaf: {  	[dreg:$0x3] =	wrdreg s24  }
0xb0: {  	[dreg:$0x4] =	wrdreg $0xA8000  }
0xb1: {  	[dreg:$0x5] =	wrdreg $0x9  }
0xb2: {  	_ =	task.clear_ibuf [dreg:s7], $0x6FFFF;
	_ =	strace $0x9000004C  }
0xb3: {  	s29 =	simm.s32 $0x9;
	_ =	strace $0x8000004E  }
0xb4: {  	_ =	swait.ge [sflag:s29], $0x1  }
0xb5: {  	[sflag:s29] =	ssyncadd.s32 $0xFFFFFFFF  }
0xb6: {  	_ =	strace $0x9000004E  }
0xb7: {  	_ =	sfence  }
0xb8: {  	s30 =	sld [smem:$0x0];
	_ =	sdelay $0x2  }
0xb9: {  	s31 =	sshll.u32 s1, $0xD;
	s1 =	sshrl.u32 s1, $0x2  }
0xba: {  	s3 =	sand.u32 $0x4000, s31;
	s1 =	sadd.s32 s1, s30  }
0xbb: {  	s0 =	sor.u32 s3, s0;
	s1 =	sshll.u32 s1, $0x11  }
0xbc: {  	s0 =	sor.u32 s1, s0  }
0xbd: {  	s0 =	sadd.s32 $0x8F2B, s0  }
0xbe: {  	[sflag:s0] =	ssyncadd.remote.s32 $0x1  }
0xbf: {  	_ =	sfence.sel $0xFFFF  }
0xc0: {  	[dreg:$0x0] =	wrdreg $0xFFFFFFFF;
	(pc) =	sbr.abs _section_cstart, $3  }
0xc1: {  	[dreg:$0x1] =	wrdreg $0xFFFFFFFF  }
0xc2: {  	_ =	task.clear_ibuf [dreg:s7], $0x2FFFF;
	_ =	strace $0x9FFFFFFF  }
0xc3: {  	(tm) =	ssettm $0x7FFFFFFF  }
tec
execute0_lowered:
.L_overlay_start_1:
0x0: {  	(tag) =	ssettag $0x1  }
0x1: {  	s0 =	rddreg [dreg:$0x0]  }
0x2: {  	s2 =	rddreg [dreg:$0x1]  }
0x3: {  	s1 =	rddreg [dreg:$0x2];
	s3 =	srdreg.scid  }
0x4: {  	s8 =	stileid.u32;
	s28 =	simm.s32 $0x2;
	s29 =	simm.s32 $0x2780  }
0x5: {  	s30 =	simm.s32 $0x4;
	s31 =	simm.s32 $0x0;
	s5 =	sand.u32 $0x1, s3  }
0x6: {  	s3 =	simm.s32 $0x0;
	s7 =	smul.u32 $0x14000, s8;
	s9 =	sadd.s32 $0x1E00, s2  }
0x7: {  	s11 =	sadd.s32 $0x33E00, s2;
	s6 =	smul.u32 $0x140000, s5;
	[smem:$0x7FF] =	sst s3  }
0x8: {  	s4 =	sshll.u32 s5, $0x4;
	s5 =	ssub.s32 $0x2, s5;
	_ =	strace $0x8000004D  }
0x9: {  	s10 =	sor.u32 s8, s4;
	s4 =	sadd.s32 $0xBE00, s2;
	s8 =	smul.u32 $0x50000, s8  }
0xa: {  	[dreg:$0x4] =	wrdreg s11;
	s18 =	sshrl.u32 s5, $0x1;
	s6 =	sadd.s32 s7, s6  }
0xb: {  	s17 =	smul.u32 $0x500, s10;
	s5 =	ssub.s32 s5, s18;
	s6 =	sshrl.u32 s6, $0x3  }
0xc: {  	s21 =	smul.u32 $0x2800, s10;
	s20 =	sshrl.u32 s8, $0x2;
	s2 =	sadd.s32 s6, s2  }
0xd: {  	s19 =	sadd.s32 s0, s17;
	s7 =	sadd.s32 s9, s17;
	s8 =	sadd.s32 s20, s1  }
0xe: {  	s6 =	sshrl.u32 s21, $0x3;
	s20 =	simm.s32 $0x5;
	[dreg:$0x5] =	wrdreg s19  }
0xf: {  	s21 =	simm.s32 $0x7D;
	[dreg:$0x6] =	wrdreg s7;
	s22 =	sadd.s32 $0x2800, s8  }
0x10: {  	s23 =	sadd.s32 $0x5000, s8;
	s24 =	sadd.s32 $0x7800, s8;
	[dreg:$0x7] =	wrdreg s22  }
0x11: {  	s25 =	sadd.s32 $0xA000, s8;
	s26 =	sadd.s32 $0xC800, s8;
	[dreg:$0x8] =	wrdreg s23  }
0x12: {  	s14 =	sadd.s32 $0xF000, s8;
	s15 =	sadd.s32 $0x11800, s8;
	[dreg:$0x9] =	wrdreg s24  }
0x13: {  	s6 =	sadd.s32 $0x280, s6;
	s18 =	sadd.s32 $0x34400, s2;
	[dreg:$0xa] =	wrdreg s25  }
0x14: {  	s19 =	smax.u32 s5, $0x1;
	[dreg:$0xb] =	wrdreg s26;
	s16 =	sadd.s32 s0, s6  }
0x15: {  	s17 =	sadd.s32 s9, s6;
	s22 =	simm.s32 $0x2800;
	s23 =	simm.s32 $0x1400  }
0x16: {  	s24 =	simm.s32 $0x6800;
	s25 =	simm.s32 $0x80;
	s26 =	simm.s32 $0x3  }
.LBB2_1:
0x17: {  	s0 =	rddreg [dreg:$0x5]  }
0x18: {  	[tilespmem:s3], [sflag:$0x5] =	stream.linear.gather [hbm4b:s0+s3], $0x1400, $0x38;
	[tilespmem:$0x1E800] =	vst v63  }
0x19: {  	_ =	swait.ge [sflag:s20], $0x1400  }
0x1a: {  	[sflag:s20] =	ssyncset.done $0x0  }
0x1b: {  	[sflag:s20] =	ssyncadd.s32 $0xFFFFEC00  }
0x1c: {  	[tilespmem:s22], [sflag:$0x1] =	stream.indirect.gather [hbm4b:s4+s21], $0x80, s3, s21, $0xb8;
	[tilespmem:$0x1E800] =	vst v63  }
0x1d: {  	s5 =	rddreg [dreg:$0x6]  }
0x1e: {  	[tilespmem:s23], [sflag:$0x5] =	stream.linear.gather [hbm4b:s5+s3], $0x1400, $0x38;
	[tilespmem:$0x1E800] =	vst v63  }
0x1f: {  	_ =	swait.ge [sflag:s20], $0x1400  }
0x20: {  	[sflag:s20] =	ssyncset.done $0x0  }
0x21: {  	s6 =	rddreg [dreg:$0x4];
	[sflag:s20] =	ssyncadd.s32 $0xFFFFEC00  }
0x22: {  	[tilespmem:s24], [sflag:$0x5] =	stream.linear.gather [hbm4b:s6+s3], $0x2800, $0x38;
	[tilespmem:$0x1E800] =	vst v63  }
0x23: {  	_ =	swait.ge [sflag:s20], $0x2800  }
0x24: {  	[sflag:s20] =	ssyncset.done $0x0  }
0x25: {  	[sflag:s20] =	ssyncadd.s32 $0xFFFFD800  }
0x26: {  	[spmem:s8] =	stream.linear.scatter [tilespmem:s24], [sflag:$0x5], $0x2800, $0x38;
	[tilespmem:$0x1E800] =	vst v63  }
0x27: {  	_ =	swait.ge [sflag:s20], $0x2800  }
0x28: {  	[sflag:s20] =	ssyncset.done $0x0  }
0x29: {  	s7 =	rddreg [dreg:$0x7];
	[sflag:s20] =	ssyncadd.s32 $0xFFFFD800  }
0x2a: {  	[spmem:s7] =	stream.linear.scatter [tilespmem:s24], [sflag:$0x5], $0x2800, $0x38;
	[tilespmem:$0x1E800] =	vst v63  }
0x2b: {  	_ =	swait.ge [sflag:s20], $0x2800  }
0x2c: {  	[sflag:s20] =	ssyncset.done $0x0  }
0x2d: {  	s9 =	rddreg [dreg:$0x8];
	[sflag:s20] =	ssyncadd.s32 $0xFFFFD800  }
0x2e: {  	[spmem:s9] =	stream.linear.scatter [tilespmem:s24], [sflag:$0x5], $0x2800, $0x38;
	[tilespmem:$0x1E800] =	vst v63  }
0x2f: {  	_ =	swait.ge [sflag:s20], $0x2800  }
0x30: {  	[sflag:s20] =	ssyncset.done $0x0  }
0x31: {  	s10 =	rddreg [dreg:$0x9];
	[sflag:s20] =	ssyncadd.s32 $0xFFFFD800  }
0x32: {  	[spmem:s10] =	stream.linear.scatter [tilespmem:s24], [sflag:$0x5], $0x2800, $0x38;
	[tilespmem:$0x1E800] =	vst v63  }
0x33: {  	_ =	swait.ge [sflag:s20], $0x2800  }
0x34: {  	[sflag:s20] =	ssyncset.done $0x0  }
0x35: {  	s11 =	rddreg [dreg:$0xa];
	[sflag:s20] =	ssyncadd.s32 $0xFFFFD800  }
0x36: {  	[spmem:s11] =	stream.linear.scatter [tilespmem:s24], [sflag:$0x5], $0x2800, $0x38;
	[tilespmem:$0x1E800] =	vst v63  }
0x37: {  	_ =	swait.ge [sflag:s20], $0x2800  }
0x38: {  	[sflag:s20] =	ssyncset.done $0x0  }
0x39: {  	s12 =	rddreg [dreg:$0xb];
	[sflag:s20] =	ssyncadd.s32 $0xFFFFD800  }
0x3a: {  	[spmem:s12] =	stream.linear.scatter [tilespmem:s24], [sflag:$0x5], $0x2800, $0x38;
	[tilespmem:$0x1E800] =	vst v63  }
0x3b: {  	_ =	swait.ge [sflag:s20], $0x2800  }
0x3c: {  	[sflag:s20] =	ssyncset.done $0x0  }
0x3d: {  	[sflag:s20] =	ssyncadd.s32 $0xFFFFD800  }
0x3e: {  	[spmem:s14] =	stream.linear.scatter [tilespmem:s24], [sflag:$0x5], $0x2800, $0x38;
	[tilespmem:$0x1E800] =	vst v63  }
0x3f: {  	_ =	swait.ge [sflag:s20], $0x2800  }
0x40: {  	[sflag:s20] =	ssyncset.done $0x0  }
0x41: {  	[sflag:s20] =	ssyncadd.s32 $0xFFFFD800  }
0x42: {  	[spmem:s15] =	stream.linear.scatter [tilespmem:s24], [sflag:$0x5], $0x2800, $0x38;
	[tilespmem:$0x1E800] =	vst v63  }
0x43: {  	_ =	swait.ge [sflag:s20], $0x2800  }
0x44: {  	[sflag:s20] =	ssyncset.done $0x0  }
0x45: {  	[sflag:s20] =	ssyncadd.s32 $0xFFFFD800  }
0x46: {  	s13 =	simm.s32 $0x1;
	[bflag:$0x0] =	sbarrier.arrive $0xFFFF  }
0x47: {  	[tilespmem:s24], [sflag:$0x2] =	stream.indirect.gather [hbm4b:s4+s21], $0x80, s25, s21, $0xb8;
	[tilespmem:$0x1E800] =	vst v63  }
0x48: {  	s0 =	sand.u32 $0x1, s13;
	_ =	swait.ge [sflag:s13], $0x3E80  }
0x49: {  	p0 =	seq.s32 s0, $0x1;
	[sflag:s13] =	ssyncset.done $0x0  }
0x4a: {  	s2 =	simm.s32 @!p0 $0x4;
	[sflag:s13] =	ssyncadd.s32 $0xFFFFC180  }
0x4b: {  	[spmem:s1] =	stream.indirect.scatter.add.f32 [tilespmem:s22], [sflag:$0x3], $0x80, s23, s21, $0xb8;
	[tilespmem:$0x1E800] =	vst v63  }
0x4c: {  	_ =	swait.ge @!p0 [sflag:s2], $0x3E80  }
0x4d: {  	p2 =	seq.s32 s0, $0x0;
	[sflag:s2] =	ssyncset.done @!p0 $0x0;
	p0 =	por p0, p0  }
0x4e: {  	[sflag:s2] =	ssyncadd.s32 @!p0 $0xFFFFC180;
	s2 =	simm.s32 @!p2 $0x3  }
0x4f: {  	p1 =	sne.s32 s0, $0x0;
	_ =	swait.ge @!p2 [sflag:s2], $0x3E80  }
0x50: {  	s0 =	simm.s32 @!p1 $0x7D;
	[sflag:s2] =	ssyncset.done @!p2 $0x0  }
0x51: {  	s5 =	simm.s32 $0x100;
	[sflag:s2] =	ssyncadd.s32 @!p2 $0xFFFFC180;
	s2 =	simm.s32 @!p1 $0x6800  }
0x52: {  	[tilespmem:s2], [sflag:$0x2] =	stream.indirect.gather @!p1 [hbm4b:s4+s0], $0x80, s5, s0, $0xb8;
	[tilespmem:$0x1E800] =	vst v63  }
0x53: {  	s9 =	simm.s32 @!p1 $0x1;
	s7 =	simm.s32 @p0 $0x7D;
	s2 =	simm.s32 @p0 $0x2800  }
0x54: {  	[tilespmem:s2], [sflag:$0x1] =	stream.indirect.gather @p0 [hbm4b:s4+s7], $0x80, s5, s7, $0xb8;
	[tilespmem:$0x1E800] =	vst v63  }
0x55: {  	s6 =	simm.s32 $0x3;
	s11 =	simm.s32 $0x2;
	_ =	swait.ge @!p1 [sflag:s9], $0x3E80  }
0x56: {  	s10 =	simm.s32 @p0 $0x2;
	s5 =	simm.s32 $0x1480;
	[sflag:s9] =	ssyncset.done @!p1 $0x0  }
0x57: {  	s2 =	simm.s32 $0x180;
	[sflag:s9] =	ssyncadd.s32 @!p1 $0xFFFFC180;
	s9 =	simm.s32 @!p1 $0x2800  }
0x58: {  	[spmem:s1] =	stream.indirect.scatter.add.f32 @!p1 [tilespmem:s9], [sflag:$0x3], $0x80, s5, s0, $0xb8;
	[tilespmem:$0x1E800] =	vst v63  }
0x59: {  	s9 =	sand.u32 $0x1, s11;
	s0 =	simm.s32 $0x1500;
	_ =	swait.ge @p0 [sflag:s10], $0x3E80  }
0x5a: {  	s11 =	simm.s32 @p0 $0x6800;
	p2 =	seq.s32 s9, $0x1;
	[sflag:s10] =	ssyncset.done @p0 $0x0  }
.LBB2_2:
0x5b: {  	s12 =	simm.s32 @!p2 $0x4  }
0x5c: {  	[sflag:s10] =	ssyncadd.s32 @p0 $0xFFFFC180;
	s13 =	smov.u32 s6;
	s6 =	sadd.s32 $0x1, s6  }
0x5d: {  	[spmem:s1] =	stream.indirect.scatter.add.f32 @p0 [tilespmem:s11], [sflag:$0x4], $0x80, s5, s7, $0xb8;
	[tilespmem:$0x1E800] =	vst v63  }
0x5e: {  	p1 =	sne.s32 s6, $0x27;
	s5 =	smov.u32 s0;
	_ =	swait.ge @!p2 [sflag:s12], $0x3E80  }
0x5f: {  	p3 =	seq.s32 s9, $0x0;
	p0 =	por p2, p2;
	[sflag:s12] =	ssyncset.done @!p2 $0x0  }
0x60: {  	s7 =	simm.s32 @!p3 $0x3;
	[sflag:s12] =	ssyncadd.s32 @!p0 $0xFFFFC180  }
0x61: {  	_ =	swait.ge @!p3 [sflag:s7], $0x3E80  }
0x62: {  	p2 =	sne.s32 s9, $0x0;
	[sflag:s7] =	ssyncset.done @!p3 $0x0  }
0x63: {  	s9 =	simm.s32 @!p2 $0x7D;
	[sflag:s7] =	ssyncadd.s32 @!p3 $0xFFFFC180;
	s7 =	simm.s32 @!p2 $0x6800  }
0x64: {  	[tilespmem:s7], [sflag:$0x2] =	stream.indirect.gather @!p2 [hbm4b:s4+s9], $0x80, s2, s9, $0xb8;
	[tilespmem:$0x1E800] =	vst v63  }
0x65: {  	s10 =	simm.s32 @p0 $0x2800;
	s11 =	simm.s32 @!p2 $0x1;
	s7 =	simm.s32 @p0 $0x7D  }
0x66: {  	[tilespmem:s10], [sflag:$0x1] =	stream.indirect.gather @p0 [hbm4b:s4+s7], $0x80, s2, s7, $0xb8;
	[tilespmem:$0x1E800] =	vst v63  }
0x67: {  	_ =	swait.ge @!p2 [sflag:s11], $0x3E80  }
.Ltmp0:
0x68: {  	s2 =	sadd.s32 $0x80, s2;
	[sflag:s11] =	ssyncset.done @!p2 $0x0;
	(pc) =	sbr.rel @p1 .LBB2_2-.Ltmp0, $4  }
0x69: {  	s10 =	simm.s32 @p0 $0x2;
	[sflag:s11] =	ssyncadd.s32 @!p2 $0xFFFFC180;
	s11 =	simm.s32 @!p2 $0x2800  }
0x6a: {  	[spmem:s1] =	stream.indirect.scatter.add.f32 @!p2 [tilespmem:s11], [sflag:$0x3], $0x80, s0, s9, $0xb8;
	[tilespmem:$0x1E800] =	vst v63  }
0x6b: {  	s9 =	sand.u32 $0x1, s13;
	s0 =	sadd.s32 $0x80, s0;
	_ =	swait.ge @p0 [sflag:s10], $0x3E80  }
0x6c: {  	s11 =	simm.s32 @p0 $0x6800;
	p2 =	seq.s32 s9, $0x1;
	[sflag:s10] =	ssyncset.done @p0 $0x0  }
0x6d: {  	s6 =	simm.s32 @!p2 $0x4;
	[sflag:s10] =	ssyncadd.s32 @p0 $0xFFFFC180  }
0x6e: {  	[spmem:s1] =	stream.indirect.scatter.add.f32 @p0 [tilespmem:s11], [sflag:$0x4], $0x80, s5, s7, $0xb8;
	[tilespmem:$0x1E800] =	vst v63  }
0x6f: {  	_ =	swait.ge @!p2 [sflag:s6], $0x3E80  }
0x70: {  	p1 =	seq.s32 s9, $0x0;
	p0 =	por p2, p2;
	[sflag:s6] =	ssyncset.done @!p2 $0x0  }
0x71: {  	s5 =	simm.s32 @!p1 $0x3;
	[sflag:s6] =	ssyncadd.s32 @!p0 $0xFFFFC180  }
0x72: {  	_ =	swait.ge @!p1 [sflag:s5], $0x3E80  }
0x73: {  	p2 =	sne.s32 s9, $0x0;
	[sflag:s5] =	ssyncset.done @!p1 $0x0  }
0x74: {  	s6 =	simm.s32 @!p2 $0x6800;
	[sflag:s5] =	ssyncadd.s32 @!p1 $0xFFFFC180;
	s5 =	simm.s32 @!p2 $0x7D  }
0x75: {  	[tilespmem:s6], [sflag:$0x2] =	stream.indirect.gather @!p2 [hbm4b:s4+s5], $0x80, s2, s5, $0xb8;
	[tilespmem:$0x1E800] =	vst v63  }
0x76: {  	s7 =	simm.s32 @p0 $0x2800;
	s9 =	simm.s32 @!p2 $0x1;
	s6 =	simm.s32 @p0 $0x7D  }
0x77: {  	[tilespmem:s7], [sflag:$0x1] =	stream.indirect.gather @p0 [hbm4b:s4+s6], $0x80, s2, s6, $0xb8;
	[tilespmem:$0x1E800] =	vst v63  }
0x78: {  	_ =	swait.ge @!p2 [sflag:s9], $0x3E80  }
0x79: {  	[sflag:s9] =	ssyncset.done @!p2 $0x0  }
0x7a: {  	s2 =	simm.s32 @!p2 $0x2800;
	s7 =	simm.s32 @p0 $0x2;
	[sflag:s9] =	ssyncadd.s32 @!p2 $0xFFFFC180  }
0x7b: {  	[spmem:s1] =	stream.indirect.scatter.add.f32 @!p2 [tilespmem:s2], [sflag:$0x3], $0x80, s0, s5, $0xb8;
	[tilespmem:$0x1E800] =	vst v63  }
0x7c: {  	_ =	swait.ge @p0 [sflag:s7], $0x3E80  }
0x7d: {  	[sflag:s7] =	ssyncset.done @p0 $0x0  }
0x7e: {  	s2 =	simm.s32 @p0 $0x6800;
	[sflag:s7] =	ssyncadd.s32 @p0 $0xFFFFC180  }
0x7f: {  	[spmem:s1] =	stream.indirect.scatter.add.f32 @p0 [tilespmem:s2], [sflag:$0x4], $0x80, s0, s6, $0xb8;
	[tilespmem:$0x1E800] =	vst v63  }
0x80: {  	_ =	swait.ge [sflag:s26], $0x3E80  }
0x81: {  	[sflag:s26] =	ssyncset.done $0x0  }
0x82: {  	[sflag:s26] =	ssyncadd.s32 $0xFFFFC180  }
0x83: {  	_ =	swait.ge [sflag:s28], $0x3E80  }
0x84: {  	[sflag:s28] =	ssyncset.done $0x0  }
0x85: {  	[sflag:s28] =	ssyncadd.s32 $0xFFFFC180  }
0x86: {  	[spmem:s1] =	stream.indirect.scatter.add.f32 [tilespmem:s24], [sflag:$0x4], $0x80, s29, s21, $0xb8;
	[tilespmem:$0x1E800] =	vst v63  }
0x87: {  	_ =	swait.ge [sflag:s30], $0x3E80  }
0x88: {  	[sflag:s30] =	ssyncset.done $0x0  }
0x89: {  	[sflag:s30] =	ssyncadd.s32 $0xFFFFC180  }
0x8a: {  	[tilespmem:s3], [sflag:$0x5] =	stream.linear.gather [hbm4b:s16+s3], $0x1400, $0x38;
	[tilespmem:$0x1E800] =	vst v63  }
0x8b: {  	_ =	swait.ge [sflag:s20], $0x1400  }
0x8c: {  	[sflag:s20] =	ssyncset.done $0x0  }
0x8d: {  	[sflag:s20] =	ssyncadd.s32 $0xFFFFEC00  }
0x8e: {  	[tilespmem:s23], [sflag:$0x5] =	stream.linear.gather [hbm4b:s17+s3], $0x1400, $0x38;
	[tilespmem:$0x1E800] =	vst v63  }
0x8f: {  	_ =	swait.ge [sflag:s20], $0x1400  }
0x90: {  	[sflag:s20] =	ssyncset.done $0x0  }
0x91: {  	[sflag:s20] =	ssyncadd.s32 $0xFFFFEC00  }
0x92: {  	[tilespmem:s22], [sflag:$0x1] =	stream.indirect.gather [hbm4b:s4+s21], $0x80, s3, s21, $0xb8;
	[tilespmem:$0x1E800] =	vst v63  }
0x93: {  	s12 =	simm.s32 $0x1  }
0x94: {  	[tilespmem:s24], [sflag:$0x2] =	stream.indirect.gather [hbm4b:s4+s21], $0x80, s25, s21, $0xb8;
	[tilespmem:$0x1E800] =	vst v63  }
0x95: {  	s0 =	sand.u32 $0x1, s12;
	_ =	swait.ge [sflag:s12], $0x3E80  }
0x96: {  	p0 =	seq.s32 s0, $0x1;
	[sflag:s12] =	ssyncset.done $0x0  }
0x97: {  	s2 =	simm.s32 @!p0 $0x4;
	[sflag:s12] =	ssyncadd.s32 $0xFFFFC180  }
0x98: {  	[spmem:s1] =	stream.indirect.scatter.add.f32 [tilespmem:s22], [sflag:$0x3], $0x80, s23, s21, $0xb8;
	[tilespmem:$0x1E800] =	vst v63  }
0x99: {  	_ =	swait.ge @!p0 [sflag:s2], $0x3E80  }
0x9a: {  	p2 =	seq.s32 s0, $0x0;
	[sflag:s2] =	ssyncset.done @!p0 $0x0;
	p0 =	por p0, p0  }
0x9b: {  	[sflag:s2] =	ssyncadd.s32 @!p0 $0xFFFFC180;
	s2 =	simm.s32 @!p2 $0x3  }
0x9c: {  	_ =	swait.ge @!p2 [sflag:s2], $0x3E80  }
0x9d: {  	s5 =	simm.s32 $0x100;
	p1 =	sne.s32 s0, $0x0;
	[sflag:s2] =	ssyncset.done @!p2 $0x0  }
0x9e: {  	s0 =	simm.s32 @!p1 $0x7D;
	[sflag:s2] =	ssyncadd.s32 @!p2 $0xFFFFC180;
	s2 =	simm.s32 @!p1 $0x6800  }
0x9f: {  	[tilespmem:s2], [sflag:$0x2] =	stream.indirect.gather @!p1 [hbm4b:s4+s0], $0x80, s5, s0, $0xb8;
	[tilespmem:$0x1E800] =	vst v63  }
0xa0: {  	s9 =	simm.s32 @!p1 $0x1;
	s7 =	simm.s32 @p0 $0x7D;
	s2 =	simm.s32 @p0 $0x2800  }
0xa1: {  	[tilespmem:s2], [sflag:$0x1] =	stream.indirect.gather @p0 [hbm4b:s4+s7], $0x80, s5, s7, $0xb8;
	[tilespmem:$0x1E800] =	vst v63  }
0xa2: {  	s13 =	simm.s32 $0x2;
	s6 =	simm.s32 $0x3;
	_ =	swait.ge @!p1 [sflag:s9], $0x3E80  }
0xa3: {  	s10 =	simm.s32 @p0 $0x2;
	s11 =	simm.s32 @p0 $0x6800;
	[sflag:s9] =	ssyncset.done @!p1 $0x0  }
0xa4: {  	s5 =	simm.s32 $0x1480;
	[sflag:s9] =	ssyncadd.s32 @!p1 $0xFFFFC180;
	s9 =	simm.s32 @!p1 $0x2800  }
0xa5: {  	[spmem:s1] =	stream.indirect.scatter.add.f32 @!p1 [tilespmem:s9], [sflag:$0x3], $0x80, s5, s0, $0xb8;
	[tilespmem:$0x1E800] =	vst v63  }
0xa6: {  	s2 =	simm.s32 $0x180;
	s9 =	sand.u32 $0x1, s13;
	_ =	swait.ge @p0 [sflag:s10], $0x3E80  }
0xa7: {  	s0 =	simm.s32 $0x1500;
	p2 =	seq.s32 s9, $0x1;
	[sflag:s10] =	ssyncset.done @p0 $0x0  }
.LBB2_4:
0xa8: {  	s12 =	simm.s32 @!p2 $0x4  }
0xa9: {  	[sflag:s10] =	ssyncadd.s32 @p0 $0xFFFFC180;
	s13 =	smov.u32 s6;
	s6 =	sadd.s32 $0x1, s6  }
0xaa: {  	[spmem:s1] =	stream.indirect.scatter.add.f32 @p0 [tilespmem:s11], [sflag:$0x4], $0x80, s5, s7, $0xb8;
	[tilespmem:$0x1E800] =	vst v63  }
0xab: {  	p1 =	sne.s32 s6, $0x27;
	s5 =	smov.u32 s0;
	_ =	swait.ge @!p2 [sflag:s12], $0x3E80  }
0xac: {  	p3 =	seq.s32 s9, $0x0;
	p0 =	por p2, p2;
	[sflag:s12] =	ssyncset.done @!p2 $0x0  }
0xad: {  	s7 =	simm.s32 @!p3 $0x3;
	[sflag:s12] =	ssyncadd.s32 @!p0 $0xFFFFC180  }
0xae: {  	_ =	swait.ge @!p3 [sflag:s7], $0x3E80  }
0xaf: {  	p2 =	sne.s32 s9, $0x0;
	[sflag:s7] =	ssyncset.done @!p3 $0x0  }
0xb0: {  	s9 =	simm.s32 @!p2 $0x7D;
	[sflag:s7] =	ssyncadd.s32 @!p3 $0xFFFFC180;
	s7 =	simm.s32 @!p2 $0x6800  }
0xb1: {  	[tilespmem:s7], [sflag:$0x2] =	stream.indirect.gather @!p2 [hbm4b:s4+s9], $0x80, s2, s9, $0xb8;
	[tilespmem:$0x1E800] =	vst v63  }
0xb2: {  	s10 =	simm.s32 @p0 $0x2800;
	s11 =	simm.s32 @!p2 $0x1;
	s7 =	simm.s32 @p0 $0x7D  }
0xb3: {  	[tilespmem:s10], [sflag:$0x1] =	stream.indirect.gather @p0 [hbm4b:s4+s7], $0x80, s2, s7, $0xb8;
	[tilespmem:$0x1E800] =	vst v63  }
0xb4: {  	_ =	swait.ge @!p2 [sflag:s11], $0x3E80  }
.Ltmp1:
0xb5: {  	s2 =	sadd.s32 $0x80, s2;
	[sflag:s11] =	ssyncset.done @!p2 $0x0;
	(pc) =	sbr.rel @p1 .LBB2_4-.Ltmp1, $4  }
0xb6: {  	s10 =	simm.s32 @p0 $0x2;
	[sflag:s11] =	ssyncadd.s32 @!p2 $0xFFFFC180;
	s11 =	simm.s32 @!p2 $0x2800  }
0xb7: {  	[spmem:s1] =	stream.indirect.scatter.add.f32 @!p2 [tilespmem:s11], [sflag:$0x3], $0x80, s0, s9, $0xb8;
	[tilespmem:$0x1E800] =	vst v63  }
0xb8: {  	s9 =	sand.u32 $0x1, s13;
	s0 =	sadd.s32 $0x80, s0;
	_ =	swait.ge @p0 [sflag:s10], $0x3E80  }
0xb9: {  	s11 =	simm.s32 @p0 $0x6800;
	p2 =	seq.s32 s9, $0x1;
	[sflag:s10] =	ssyncset.done @p0 $0x0  }
0xba: {  	s6 =	simm.s32 @!p2 $0x4;
	[sflag:s10] =	ssyncadd.s32 @p0 $0xFFFFC180  }
0xbb: {  	[spmem:s1] =	stream.indirect.scatter.add.f32 @p0 [tilespmem:s11], [sflag:$0x4], $0x80, s5, s7, $0xb8;
	[tilespmem:$0x1E800] =	vst v63  }
0xbc: {  	_ =	swait.ge @!p2 [sflag:s6], $0x3E80  }
0xbd: {  	p1 =	seq.s32 s9, $0x0;
	p0 =	por p2, p2;
	[sflag:s6] =	ssyncset.done @!p2 $0x0  }
0xbe: {  	s5 =	simm.s32 @!p1 $0x3;
	[sflag:s6] =	ssyncadd.s32 @!p0 $0xFFFFC180  }
0xbf: {  	_ =	swait.ge @!p1 [sflag:s5], $0x3E80  }
0xc0: {  	p2 =	sne.s32 s9, $0x0;
	[sflag:s5] =	ssyncset.done @!p1 $0x0  }
0xc1: {  	s6 =	simm.s32 @!p2 $0x6800;
	[sflag:s5] =	ssyncadd.s32 @!p1 $0xFFFFC180;
	s5 =	simm.s32 @!p2 $0x7D  }
0xc2: {  	[tilespmem:s6], [sflag:$0x2] =	stream.indirect.gather @!p2 [hbm4b:s4+s5], $0x80, s2, s5, $0xb8;
	[tilespmem:$0x1E800] =	vst v63  }
0xc3: {  	s7 =	simm.s32 @p0 $0x2800;
	s9 =	simm.s32 @!p2 $0x1;
	s6 =	simm.s32 @p0 $0x7D  }
0xc4: {  	[tilespmem:s7], [sflag:$0x1] =	stream.indirect.gather @p0 [hbm4b:s4+s6], $0x80, s2, s6, $0xb8;
	[tilespmem:$0x1E800] =	vst v63  }
0xc5: {  	_ =	swait.ge @!p2 [sflag:s9], $0x3E80  }
0xc6: {  	[sflag:s9] =	ssyncset.done @!p2 $0x0  }
0xc7: {  	s2 =	simm.s32 @!p2 $0x2800;
	s7 =	simm.s32 @p0 $0x2;
	[sflag:s9] =	ssyncadd.s32 @!p2 $0xFFFFC180  }
0xc8: {  	[spmem:s1] =	stream.indirect.scatter.add.f32 @!p2 [tilespmem:s2], [sflag:$0x3], $0x80, s0, s5, $0xb8;
	[tilespmem:$0x1E800] =	vst v63  }
0xc9: {  	_ =	swait.ge @p0 [sflag:s7], $0x3E80  }
0xca: {  	[sflag:s7] =	ssyncset.done @p0 $0x0  }
0xcb: {  	s2 =	simm.s32 @p0 $0x6800;
	[sflag:s7] =	ssyncadd.s32 @p0 $0xFFFFC180  }
0xcc: {  	[spmem:s1] =	stream.indirect.scatter.add.f32 @p0 [tilespmem:s2], [sflag:$0x4], $0x80, s0, s6, $0xb8;
	[tilespmem:$0x1E800] =	vst v63  }
0xcd: {  	_ =	swait.ge [sflag:s26], $0x3E80  }
0xce: {  	[sflag:s26] =	ssyncset.done $0x0  }
0xcf: {  	[sflag:s26] =	ssyncadd.s32 $0xFFFFC180  }
0xd0: {  	_ =	swait.ge [sflag:s28], $0x3E80  }
0xd1: {  	[sflag:s28] =	ssyncset.done $0x0  }
0xd2: {  	[sflag:s28] =	ssyncadd.s32 $0xFFFFC180  }
0xd3: {  	[spmem:s1] =	stream.indirect.scatter.add.f32 [tilespmem:s24], [sflag:$0x4], $0x80, s29, s21, $0xb8;
	[tilespmem:$0x1E800] =	vst v63  }
0xd4: {  	s12 =	stileid.u32;
	_ =	swait.ge [sflag:s30], $0x3E80  }
0xd5: {  	s13 =	sshrl.u32 s8, $0x3;
	s31 =	sadd.s32 $0x1, s31;
	[sflag:s30] =	ssyncset.done $0x0  }
0xd6: {  	s0 =	sshll.u32 s12, $0x6;
	p0 =	sne.s32 s31, s19;
	[sflag:s30] =	ssyncadd.s32 $0xFFFFC180  }
.Ltmp2:
0xd7: {  	s0 =	sor.u32 $0x1C05, s0;
	[bflag:$0x0] =	sbarrier.arrive $0xFFFF;
	(pc) =	sbr.rel @p0 .LBB2_1-.Ltmp2, $4  }
0xd8: {  	[hbm:s18], [sflag:s0] =	dma.local [spmem:s13], $0x2800  }
0xd9: {  	_ =	swait.ge [sflag:s20], $0x2800  }
0xda: {  	[sflag:s20] =	ssyncset.done $0x0  }
0xdb: {  	[sflag:s20] =	ssyncadd.s32 $0xFFFFD800  }
0xdc: {  	_ =	sfence.sel $0x180000  }
0xdd: {  	[bflag:$0x0] =	sbarrier.arrive $0xFFFF  }
0xde: {  	_ =	strace $0x9000004D  }
0xdf: {  	s0 =	stileid.u32;
	[bflag:$0x2] =	sbarrier.arrive $0xFFFF  }
0xe0: {  	p0 =	sne.s32 s0, $0x0;
	s0 =	rddreg [dreg:$0x3]  }
0xe1: {  	s0 =	sadd.s32 @!p0 $0x100000, s0  }
0xe2: {  	[sflag:s0] =	ssyncadd.tile.s32 @!p0 $0x1;
	_ =	shalt  }
.Lfunc_end2:
_tile_overlayer_lowered:
.L_overlay_start_2:
0xe3: {  	(tag) =	ssettag $0x2  }
0xe4: {  	s0 =	rddreg [dreg:$0x0];
	s2 =	stileid.u32  }
0xe5: {  	s1 =	rddreg [dreg:$0x1];
	p0 =	sne.s32 s2, $0x0  }
0xe6: {  	s3 =	rddreg [dreg:$0x2];
	[bflag:$0x3] =	sbarrier.arrive $0xFFFF;
	s2 =	simm.s32 @!p0 $0x1C05  }
0xe7: {  	[timem:s3], [sflag:s2] =	dma.local @!p0 [hbm:s0], s1  }
0xe8: {  	s0 =	simm.s32 @!p0 $0x5  }
0xe9: {  	_ =	swait.ge @!p0 [sflag:s0], s1  }
0xea: {  	s1 =	ssub.s32 @!p0 $0x0, s1;
	[sflag:s0] =	ssyncset.done @!p0 $0x0  }
0xeb: {  	[sflag:s0] =	ssyncadd.s32 @!p0 s1  }
0xec: {  	[bflag:$0x3] =	sbarrier.arrive $0xFFFF  }
0xed: {  	_ =	shalt  }

// kernel: kernel.8.cloned.1.call-start
scs
__scs_entry_jumppad:
0x0: {  	(pc) =	sbr.rel $0x88, $3  }
0x1: {  	(tag) =	ssettag $0x0;
	lr =	simm.s32 $0x1  }
0x2: {  	[smem:$0x3F9B] =	sst lr;
	_ =	strace $0xD0000000  }
0x3: {  	_ = 	snop  }
0x4: {  	_ = 	snop  }
0x5: {  	_ = 	snop  }
0x6: {  	_ = 	snop  }
0x7: {  	_ = 	snop  }
__scs_overlays_trampoline_lowered:
0x8: {  	[smem:$0x3FAA] =	sst s0  }
0x9: {  	[smem:$0x3FAB] =	sst s1  }
0xa: {  	[smem:$0x3FAC] =	sst s2  }
0xb: {  	[smem:$0x3FAD] =	sst s3  }
0xc: {  	[smem:$0x3FAE] =	sst s4  }
0xd: {  	[smem:$0x3FAF] =	sst s5  }
0xe: {  	[smem:$0x3FB0] =	sst s6  }
0xf: {  	[smem:$0x3FB1] =	sst s7  }
0x10: {  	[smem:$0x3FB2] =	sst s8  }
0x11: {  	[smem:$0x3FB3] =	sst s9;
	s0 =	simm.s32 @!p0 $0x0  }
0x12: {  	s1 =	sld [smem:$0x3F99];
	s0 =	simm.s32 @p0 $0x1  }
0x13: {  	[smem:$0x3FB4] =	sst s0;
	s0 =	simm.s32 @!p1 $0x0  }
0x14: {  	s2 =	sld [smem:$0x3F98];
	s0 =	simm.s32 @p1 $0x1  }
0x15: {  	[smem:$0x3FB5] =	sst s0;
	s0 =	simm.s32 @!p2 $0x0  }
0x16: {  	s3 =	sld [smem:$0x3FDB];
	s0 =	simm.s32 @p2 $0x1  }
0x17: {  	s4 =	simm.s32 $0x1BF5;
	[smem:$0x3FB7] =	sst s0  }
0x18: {  	s0 =	sld [smem:$0x3F9A];
	_ =	swait.ge [sflag:s4], $0x0  }
0x19: {  	s7 =	sld [smem:$0x3F9B]  }
0x1a: {  	s8 =	sadd.s32 $0xFFFFE003, lr  }
0x1b: {  	s9 =	sadd.s32 $0xFFFFFEF7, lr;
	s5 =	simm.s32 $0xFFFFFFFF;
	p2 =	slt.u32 s8, $0xFFFFF086  }
0x1c: {  	p1 =	slt.u32 s9, $0xF7A;
	s5 =	simm.s32 @!p2 $0x0  }
0x1d: {  	s5 =	simm.s32 @p1 $0x1;
	p0 =	seq.s32 s7, s2  }
0x1e: {  	s7 =	smul.u32 @!p0 $0xF7A, s2;
	p2 =	seq.s32 @!p0 s5, $0x0  }
0x1f: {  	s9 =	smul.u32 $0xF7A, s1;
	s8 =	simm.s32 @!p0 $0x1BF5;
	p2 =	por !p2, p0  }
0x20: {  	[sflag:s8] =	ssyncset.s32 @!p0 $0xFFFFF086;
	s6 =	sadd.s32 @!p0 s3, s7;
	s7 =	simm.s32 @!p0 $0x108  }
0x21: {  	s3 =	sadd.s32 s3, s9;
	s6 =	sadd.s32 @!p0 $0x88, s6;
	s7 =	simm.s32 @p2 $0x1082  }
0x22: {  	[simem:s7], [sflag:s8] =	dma.local @!p0 [hbm:s6], $0xF7A  }
0x23: {  	s9 =	sor.u32 $0xD0000000, s2;
	s6 =	simm.s32 $0x108;
	_ =	swait.ge @!p0 [sflag:s8], $0x0  }
0x24: {  	s3 =	sadd.s32 $0x88, s3;
	s6 =	simm.s32 @!p1 $0x1082;
	[sflag:s4] =	ssyncset.s32 $0xFFFFF086  }
0x25: {  	[simem:s6], [sflag:s4] =	dma.local [hbm:s3], $0xF7A  }
0x26: {  	[smem:$0x3F9B] =	sst s1;
	(tag) =	ssettag s2;
	_ =	strace s9  }
0x27: {  	s1 =	sld [smem:$0x3FAB]  }
0x28: {  	s2 =	sld [smem:$0x3FAC]  }
0x29: {  	s4 =	sld [smem:$0x3FAE]  }
0x2a: {  	p0 =	seq.s32 s5, $0x0;
	s5 =	sld [smem:$0x3FAF]  }
0x2b: {  	s6 =	sld [smem:$0x3FB0]  }
0x2c: {  	s7 =	sld [smem:$0x3FB1]  }
0x2d: {  	s3 =	simm.s32 $0x108;
	s8 =	sld [smem:$0x3FB2]  }
0x2e: {  	s3 =	simm.s32 @!p0 $0x1082;
	s9 =	sld [smem:$0x3FB3]  }
0x2f: {  	lr =	sadd.s32 s0, s3;
	s0 =	sld [smem:$0x3FAA]  }
0x30: {  	s3 =	sld [smem:$0x3FAD]  }
0x31: {  	[smem:$0x3FB6] =	sst s10  }
0x32: {  	s10 =	sld [smem:$0x3FB4];
	_ =	sdelay $0x3  }
0x33: {  	p0 =	seq.s32 s10, $0x1;
	s10 =	sld [smem:$0x3FB6];
	_ =	sdelay $0x3  }
0x34: {  	[smem:$0x3FB6] =	sst s10  }
0x35: {  	s10 =	sld [smem:$0x3FB5];
	_ =	sdelay $0x3  }
0x36: {  	p1 =	seq.s32 s10, $0x1;
	s10 =	sld [smem:$0x3FB6];
	_ =	sdelay $0x3  }
0x37: {  	[smem:$0x3FB6] =	sst s10  }
0x38: {  	s10 =	sld [smem:$0x3FB7]  }
0x39: {  	_ = 	snop;
	(pc) =	sbr.ind lr, $3  }
0x3a: {  	_ = 	snop  }
0x3b: {  	_ = 	snop  }
0x3c: {  	p2 =	seq.s32 s10, $0x1;
	s10 =	sld [smem:$0x3FB6]  }
0x3d: {  	_ =	shalt  }
0x3e: {  	_ =	shalt  }
0x3f: {  	_ =	shalt  }
0x40: {  	_ =	shalt  }
0x41: {  	_ =	shalt  }
0x42: {  	_ =	shalt  }
0x43: {  	_ =	shalt  }
0x44: {  	_ =	shalt  }
0x45: {  	_ =	shalt  }
0x46: {  	_ =	shalt  }
0x47: {  	_ =	shalt  }
0x48: {  	_ =	shalt  }
0x49: {  	_ =	shalt  }
0x4a: {  	_ =	shalt  }
0x4b: {  	_ =	shalt  }
0x4c: {  	_ =	shalt  }
0x4d: {  	_ =	shalt  }
0x4e: {  	_ =	shalt  }
0x4f: {  	_ =	shalt  }
0x50: {  	_ =	shalt  }
0x51: {  	_ =	shalt  }
0x52: {  	_ =	shalt  }
0x53: {  	_ =	shalt  }
0x54: {  	_ =	shalt  }
0x55: {  	_ =	shalt  }
0x56: {  	_ =	shalt  }
0x57: {  	_ =	shalt  }
0x58: {  	_ =	shalt  }
0x59: {  	_ =	shalt  }
0x5a: {  	_ =	shalt  }
0x5b: {  	_ =	shalt  }
0x5c: {  	_ =	shalt  }
0x5d: {  	_ =	shalt  }
0x5e: {  	_ =	shalt  }
0x5f: {  	_ =	shalt  }
0x60: {  	_ =	shalt  }
0x61: {  	_ =	shalt  }
0x62: {  	_ =	shalt  }
0x63: {  	_ =	shalt  }
0x64: {  	_ =	shalt  }
0x65: {  	_ =	shalt  }
0x66: {  	_ =	shalt  }
0x67: {  	_ =	shalt  }
0x68: {  	_ =	shalt  }
0x69: {  	_ =	shalt  }
0x6a: {  	_ =	shalt  }
0x6b: {  	_ =	shalt  }
0x6c: {  	_ =	shalt  }
0x6d: {  	_ =	shalt  }
0x6e: {  	_ =	shalt  }
0x6f: {  	_ =	shalt  }
0x70: {  	_ =	shalt  }
0x71: {  	_ =	shalt  }
0x72: {  	_ =	shalt  }
0x73: {  	_ =	shalt  }
0x74: {  	_ =	shalt  }
0x75: {  	_ =	shalt  }
0x76: {  	_ =	shalt  }
0x77: {  	_ =	shalt  }
0x78: {  	_ =	shalt  }
0x79: {  	_ =	shalt  }
0x7a: {  	_ =	shalt  }
0x7b: {  	_ =	shalt  }
0x7c: {  	_ =	shalt  }
0x7d: {  	_ =	shalt  }
0x7e: {  	_ =	shalt  }
0x7f: {  	_ =	shalt  }
0x80: {  	_ =	shalt  }
0x81: {  	_ =	shalt  }
0x82: {  	_ =	shalt  }
0x83: {  	_ =	shalt  }
0x84: {  	_ =	shalt  }
0x85: {  	_ =	shalt  }
0x86: {  	_ =	shalt  }
0x87: {  	_ =	shalt  }
.Lfunc_end0:
.L_simem_size_0:
called_computation_lowered:
.L_overlay_start_0:
0x88: {  	s2 =	sld [smem:$0x3FD9]  }
0x89: {  	s3 =	sld [smem:$0x3FFE];
	_ =	sdelay $0x1  }
0x8a: {  	s1 =	srdreg.scid  }
0x8b: {  	s0 =	sand.u32 $0x1, s1  }
0x8c: {  	s16 =	sshll.u32 s0, $0xA;
	s2 =	sadd.s32 s3, s2  }
0x8d: {  	s2 =	sadd.s32 s2, s16  }
0x8e: {  	[smem:$0x3FC2] =	sst s2  }
0x8f: {  	_ = 	snop  }
0x90: {  	(tm) =	ssettm $0x1  }
0x91: {  	s17 =	sld [smem:$0x3FFB];
	_ =	sdelay $0x3  }
0x92: {  	_ =	strace s17  }
0x93: {  	s2 =	sld [smem:$0x3FFC];
	_ =	sdelay $0x3  }
0x94: {  	_ =	strace s2  }
0x95: {  	s2 =	sld [smem:$0x3FFD];
	_ =	sdelay $0x3  }
0x96: {  	_ =	strace s2  }
0x97: {  	_ =	strace $0x8FFFFFFF  }
0x98: {  	s18 =	sld [smem:$0x3FDB];
	_ =	sdelay $0x1  }
0x99: {  	s19 =	simm.s32 $_scs_section_size  }
0x9a: {  	s4 =	simm.s32 $_size__tile_overlayer_lowered;
	s5 =	simm.s32 $_tile_overlayer_lowered  }
0x9b: {  	s22 =	simm.s32 $0x1BFF;
	s21 =	sshll.u32 s5, $0x1;
	s2 =	sadd.s32 s19, s18  }
0x9c: {  	s6 =	simm.s32 $0x0;
	s20 =	sshll.u32 s4, $0x1;
	s4 =	sadd.s32 s21, s2  }
0x9d: {  	[timem:s6], [sflag:s22] =	dma.local [hbm:s4], s20  }
0x9e: {  	_ =	swait.ge [sflag:s22], s20  }
0x9f: {  	s3 =	ssub.s32 $0x0, s20;
	[sflag:s22] =	ssyncset.done $0x0  }
0xa0: {  	[sflag:s22] =	ssyncadd.s32 s3;
	_ =	sdelay $0x1  }
0xa1: {  	s23 =	simm.s32 $0x1B8B  }
0xa2: {  	_ =	swait.ge [sflag:s23], $0x1  }
0xa3: {  	[sflag:s23] =	ssyncset.done $0x0  }
0xa4: {  	s25 =	simm.s32 $0x1B8E;
	s24 =	sld [smem:$0x3FFE];
	[sflag:s23] =	ssyncadd.s32 $0xFFFFFFFF  }
0xa5: {  	s26 =	simm.s32 $execute0_lowered;
	[smem:$0x3FD2] =	sst s25  }
0xa6: {  	s4 =	sshll.u32 s26, $0x1;
	_ =	strace $0x80000046;
	[dreg:$0x1] =	wrdreg $0xFFFFFFFF  }
0xa7: {  	s28 =	simm.s32 $_size_execute0_lowered;
	s2 =	sadd.s32 s2, s4;
	[dreg:$0x0] =	wrdreg $0x0  }
0xa8: {  	s4 =	sshll.u32 s28, $0x1;
	[dreg:$0x2] =	wrdreg s2  }
0xa9: {  	[dreg:$0x3] =	wrdreg s4  }
0xaa: {  	[dreg:$0x4] =	wrdreg $0xC0  }
0xab: {  	_ =	task [dreg:s6], $0x5FFFF  }
0xac: {  	[dreg:$0x1] =	wrdreg $0xFFFFFFFF  }
0xad: {  	[dreg:$0x0] =	wrdreg $0x60  }
0xae: {  	[dreg:$0x2] =	wrdreg s24  }
0xaf: {  	[dreg:$0x3] =	wrdreg $0x2B000  }
0xb0: {  	[dreg:$0x4] =	wrdreg $0x9  }
0xb1: {  	_ =	task.clear_ibuf [dreg:s6], $0x5FFFF;
	_ =	strace $0x90000046  }
0xb2: {  	s29 =	simm.s32 $0x9;
	_ =	strace $0x80000048  }
0xb3: {  	_ =	swait.ge [sflag:s29], $0x1  }
0xb4: {  	[sflag:s29] =	ssyncadd.s32 $0xFFFFFFFF  }
0xb5: {  	_ =	strace $0x90000048  }
0xb6: {  	_ =	sfence  }
0xb7: {  	s30 =	sld [smem:$0x0];
	_ =	sdelay $0x2  }
0xb8: {  	s31 =	sshll.u32 s1, $0xD;
	s1 =	sshrl.u32 s1, $0x2  }
0xb9: {  	s3 =	sand.u32 $0x4000, s31;
	s1 =	sadd.s32 s1, s30  }
0xba: {  	s0 =	sor.u32 s3, s0;
	s1 =	sshll.u32 s1, $0x11  }
0xbb: {  	s0 =	sor.u32 s1, s0  }
0xbc: {  	s0 =	sadd.s32 $0x8F2B, s0  }
0xbd: {  	[sflag:s0] =	ssyncadd.remote.s32 $0x1  }
0xbe: {  	_ =	sfence.sel $0xFFFF  }
0xbf: {  	[dreg:$0x0] =	wrdreg $0xFFFFFFFF;
	(pc) =	sbr.abs _section_cstart, $3  }
0xc0: {  	[dreg:$0x1] =	wrdreg $0xFFFFFFFF  }
0xc1: {  	_ =	task.clear_ibuf [dreg:s6], $0x2FFFF;
	_ =	strace $0x9FFFFFFF  }
0xc2: {  	(tm) =	ssettm $0x7FFFFFFF  }
0xc3: {  	_ =	shalt  }
tec
execute0_lowered:
.L_overlay_start_1:
0x0: {  	(tag) =	ssettag $0x1  }
0x1: {  	s4 =	rddreg [dreg:$0x0];
	s0 =	srdreg.scid  }
0x2: {  	s2 =	rddreg [dreg:$0x1];
	s1 =	stileid.u32  }
0x3: {  	s3 =	simm.s32 $0x0;
	s10 =	simm.s32 $0x7D;
	s11 =	simm.s32 $0x2800  }
0x4: {  	s14 =	simm.s32 $0x20;
	s15 =	simm.s32 $0x10;
	s16 =	simm.s32 $0x0  }
0x5: {  	s5 =	sand.u32 $0x1, s0;
	s0 =	rddreg [dreg:$0x2];
	s7 =	smul.u32 $0x500, s1  }
0x6: {  	[smem:$0x7FF] =	sst s3;
	s30 =	smul.u32 $0xA00, s1;
	s12 =	sshll.u32 s1, $0x6  }
0x7: {  	s6 =	sshll.u32 s5, $0x4;
	s8 =	sshll.u32 s5, $0x7;
	_ =	strace $0x80000047  }
0x8: {  	s5 =	ssub.s32 $0x2, s5;
	s12 =	sor.u32 $0x1C01, s12;
	s6 =	sor.u32 s1, s6  }
0x9: {  	s7 =	sor.u32 s8, s7;
	s31 =	sshrl.u32 s5, $0x1;
	s6 =	smul.u32 $0x500, s6  }
0xa: {  	s8 =	sshrl.u32 s30, $0x2;
	s7 =	sshrl.u32 s7, $0x3;
	s9 =	ssub.s32 s5, s31  }
0xb: {  	s7 =	sadd.s32 s7, s4;
	s6 =	sadd.s32 s6, s4;
	s4 =	sadd.s32 s8, s2  }
0xc: {  	s8 =	simm.s32 $0x2880;
	s5 =	sadd.s32 $0x1E00, s6;
	s6 =	sadd.s32 $0xBE00, s7  }
0xd: {  	v0 =	vimm.f32 $1.000000000e+00;
	v1 =	vimm.f32 $0.0e+00;
	s7 =	smax.u32 s9, $0x1;
	s9 =	simm.s32 $0x1;
	s13 =	sshrl.u32 s4, $0x3  }
.LBB2_1:
0xe: {  	[tilespmem:$0x2800] =	vst v0  }
0xf: {  	[tilespmem:$0x2810] =	vst v0  }
0x10: {  	[tilespmem:$0x2820] =	vst v0  }
0x11: {  	[tilespmem:$0x2830] =	vst v0  }
0x12: {  	[tilespmem:$0x2840] =	vst v0  }
0x13: {  	[tilespmem:$0x2850] =	vst v0  }
0x14: {  	[tilespmem:$0x2860] =	vst v0  }
0x15: {  	[tilespmem:$0x2870] =	vst v0  }
0x16: {  	[tilespmem:$0x2880] =	vst v1  }
0x17: {  	[tilespmem:$0x2890] =	vst v1  }
0x18: {  	[tilespmem:$0x28A0] =	vst v1  }
0x19: {  	[tilespmem:$0x28B0] =	vst v1  }
0x1a: {  	[tilespmem:$0x28C0] =	vst v1  }
0x1b: {  	[tilespmem:$0x28D0] =	vst v1  }
0x1c: {  	[tilespmem:$0x28E0] =	vst v1  }
0x1d: {  	[tilespmem:$0x28F0] =	vst v1  }
0x1e: {  	[tilespmem:$0x2900] =	vst v1  }
0x1f: {  	[tilespmem:$0x2910] =	vst v1  }
0x20: {  	[tilespmem:$0x2920] =	vst v1  }
0x21: {  	[tilespmem:$0x2930] =	vst v1  }
0x22: {  	[tilespmem:$0x2940] =	vst v1  }
0x23: {  	[tilespmem:$0x2950] =	vst v1  }
0x24: {  	[tilespmem:$0x2960] =	vst v1  }
0x25: {  	[tilespmem:$0x2970] =	vst v1  }
0x26: {  	[tilespmem:$0x2980] =	vst v1  }
0x27: {  	[tilespmem:$0x2990] =	vst v1  }
0x28: {  	[tilespmem:$0x29A0] =	vst v1  }
0x29: {  	[tilespmem:$0x29B0] =	vst v1  }
0x2a: {  	[tilespmem:$0x29C0] =	vst v1  }
0x2b: {  	[tilespmem:$0x29D0] =	vst v1  }
0x2c: {  	[tilespmem:$0x29E0] =	vst v1  }
0x2d: {  	[tilespmem:$0x29F0] =	vst v1  }
0x2e: {  	[tilespmem:$0x2A00] =	vst v1  }
0x2f: {  	[tilespmem:$0x2A10] =	vst v1  }
0x30: {  	[tilespmem:$0x2A20] =	vst v1  }
0x31: {  	[tilespmem:$0x2A30] =	vst v1  }
0x32: {  	[tilespmem:$0x2A40] =	vst v1  }
0x33: {  	[tilespmem:$0x2A50] =	vst v1  }
0x34: {  	[tilespmem:$0x2A60] =	vst v1  }
0x35: {  	[tilespmem:$0x2A70] =	vst v1  }
0x36: {  	[tilespmem:$0x2A80] =	vst v1  }
0x37: {  	[tilespmem:$0x2A90] =	vst v1  }
0x38: {  	[tilespmem:$0x2AA0] =	vst v1  }
0x39: {  	[tilespmem:$0x2AB0] =	vst v1  }
0x3a: {  	[tilespmem:$0x2AC0] =	vst v1  }
0x3b: {  	[tilespmem:$0x2AD0] =	vst v1  }
0x3c: {  	[tilespmem:$0x2AE0] =	vst v1  }
0x3d: {  	[tilespmem:$0x2AF0] =	vst v1  }
0x3e: {  	[spmem:s4] =	stream.linear.scatter [tilespmem:s8], [sflag:$0x1], $0x280, $0x38;
	[tilespmem:$0x2D80] =	vst v63  }
0x3f: {  	_ =	swait.ge [sflag:s9], $0x280  }
0x40: {  	[sflag:s9] =	ssyncset.done $0x0  }
0x41: {  	[sflag:s9] =	ssyncadd.s32 $0xFFFFFD80  }
0x42: {  	[tilespmem:s3], [sflag:$0x1] =	stream.linear.gather [hbm4b:s5+s3], $0x2800, $0x38;
	[tilespmem:$0x2D80] =	vst v63  }
0x43: {  	_ =	swait.ge [sflag:s9], $0x2800  }
0x44: {  	[sflag:s9] =	ssyncset.done $0x0  }
0x45: {  	[sflag:s9] =	ssyncadd.s32 $0xFFFFD800  }
0x46: {  	s17 =	simm.s32 $0x0;
	[bflag:$0x0] =	sbarrier.arrive $0xFFFF  }
0x47: {  	[spmem:s2] =	stream.indirect.scatter.add.f32 [tilespmem:s11], [sflag:$0x1], $0x1, s17, s10, $0xb8;
	[tilespmem:$0x2D80] =	vst v63  }
0x48: {  	_ =	swait.ge [sflag:s9], $0x7D  }
0x49: {  	s17 =	simm.s32 $0x200;
	[sflag:s9] =	ssyncset.done $0x0  }
.LBB2_2:
0x4a: {  	s18 =	sshra.s32 s17, $0x2;
	[sflag:s9] =	ssyncadd.s32 $0xFFFFFF83;
	p0 =	sne.s32 s17, $0x9E00  }
0x4b: {  	[spmem:s2] =	stream.indirect.scatter.add.f32 [tilespmem:s11], [sflag:$0x1], $0x1, s18, s10, $0xb8;
	[tilespmem:$0x2D80] =	vst v63  }
.Ltmp0:
0x4c: {  	_ = 	snop;
	(pc) =	sbr.rel @p0 .LBB2_2-.Ltmp0, $4  }
0x4d: {  	_ = 	snop  }
0x4e: {  	s17 =	sadd.s32 $0x200, s17  }
0x4f: {  	_ =	swait.ge [sflag:s9], $0x7D  }
0x50: {  	[sflag:s9] =	ssyncset.done $0x0  }
0x51: {  	s16 =	sadd.s32 $0x1, s16  }
0x52: {  	[sflag:s9] =	ssyncadd.s32 $0xFFFFFF83;
	p0 =	sne.s32 s16, s7  }
.Ltmp1:
0x53: {  	[bflag:$0x0] =	sbarrier.arrive $0xFFFF;
	(pc) =	sbr.rel @p0 .LBB2_1-.Ltmp1, $4  }
0x54: {  	[hbm:s6@s14], [sflag:s12] =	dma.strided [spmem:s13@s15], $0x50, s9, $0x10   }
0x55: {  	_ =	swait.ge [sflag:s9], $0x50  }
0x56: {  	[sflag:s9] =	ssyncset.done $0x0  }
0x57: {  	[sflag:s9] =	ssyncadd.s32 $0xFFFFFFB0  }
0x58: {  	_ =	sfence.sel $0x180000  }
0x59: {  	[bflag:$0x0] =	sbarrier.arrive $0xFFFF  }
0x5a: {  	p0 =	sne.s32 s1, $0x0;
	_ =	strace $0x90000047  }
0x5b: {  	s0 =	sadd.s32 @!p0 $0x100000, s0;
	[bflag:$0x2] =	sbarrier.arrive $0xFFFF  }
0x5c: {  	[sflag:s0] =	ssyncadd.tile.s32 @!p0 $0x1;
	_ =	shalt  }
.Lfunc_end2:
_tile_overlayer_lowered:
.L_overlay_start_2:
0x5d: {  	(tag) =	ssettag $0x2  }
0x5e: {  	s0 =	rddreg [dreg:$0x0];
	s2 =	stileid.u32  }
0x5f: {  	s1 =	rddreg [dreg:$0x1];
	p0 =	sne.s32 s2, $0x0  }
0x60: {  	s3 =	rddreg [dreg:$0x2];
	[bflag:$0x3] =	sbarrier.arrive $0xFFFF;
	s2 =	simm.s32 @!p0 $0x1C01  }
0x61: {  	[timem:s3], [sflag:s2] =	dma.local @!p0 [hbm:s0], s1  }
0x62: {  	s0 =	simm.s32 @!p0 $0x1  }
0x63: {  	_ =	swait.ge @!p0 [sflag:s0], s1  }
0x64: {  	s1 =	ssub.s32 @!p0 $0x0, s1;
	[sflag:s0] =	ssyncset.done @!p0 $0x0  }
0x65: {  	[sflag:s0] =	ssyncadd.s32 @!p0 s1  }
0x66: {  	[bflag:$0x3] =	sbarrier.arrive $0xFFFF  }
0x67: {  	_ =	shalt  }

</sc_bundles>
